<compile_context>
chip_gen: v7x
topology: tpu7x:2x2x1
jax: 0.10.2.dev20260603
libtpu: 0.0.44.dev20260713+nightly
codegen_flags: <defaults>
</compile_context>

<pallas_src>
import functools

import jax
import jax.numpy as jnp
from jax import lax
from jax.experimental import pallas as pl
from jax.experimental.pallas import tpu as pltpu
from jax.experimental.pallas import tpu_sc as plsc

N = 10000
F = 128
H1 = 32
H2 = 16
E = 320000

NC, NS, LANES = 2, 16, 16
CHUNK = 128
CPW0 = 136
CPW1 = 24
CROWS = NS * (CPW0 + CPW1)
CROWS_AL = CROWS + (CPW0 - CPW1)
EPAD = CHUNK * CROWS_AL
NPAD = 10112
RPT = NPAD // NS
KBUF = 8


def _seg_sum_sc(feat, src2d, dst2d, nf):
    mesh = plsc.VectorSubcoreMesh(core_axis_name="c", subcore_axis_name="s")

    @functools.partial(
        pl.kernel,
        out_type=jax.ShapeDtypeStruct((NC, NPAD, nf), jnp.float32),
        mesh=mesh,
        compiler_params=pltpu.CompilerParams(use_tc_tiling_on_sc=False),
        scratch_types=(
            [pltpu.VMEM((CPW0, CHUNK), jnp.int32),
             pltpu.VMEM((CPW0, CHUNK), jnp.int32)]
            + [pltpu.VMEM((CHUNK, nf), jnp.float32)
               for _ in range(KBUF)]
            + [pltpu.VMEM((RPT, nf), jnp.float32),
               pltpu.VMEM_SHARED((NPAD, nf), jnp.float32),
               pltpu.SemaphoreType.DMA,
               pltpu.SemaphoreType.DMA]
        ),
    )
    def body(feat_hbm, src_hbm, dst_hbm, out_hbm, *scr):
        src_v, dst_v = scr[0], scr[1]
        bufs = scr[2:2 + KBUF]
        zb_v, acc_sh, gsem, ssem = scr[2 + KBUF:]
        c = lax.axis_index("c")
        s = lax.axis_index("s")
        cbase = jnp.where(c == 0, s * CPW0, NS * CPW0 + s * CPW1)
        ngroups = jnp.where(c == 0, CPW0 // KBUF, CPW1 // KBUF)

        def zrow(i, carry):
            for j in range(nf // LANES):
                zb_v[i, pl.ds(j * LANES, LANES)] = jnp.zeros((LANES,),
                                                             jnp.float32)
            return carry
        lax.fori_loop(0, RPT, zrow, 0)
        pltpu.sync_copy(zb_v, acc_sh.at[pl.ds(s * RPT, RPT)])
        plsc.subcore_barrier()

        pltpu.sync_copy(src_hbm.at[pl.ds(cbase, CPW0)], src_v)
        pltpu.sync_copy(dst_hbm.at[pl.ds(cbase, CPW0)], dst_v)

        def group(g, carry):
            base = g * KBUF
            gd = [pltpu.async_copy(feat_hbm.at[src_v.at[base + j]],
                                   bufs[j], gsem)
                  for j in range(KBUF)]
            for d in gd:
                d.wait()
            sd = [pltpu.async_copy(bufs[j], acc_sh.at[dst_v.at[base + j]],
                                   ssem, add=True)
                  for j in range(KBUF)]
            for d in sd:
                d.wait()
            return carry
        lax.fori_loop(0, ngroups, group, 0)

        plsc.subcore_barrier()
        pltpu.sync_copy(acc_sh.at[pl.ds(s * RPT, RPT)],
                        out_hbm.at[c, pl.ds(s * RPT, RPT)])

    return body(feat, src2d, dst2d)


def _mm1(x, W1):
    def body(x_ref, w_ref, o_ref):
        o_ref[...] = jnp.dot(x_ref[...], w_ref[...],
                             preferred_element_type=jnp.float32)
    return pl.pallas_call(
        body,
        grid=(10,),
        in_specs=[pl.BlockSpec((1000, F), lambda i: (i, 0)),
                  pl.BlockSpec((F, H1), lambda i: (0, 0))],
        out_specs=pl.BlockSpec((1000, H1), lambda i: (i, 0)),
        out_shape=jax.ShapeDtypeStruct((N, H1), jnp.float32),
    )(x, W1)


def _mm2(p, W2):
    def body(p_ref, w_ref, o_ref):
        h = jnp.maximum(p_ref[0] + p_ref[1], 0.0)
        o_ref[...] = jnp.dot(h, w_ref[...],
                             preferred_element_type=jnp.float32)
    return pl.pallas_call(
        body,
        grid=(10,),
        in_specs=[pl.BlockSpec((2, 1000, H1), lambda i: (0, i, 0)),
                  pl.BlockSpec((H1, H2), lambda i: (0, 0))],
        out_specs=pl.BlockSpec((1000, H2), lambda i: (i, 0)),
        out_shape=jax.ShapeDtypeStruct((N, H2), jnp.float32),
    )(p, W2)


def _combine(p):
    def body(p_ref, o_ref):
        o_ref[...] = p_ref[0] + p_ref[1]
    return pl.pallas_call(
        body,
        grid=(8,),
        in_specs=[pl.BlockSpec((2, 1264, H2), lambda i: (0, i, 0))],
        out_specs=pl.BlockSpec((1264, H2), lambda i: (i, 0)),
        out_shape=jax.ShapeDtypeStruct((NPAD, H2), jnp.float32),
    )(p)


def _decoder(z):
    BR, BC = 2048, 2048
    GR = (N + BR - 1) // BR
    GC = (N + BC - 1) // BC

    def body(zr_ref, zc_ref, o_ref):
        acc = lax.dot_general(zr_ref[...], zc_ref[...],
                              (((1,), (1,)), ((), ())),
                              preferred_element_type=jnp.float32)
        o_ref[...] = jnp.tanh(acc)

    return pl.pallas_call(
        body,
        grid=(GR, GC),
        in_specs=[pl.BlockSpec((BR, H2), lambda i, j: (i, 0)),
                  pl.BlockSpec((BC, H2), lambda i, j: (j, 0))],
        out_specs=pl.BlockSpec((BR, BC), lambda i, j: (i, j)),
        out_shape=jax.ShapeDtypeStruct((N, N), jnp.float32),
    )(z, z)


def kernel(x, edge_index, W1, W2):
    src = edge_index[0]
    dst = edge_index[1]
    pad = EPAD - E
    src_p = jnp.concatenate(
        [src, jnp.zeros((pad,), jnp.int32)]).reshape(CROWS_AL, CHUNK)
    dst_p = jnp.concatenate(
        [dst, jnp.full((pad,), N, jnp.int32)]).reshape(CROWS_AL, CHUNK)

    h0 = _mm1(x, W1)
    p1 = _seg_sum_sc(h0, src_p, dst_p, H1)
    z0 = _mm2(p1, W2)
    p2 = _seg_sum_sc(z0, src_p, dst_p, H2)
    z = _combine(p2)
    return _decoder(z)

# --- scband reference (transcript-rebuilt; emitter-appended) ---
"""Pipeline reference for scband-gcnmodel-ae-25675314495609 (READ-ONLY COPY).

The authoritative reference and input builder live on the scoring server;
editing this copy changes nothing except your own understanding.
"""

import jax, jax.numpy as jnp
import numpy as np

N = 10000
E = 320000
F = 128
H1 = 32
H2 = 16

def _glorot(key, shape):
    limit = np.sqrt(6.0 / (shape[0] + shape[1]))
    return jax.random.uniform(key, shape, dtype=jnp.float32, minval=-limit, maxval=limit)

def setup_inputs(seed: int = 0) -> dict:
    key = jax.random.key(seed)
    k1, k2, k3, k4 = jax.random.split(key, 4)
    x = jax.random.normal(k1, (N, F), dtype=jnp.float32)
    edge_index = jax.random.randint(k2, (2, E), 0, N, dtype=jnp.int32)
    W1 = _glorot(k3, (F, H1))
    W2 = _glorot(k4, (H1, H2))
    return {"x": x, "edge_index": edge_index, "W1": W1, "W2": W2}

def reference(x, edge_index, W1, W2):
    src = edge_index[0]
    dst = edge_index[1]
    # GraphConvolution layer 1: out = relu(A @ (x @ W1))  (dropout rate 0 at inference)
    h = x @ W1
    h = jax.ops.segment_sum(jnp.take(h, src, axis=0), dst, num_segments=N)
    h = jax.nn.relu(h)
    # GraphConvolution layer 2 (z_mean): out = A @ (h @ W2), identity activation
    z = h @ W2
    z = jax.ops.segment_sum(jnp.take(z, src, axis=0), dst, num_segments=N)
    # InnerProductDecoder with tanh activation
    reconstructions = jnp.tanh(z @ z.T)
    return reconstructions

if __name__ == "__main__":
    import jax
    _d = setup_inputs()
    print(jax.jit(kernel)(*tuple(_d.values())))

</pallas_src>

<mosaic_0001>
#map = affine_map<(d0, d1) -> (0, 0)>
#map1 = affine_map<(d0, d1) -> (0, 0, 0)>
module attributes {stable_mosaic.version = 14 : i64} {
  func.func @body(%arg0: i32, %arg1: i32, %arg2: memref<10000x32xf32, #tpu.memory_space<hbm>>, %arg3: memref<2672x128xi32, #tpu.memory_space<hbm>>, %arg4: memref<2672x128xi32, #tpu.memory_space<hbm>>, %arg5: memref<2x10112x32xf32, #tpu.memory_space<hbm>>, %arg6: memref<136x128xi32, #tpu.memory_space<vmem>>, %arg7: memref<136x128xi32, #tpu.memory_space<vmem>>, %arg8: memref<128x32xf32, #tpu.memory_space<vmem>>, %arg9: memref<128x32xf32, #tpu.memory_space<vmem>>, %arg10: memref<128x32xf32, #tpu.memory_space<vmem>>, %arg11: memref<128x32xf32, #tpu.memory_space<vmem>>, %arg12: memref<128x32xf32, #tpu.memory_space<vmem>>, %arg13: memref<128x32xf32, #tpu.memory_space<vmem>>, %arg14: memref<128x32xf32, #tpu.memory_space<vmem>>, %arg15: memref<128x32xf32, #tpu.memory_space<vmem>>, %arg16: memref<632x32xf32, #tpu.memory_space<vmem>>, %arg17: memref<10112x32xf32, #tpu.memory_space<vmem_shared>>, %arg18: memref<!tpu.dma_semaphore, #tpu.memory_space<semaphore_mem>>, %arg19: memref<!tpu.dma_semaphore, #tpu.memory_space<semaphore_mem>>) attributes {dimension_semantics = [#tpu.dimension_semantics<core_parallel>, #tpu.dimension_semantics<subcore_parallel>], iteration_bounds = array<i64: 2, 16>, scalar_prefetch = 0 : i64, scratch_operands = 14 : i64, tpu.core_type = #tpu.core_type<sc_vector_subcore>, window_params = [{transform_indices = #map}, {transform_indices = #map}, {transform_indices = #map}, {transform_indices = #map1}]} {
    %eq3A = arith.constant 0 : i32
    %eq3A_0 = arith.cmpi eq, %arg0, %eq3A : i32
    %mul3A = arith.constant 136 : i32
    %mul3A_1 = arith.muli %arg1, %mul3A : i32
    %mul3A_2 = arith.constant 24 : i32
    %mul3A_3 = arith.muli %arg1, %mul3A_2 : i32
    %add3A = arith.constant 2176 : i32
    %add3A_4 = arith.addi %add3A, %mul3A_3 : i32
    %select_n3A = arith.select %eq3A_0, %mul3A_1, %add3A_4 : i32
    %eq3A_5 = arith.constant 0 : i32
    %eq3A_6 = arith.cmpi eq, %arg0, %eq3A_5 : i32
    %jit3A = arith.constant 17 : i32
    %jit3A_7 = arith.constant 3 : i32
    %select_n3A_8 = arith.select %eq3A_6, %jit3A, %jit3A_7 : i32
    %scan3A = arith.constant 0 : i32
    %scan3A_9 = arith.constant 0 : i32
    %scan3A_10 = arith.constant 632 : i32
    %scan3A_11 = arith.addi %scan3A_9, %scan3A_10 : i32
    %scan3A_12 = arith.constant 1 : i32
    scf.for %scan3A_30 = %scan3A_9 to %scan3A_11 step %scan3A_12  : i32 {
      %broadcast_in_dim3A = arith.constant 0.000000e+00 : f32
      %broadcast_in_dim3A_31 = vector.broadcast %broadcast_in_dim3A : f32 to vector<16xf32>
      %swap3A = arith.index_cast %scan3A_30 : i32 to index
      %swap3A_32 = arith.constant 0 : index
      %swap3A_33 = tpu.vector_load %arg16[%swap3A, %swap3A_32] {strides = array<i32>} : memref<632x32xf32, #tpu.memory_space<vmem>>, vector<1x16xf32>,
      %swap3A_34 = vector.shape_cast %swap3A_33 : vector<1x16xf32> to vector<16xf32>
      %swap3A_35 = vector.shape_cast %broadcast_in_dim3A_31 : vector<16xf32> to vector<1x16xf32>
      tpu.vector_store %arg16[%swap3A, %swap3A_32], %swap3A_35 {strides = array<i32>} : memref<632x32xf32, #tpu.memory_space<vmem>>, vector<1x16xf32>,
      %broadcast_in_dim3A_36 = arith.constant 0.000000e+00 : f32
      %broadcast_in_dim3A_37 = vector.broadcast %broadcast_in_dim3A_36 : f32 to vector<16xf32>
      %swap3A_38 = arith.index_cast %scan3A_30 : i32 to index
      %swap3A_39 = arith.constant 16 : index
      %swap3A_40 = tpu.vector_load %arg16[%swap3A_38, %swap3A_39] {strides = array<i32>} : memref<632x32xf32, #tpu.memory_space<vmem>>, vector<1x16xf32>,
      %swap3A_41 = vector.shape_cast %swap3A_40 : vector<1x16xf32> to vector<16xf32>
      %swap3A_42 = vector.shape_cast %broadcast_in_dim3A_37 : vector<16xf32> to vector<1x16xf32>
      tpu.vector_store %arg16[%swap3A_38, %swap3A_39], %swap3A_42 {strides = array<i32>} : memref<632x32xf32, #tpu.memory_space<vmem>>, vector<1x16xf32>,
    }
    %scan3A_13 = arith.constant 632 : i32
    %mul3A_14 = arith.constant 632 : i32
    %mul3A_15 = arith.muli %arg1, %mul3A_14 : i32
    "tpu.region"() ({
      %run_scoped3A = tpu.sem_alloc : memref<!tpu.dma_semaphore, #tpu.memory_space<semaphore_mem>>
      %dma_start3A = arith.constant 0 : i32
      %dma_start3A_30 = tpu.memref_slice %arg17[%mul3A_15, %dma_start3A] : memref<10112x32xf32, #tpu.memory_space<vmem_shared>> -> memref<632x32xf32, #tpu.memory_space<vmem_shared>>
      %dma_start3A_31 = arith.constant 0 : i32
      %dma_start3A_32 = tpu.memref_slice %arg17[%mul3A_15, %dma_start3A_31] : memref<10112x32xf32, #tpu.memory_space<vmem_shared>> -> memref<632x32xf32, #tpu.memory_space<vmem_shared>>
      tpu.enqueue_dma source(%arg16 : memref<632x32xf32, #tpu.memory_space<vmem>>) target(%dma_start3A_32 : memref<632x32xf32, #tpu.memory_space<vmem_shared>>) target_semaphore(%run_scoped3A : memref<!tpu.dma_semaphore, #tpu.memory_space<semaphore_mem>>)
      %dma_wait3A = arith.constant 0 : i32
      %dma_wait3A_33 = tpu.memref_slice %arg17[%mul3A_15, %dma_wait3A] : memref<10112x32xf32, #tpu.memory_space<vmem_shared>> -> memref<632x32xf32, #tpu.memory_space<vmem_shared>>
      %dma_wait3A_34 = arith.constant 0 : i32
      %dma_wait3A_35 = tpu.memref_slice %arg17[%mul3A_15, %dma_wait3A_34] : memref<10112x32xf32, #tpu.memory_space<vmem_shared>> -> memref<632x32xf32, #tpu.memory_space<vmem_shared>>
      tpu.wait_dma2 semaphore(%run_scoped3A : memref<!tpu.dma_semaphore, #tpu.memory_space<semaphore_mem>>) src(%arg16 : memref<632x32xf32, #tpu.memory_space<vmem>>) dst(%dma_wait3A_35 : memref<632x32xf32, #tpu.memory_space<vmem_shared>>)
      tpu.yield
    }) : () -> ()
    %barrier3A = arith.constant 0 : index
    tpu.barrier barrier_id(%barrier3A)
    "tpu.region"() ({
      %run_scoped3A = tpu.sem_alloc : memref<!tpu.dma_semaphore, #tpu.memory_space<semaphore_mem>>
      %dma_start3A = arith.constant 0 : i32
      %dma_start3A_30 = tpu.memref_slice %arg3[%select_n3A, %dma_start3A] : memref<2672x128xi32, #tpu.memory_space<hbm>> -> memref<136x128xi32, #tpu.memory_space<hbm>>
      %dma_start3A_31 = arith.constant 0 : i32
      %dma_start3A_32 = tpu.memref_slice %arg3[%select_n3A, %dma_start3A_31] : memref<2672x128xi32, #tpu.memory_space<hbm>> -> memref<136x128xi32, #tpu.memory_space<hbm>>
      tpu.enqueue_dma source(%dma_start3A_32 : memref<136x128xi32, #tpu.memory_space<hbm>>) target(%arg6 : memref<136x128xi32, #tpu.memory_space<vmem>>) target_semaphore(%run_scoped3A : memref<!tpu.dma_semaphore, #tpu.memory_space<semaphore_mem>>)
      %dma_wait3A = arith.constant 0 : i32
      %dma_wait3A_33 = tpu.memref_slice %arg3[%select_n3A, %dma_wait3A] : memref<2672x128xi32, #tpu.memory_space<hbm>> -> memref<136x128xi32, #tpu.memory_space<hbm>>
      %dma_wait3A_34 = arith.constant 0 : i32
      %dma_wait3A_35 = tpu.memref_slice %arg3[%select_n3A, %dma_wait3A_34] : memref<2672x128xi32, #tpu.memory_space<hbm>> -> memref<136x128xi32, #tpu.memory_space<hbm>>
      tpu.wait_dma2 semaphore(%run_scoped3A : memref<!tpu.dma_semaphore, #tpu.memory_space<semaphore_mem>>) src(%dma_wait3A_35 : memref<136x128xi32, #tpu.memory_space<hbm>>) dst(%arg6 : memref<136x128xi32, #tpu.memory_space<vmem>>)
      tpu.yield
    }) : () -> ()
    "tpu.region"() ({
      %run_scoped3A = tpu.sem_alloc : memref<!tpu.dma_semaphore, #tpu.memory_space<semaphore_mem>>
      %dma_start3A = arith.constant 0 : i32
      %dma_start3A_30 = tpu.memref_slice %arg4[%select_n3A, %dma_start3A] : memref<2672x128xi32, #tpu.memory_space<hbm>> -> memref<136x128xi32, #tpu.memory_space<hbm>>
      %dma_start3A_31 = arith.constant 0 : i32
      %dma_start3A_32 = tpu.memref_slice %arg4[%select_n3A, %dma_start3A_31] : memref<2672x128xi32, #tpu.memory_space<hbm>> -> memref<136x128xi32, #tpu.memory_space<hbm>>
      tpu.enqueue_dma source(%dma_start3A_32 : memref<136x128xi32, #tpu.memory_space<hbm>>) target(%arg7 : memref<136x128xi32, #tpu.memory_space<vmem>>) target_semaphore(%run_scoped3A : memref<!tpu.dma_semaphore, #tpu.memory_space<semaphore_mem>>)
      %dma_wait3A = arith.constant 0 : i32
      %dma_wait3A_33 = tpu.memref_slice %arg4[%select_n3A, %dma_wait3A] : memref<2672x128xi32, #tpu.memory_space<hbm>> -> memref<136x128xi32, #tpu.memory_space<hbm>>
      %dma_wait3A_34 = arith.constant 0 : i32
      %dma_wait3A_35 = tpu.memref_slice %arg4[%select_n3A, %dma_wait3A_34] : memref<2672x128xi32, #tpu.memory_space<hbm>> -> memref<136x128xi32, #tpu.memory_space<hbm>>
      tpu.wait_dma2 semaphore(%run_scoped3A : memref<!tpu.dma_semaphore, #tpu.memory_space<semaphore_mem>>) src(%dma_wait3A_35 : memref<136x128xi32, #tpu.memory_space<hbm>>) dst(%arg7 : memref<136x128xi32, #tpu.memory_space<vmem>>)
      tpu.yield
    }) : () -> ()
    %while3A = arith.constant 0 : i32
    %while3A_16 = arith.constant 0 : i32
    %while3A_17 = arith.subi %select_n3A_8, %while3A_16 : i32
    %while3A_18 = arith.addi %while3A_16, %while3A_17 : i32
    %while3A_19 = arith.constant 1 : i32
    %while3A_20 = arith.divsi %while3A_17, %while3A_19 : i32
    %while3A_21 = arith.muli %while3A_20, %while3A_19 : i32
    %while3A_22 = arith.addi %while3A_16, %while3A_21 : i32
    %while3A_23 = arith.constant 1 : i32
    scf.for %while3A_30 = %while3A_16 to %while3A_22 step %while3A_23  : i32 {
      %mul3A_31 = arith.constant 8 : i32
      %mul3A_32 = arith.muli %while3A_30, %mul3A_31 : i32
      %add3A_33 = arith.constant 0 : i32
      %add3A_34 = arith.addi %mul3A_32, %add3A_33 : i32
      %dma_start3A = arith.constant 0 : i32
      %dma_start3A_35 = tpu.memref_slice %arg6[%add3A_34, %dma_start3A] : memref<136x128xi32, #tpu.memory_space<vmem>> -> memref<1x128xi32, #tpu.memory_space<vmem>>
      %dma_start3A_36 = tpu.memref_squeeze %dma_start3A_35 : memref<1x128xi32, #tpu.memory_space<vmem>> -> memref<128xi32, #tpu.memory_space<vmem>>
      %dma_start3A_37 = arith.constant 0 : i32
      %dma_start3A_38 = arith.constant 0 : i32
      %dma_start3A_39 = tpu.memref_slice %arg2[%dma_start3A_37, %dma_start3A_38] : memref<10000x32xf32, #tpu.memory_space<hbm>> -> memref<10000x32xf32, #tpu.memory_space<hbm>>
      tpu.enqueue_indirect_dma source(%dma_start3A_39 : memref<10000x32xf32, #tpu.memory_space<hbm>>) target(%arg8 : memref<128x32xf32, #tpu.memory_space<vmem>>) offsets(%dma_start3A_36 : memref<128xi32, #tpu.memory_space<vmem>>) semaphore(%arg18 : memref<!tpu.dma_semaphore, #tpu.memory_space<semaphore_mem>>)
      %add3A_40 = arith.constant 1 : i32
      %add3A_41 = arith.addi %mul3A_32, %add3A_40 : i32
      %dma_start3A_42 = arith.constant 0 : i32
      %dma_start3A_43 = tpu.memref_slice %arg6[%add3A_41, %dma_start3A_42] : memref<136x128xi32, #tpu.memory_space<vmem>> -> memref<1x128xi32, #tpu.memory_space<vmem>>
      %dma_start3A_44 = tpu.memref_squeeze %dma_start3A_43 : memref<1x128xi32, #tpu.memory_space<vmem>> -> memref<128xi32, #tpu.memory_space<vmem>>
      %dma_start3A_45 = arith.constant 0 : i32
      %dma_start3A_46 = arith.constant 0 : i32
      %dma_start3A_47 = tpu.memref_slice %arg2[%dma_start3A_45, %dma_start3A_46] : memref<10000x32xf32, #tpu.memory_space<hbm>> -> memref<10000x32xf32, #tpu.memory_space<hbm>>
      tpu.enqueue_indirect_dma source(%dma_start3A_47 : memref<10000x32xf32, #tpu.memory_space<hbm>>) target(%arg9 : memref<128x32xf32, #tpu.memory_space<vmem>>) offsets(%dma_start3A_44 : memref<128xi32, #tpu.memory_space<vmem>>) semaphore(%arg18 : memref<!tpu.dma_semaphore, #tpu.memory_space<semaphore_mem>>)
      %add3A_48 = arith.constant 2 : i32
      %add3A_49 = arith.addi %mul3A_32, %add3A_48 : i32
      %dma_start3A_50 = arith.constant 0 : i32
      %dma_start3A_51 = tpu.memref_slice %arg6[%add3A_49, %dma_start3A_50] : memref<136x128xi32, #tpu.memory_space<vmem>> -> memref<1x128xi32, #tpu.memory_space<vmem>>
      %dma_start3A_52 = tpu.memref_squeeze %dma_start3A_51 : memref<1x128xi32, #tpu.memory_space<vmem>> -> memref<128xi32, #tpu.memory_space<vmem>>
      %dma_start3A_53 = arith.constant 0 : i32
      %dma_start3A_54 = arith.constant 0 : i32
      %dma_start3A_55 = tpu.memref_slice %arg2[%dma_start3A_53, %dma_start3A_54] : memref<10000x32xf32, #tpu.memory_space<hbm>> -> memref<10000x32xf32, #tpu.memory_space<hbm>>
      tpu.enqueue_indirect_dma source(%dma_start3A_55 : memref<10000x32xf32, #tpu.memory_space<hbm>>) target(%arg10 : memref<128x32xf32, #tpu.memory_space<vmem>>) offsets(%dma_start3A_52 : memref<128xi32, #tpu.memory_space<vmem>>) semaphore(%arg18 : memref<!tpu.dma_semaphore, #tpu.memory_space<semaphore_mem>>)
      %add3A_56 = arith.constant 3 : i32
      %add3A_57 = arith.addi %mul3A_32, %add3A_56 : i32
      %dma_start3A_58 = arith.constant 0 : i32
      %dma_start3A_59 = tpu.memref_slice %arg6[%add3A_57, %dma_start3A_58] : memref<136x128xi32, #tpu.memory_space<vmem>> -> memref<1x128xi32, #tpu.memory_space<vmem>>
      %dma_start3A_60 = tpu.memref_squeeze %dma_start3A_59 : memref<1x128xi32, #tpu.memory_space<vmem>> -> memref<128xi32, #tpu.memory_space<vmem>>
      %dma_start3A_61 = arith.constant 0 : i32
      %dma_start3A_62 = arith.constant 0 : i32
      %dma_start3A_63 = tpu.memref_slice %arg2[%dma_start3A_61, %dma_start3A_62] : memref<10000x32xf32, #tpu.memory_space<hbm>> -> memref<10000x32xf32, #tpu.memory_space<hbm>>
      tpu.enqueue_indirect_dma source(%dma_start3A_63 : memref<10000x32xf32, #tpu.memory_space<hbm>>) target(%arg11 : memref<128x32xf32, #tpu.memory_space<vmem>>) offsets(%dma_start3A_60 : memref<128xi32, #tpu.memory_space<vmem>>) semaphore(%arg18 : memref<!tpu.dma_semaphore, #tpu.memory_space<semaphore_mem>>)
      %add3A_64 = arith.constant 4 : i32
      %add3A_65 = arith.addi %mul3A_32, %add3A_64 : i32
      %dma_start3A_66 = arith.constant 0 : i32
      %dma_start3A_67 = tpu.memref_slice %arg6[%add3A_65, %dma_start3A_66] : memref<136x128xi32, #tpu.memory_space<vmem>> -> memref<1x128xi32, #tpu.memory_space<vmem>>
      %dma_start3A_68 = tpu.memref_squeeze %dma_start3A_67 : memref<1x128xi32, #tpu.memory_space<vmem>> -> memref<128xi32, #tpu.memory_space<vmem>>
      %dma_start3A_69 = arith.constant 0 : i32
      %dma_start3A_70 = arith.constant 0 : i32
      %dma_start3A_71 = tpu.memref_slice %arg2[%dma_start3A_69, %dma_start3A_70] : memref<10000x32xf32, #tpu.memory_space<hbm>> -> memref<10000x32xf32, #tpu.memory_space<hbm>>
      tpu.enqueue_indirect_dma source(%dma_start3A_71 : memref<10000x32xf32, #tpu.memory_space<hbm>>) target(%arg12 : memref<128x32xf32, #tpu.memory_space<vmem>>) offsets(%dma_start3A_68 : memref<128xi32, #tpu.memory_space<vmem>>) semaphore(%arg18 : memref<!tpu.dma_semaphore, #tpu.memory_space<semaphore_mem>>)
      %add3A_72 = arith.constant 5 : i32
      %add3A_73 = arith.addi %mul3A_32, %add3A_72 : i32
      %dma_start3A_74 = arith.constant 0 : i32
      %dma_start3A_75 = tpu.memref_slice %arg6[%add3A_73, %dma_start3A_74] : memref<136x128xi32, #tpu.memory_space<vmem>> -> memref<1x128xi32, #tpu.memory_space<vmem>>
      %dma_start3A_76 = tpu.memref_squeeze %dma_start3A_75 : memref<1x128xi32, #tpu.memory_space<vmem>> -> memref<128xi32, #tpu.memory_space<vmem>>
      %dma_start3A_77 = arith.constant 0 : i32
      %dma_start3A_78 = arith.constant 0 : i32
      %dma_start3A_79 = tpu.memref_slice %arg2[%dma_start3A_77, %dma_start3A_78] : memref<10000x32xf32, #tpu.memory_space<hbm>> -> memref<10000x32xf32, #tpu.memory_space<hbm>>
      tpu.enqueue_indirect_dma source(%dma_start3A_79 : memref<10000x32xf32, #tpu.memory_space<hbm>>) target(%arg13 : memref<128x32xf32, #tpu.memory_space<vmem>>) offsets(%dma_start3A_76 : memref<128xi32, #tpu.memory_space<vmem>>) semaphore(%arg18 : memref<!tpu.dma_semaphore, #tpu.memory_space<semaphore_mem>>)
      %add3A_80 = arith.constant 6 : i32
      %add3A_81 = arith.addi %mul3A_32, %add3A_80 : i32
      %dma_start3A_82 = arith.constant 0 : i32
      %dma_start3A_83 = tpu.memref_slice %arg6[%add3A_81, %dma_start3A_82] : memref<136x128xi32, #tpu.memory_space<vmem>> -> memref<1x128xi32, #tpu.memory_space<vmem>>
      %dma_start3A_84 = tpu.memref_squeeze %dma_start3A_83 : memref<1x128xi32, #tpu.memory_space<vmem>> -> memref<128xi32, #tpu.memory_space<vmem>>
      %dma_start3A_85 = arith.constant 0 : i32
      %dma_start3A_86 = arith.constant 0 : i32
      %dma_start3A_87 = tpu.memref_slice %arg2[%dma_start3A_85, %dma_start3A_86] : memref<10000x32xf32, #tpu.memory_space<hbm>> -> memref<10000x32xf32, #tpu.memory_space<hbm>>
      tpu.enqueue_indirect_dma source(%dma_start3A_87 : memref<10000x32xf32, #tpu.memory_space<hbm>>) target(%arg14 : memref<128x32xf32, #tpu.memory_space<vmem>>) offsets(%dma_start3A_84 : memref<128xi32, #tpu.memory_space<vmem>>) semaphore(%arg18 : memref<!tpu.dma_semaphore, #tpu.memory_space<semaphore_mem>>)
      %add3A_88 = arith.constant 7 : i32
      %add3A_89 = arith.addi %mul3A_32, %add3A_88 : i32
      %dma_start3A_90 = arith.constant 0 : i32
      %dma_start3A_91 = tpu.memref_slice %arg6[%add3A_89, %dma_start3A_90] : memref<136x128xi32, #tpu.memory_space<vmem>> -> memref<1x128xi32, #tpu.memory_space<vmem>>
      %dma_start3A_92 = tpu.memref_squeeze %dma_start3A_91 : memref<1x128xi32, #tpu.memory_space<vmem>> -> memref<128xi32, #tpu.memory_space<vmem>>
      %dma_start3A_93 = arith.constant 0 : i32
      %dma_start3A_94 = arith.constant 0 : i32
      %dma_start3A_95 = tpu.memref_slice %arg2[%dma_start3A_93, %dma_start3A_94] : memref<10000x32xf32, #tpu.memory_space<hbm>> -> memref<10000x32xf32, #tpu.memory_space<hbm>>
      tpu.enqueue_indirect_dma source(%dma_start3A_95 : memref<10000x32xf32, #tpu.memory_space<hbm>>) target(%arg15 : memref<128x32xf32, #tpu.memory_space<vmem>>) offsets(%dma_start3A_92 : memref<128xi32, #tpu.memory_space<vmem>>) semaphore(%arg18 : memref<!tpu.dma_semaphore, #tpu.memory_space<semaphore_mem>>)
      %dma_wait3A = arith.constant 0 : i32
      %dma_wait3A_96 = tpu.memref_slice %arg6[%add3A_34, %dma_wait3A] : memref<136x128xi32, #tpu.memory_space<vmem>> -> memref<1x128xi32, #tpu.memory_space<vmem>>
      %dma_wait3A_97 = tpu.memref_squeeze %dma_wait3A_96 : memref<1x128xi32, #tpu.memory_space<vmem>> -> memref<128xi32, #tpu.memory_space<vmem>>
      %dma_wait3A_98 = arith.constant 0 : i32
      %dma_wait3A_99 = arith.constant 0 : i32
      %dma_wait3A_100 = tpu.memref_slice %arg2[%dma_wait3A_98, %dma_wait3A_99] : memref<10000x32xf32, #tpu.memory_space<hbm>> -> memref<10000x32xf32, #tpu.memory_space<hbm>>
      tpu.wait_indirect_dma semaphore(%arg18 : memref<!tpu.dma_semaphore, #tpu.memory_space<semaphore_mem>>) src(%dma_wait3A_100 : memref<10000x32xf32, #tpu.memory_space<hbm>>) dst(%arg8 : memref<128x32xf32, #tpu.memory_space<vmem>>)
      %dma_wait3A_101 = arith.constant 0 : i32
      %dma_wait3A_102 = tpu.memref_slice %arg6[%add3A_41, %dma_wait3A_101] : memref<136x128xi32, #tpu.memory_space<vmem>> -> memref<1x128xi32, #tpu.memory_space<vmem>>
      %dma_wait3A_103 = tpu.memref_squeeze %dma_wait3A_102 : memref<1x128xi32, #tpu.memory_space<vmem>> -> memref<128xi32, #tpu.memory_space<vmem>>
      %dma_wait3A_104 = arith.constant 0 : i32
      %dma_wait3A_105 = arith.constant 0 : i32
      %dma_wait3A_106 = tpu.memref_slice %arg2[%dma_wait3A_104, %dma_wait3A_105] : memref<10000x32xf32, #tpu.memory_space<hbm>> -> memref<10000x32xf32, #tpu.memory_space<hbm>>
      tpu.wait_indirect_dma semaphore(%arg18 : memref<!tpu.dma_semaphore, #tpu.memory_space<semaphore_mem>>) src(%dma_wait3A_106 : memref<10000x32xf32, #tpu.memory_space<hbm>>) dst(%arg9 : memref<128x32xf32, #tpu.memory_space<vmem>>)
      %dma_wait3A_107 = arith.constant 0 : i32
      %dma_wait3A_108 = tpu.memref_slice %arg6[%add3A_49, %dma_wait3A_107] : memref<136x128xi32, #tpu.memory_space<vmem>> -> memref<1x128xi32, #tpu.memory_space<vmem>>
      %dma_wait3A_109 = tpu.memref_squeeze %dma_wait3A_108 : memref<1x128xi32, #tpu.memory_space<vmem>> -> memref<128xi32, #tpu.memory_space<vmem>>
      %dma_wait3A_110 = arith.constant 0 : i32
      %dma_wait3A_111 = arith.constant 0 : i32
      %dma_wait3A_112 = tpu.memref_slice %arg2[%dma_wait3A_110, %dma_wait3A_111] : memref<10000x32xf32, #tpu.memory_space<hbm>> -> memref<10000x32xf32, #tpu.memory_space<hbm>>
      tpu.wait_indirect_dma semaphore(%arg18 : memref<!tpu.dma_semaphore, #tpu.memory_space<semaphore_mem>>) src(%dma_wait3A_112 : memref<10000x32xf32, #tpu.memory_space<hbm>>) dst(%arg10 : memref<128x32xf32, #tpu.memory_space<vmem>>)
      %dma_wait3A_113 = arith.constant 0 : i32
      %dma_wait3A_114 = tpu.memref_slice %arg6[%add3A_57, %dma_wait3A_113] : memref<136x128xi32, #tpu.memory_space<vmem>> -> memref<1x128xi32, #tpu.memory_space<vmem>>
      %dma_wait3A_115 = tpu.memref_squeeze %dma_wait3A_114 : memref<1x128xi32, #tpu.memory_space<vmem>> -> memref<128xi32, #tpu.memory_space<vmem>>
      %dma_wait3A_116 = arith.constant 0 : i32
      %dma_wait3A_117 = arith.constant 0 : i32
      %dma_wait3A_118 = tpu.memref_slice %arg2[%dma_wait3A_116, %dma_wait3A_117] : memref<10000x32xf32, #tpu.memory_space<hbm>> -> memref<10000x32xf32, #tpu.memory_space<hbm>>
      tpu.wait_indirect_dma semaphore(%arg18 : memref<!tpu.dma_semaphore, #tpu.memory_space<semaphore_mem>>) src(%dma_wait3A_118 : memref<10000x32xf32, #tpu.memory_space<hbm>>) dst(%arg11 : memref<128x32xf32, #tpu.memory_space<vmem>>)
      %dma_wait3A_119 = arith.constant 0 : i32
      %dma_wait3A_120 = tpu.memref_slice %arg6[%add3A_65, %dma_wait3A_119] : memref<136x128xi32, #tpu.memory_space<vmem>> -> memref<1x128xi32, #tpu.memory_space<vmem>>
      %dma_wait3A_121 = tpu.memref_squeeze %dma_wait3A_120 : memref<1x128xi32, #tpu.memory_space<vmem>> -> memref<128xi32, #tpu.memory_space<vmem>>
      %dma_wait3A_122 = arith.constant 0 : i32
      %dma_wait3A_123 = arith.constant 0 : i32
      %dma_wait3A_124 = tpu.memref_slice %arg2[%dma_wait3A_122, %dma_wait3A_123] : memref<10000x32xf32, #tpu.memory_space<hbm>> -> memref<10000x32xf32, #tpu.memory_space<hbm>>
      tpu.wait_indirect_dma semaphore(%arg18 : memref<!tpu.dma_semaphore, #tpu.memory_space<semaphore_mem>>) src(%dma_wait3A_124 : memref<10000x32xf32, #tpu.memory_space<hbm>>) dst(%arg12 : memref<128x32xf32, #tpu.memory_space<vmem>>)
      %dma_wait3A_125 = arith.constant 0 : i32
      %dma_wait3A_126 = tpu.memref_slice %arg6[%add3A_73, %dma_wait3A_125] : memref<136x128xi32, #tpu.memory_space<vmem>> -> memref<1x128xi32, #tpu.memory_space<vmem>>
      %dma_wait3A_127 = tpu.memref_squeeze %dma_wait3A_126 : memref<1x128xi32, #tpu.memory_space<vmem>> -> memref<128xi32, #tpu.memory_space<vmem>>
      %dma_wait3A_128 = arith.constant 0 : i32
      %dma_wait3A_129 = arith.constant 0 : i32
      %dma_wait3A_130 = tpu.memref_slice %arg2[%dma_wait3A_128, %dma_wait3A_129] : memref<10000x32xf32, #tpu.memory_space<hbm>> -> memref<10000x32xf32, #tpu.memory_space<hbm>>
      tpu.wait_indirect_dma semaphore(%arg18 : memref<!tpu.dma_semaphore, #tpu.memory_space<semaphore_mem>>) src(%dma_wait3A_130 : memref<10000x32xf32, #tpu.memory_space<hbm>>) dst(%arg13 : memref<128x32xf32, #tpu.memory_space<vmem>>)
      %dma_wait3A_131 = arith.constant 0 : i32
      %dma_wait3A_132 = tpu.memref_slice %arg6[%add3A_81, %dma_wait3A_131] : memref<136x128xi32, #tpu.memory_space<vmem>> -> memref<1x128xi32, #tpu.memory_space<vmem>>
      %dma_wait3A_133 = tpu.memref_squeeze %dma_wait3A_132 : memref<1x128xi32, #tpu.memory_space<vmem>> -> memref<128xi32, #tpu.memory_space<vmem>>
      %dma_wait3A_134 = arith.constant 0 : i32
      %dma_wait3A_135 = arith.constant 0 : i32
      %dma_wait3A_136 = tpu.memref_slice %arg2[%dma_wait3A_134, %dma_wait3A_135] : memref<10000x32xf32, #tpu.memory_space<hbm>> -> memref<10000x32xf32, #tpu.memory_space<hbm>>
      tpu.wait_indirect_dma semaphore(%arg18 : memref<!tpu.dma_semaphore, #tpu.memory_space<semaphore_mem>>) src(%dma_wait3A_136 : memref<10000x32xf32, #tpu.memory_space<hbm>>) dst(%arg14 : memref<128x32xf32, #tpu.memory_space<vmem>>)
      %dma_wait3A_137 = arith.constant 0 : i32
      %dma_wait3A_138 = tpu.memref_slice %arg6[%add3A_89, %dma_wait3A_137] : memref<136x128xi32, #tpu.memory_space<vmem>> -> memref<1x128xi32, #tpu.memory_space<vmem>>
      %dma_wait3A_139 = tpu.memref_squeeze %dma_wait3A_138 : memref<1x128xi32, #tpu.memory_space<vmem>> -> memref<128xi32, #tpu.memory_space<vmem>>
      %dma_wait3A_140 = arith.constant 0 : i32
      %dma_wait3A_141 = arith.constant 0 : i32
      %dma_wait3A_142 = tpu.memref_slice %arg2[%dma_wait3A_140, %dma_wait3A_141] : memref<10000x32xf32, #tpu.memory_space<hbm>> -> memref<10000x32xf32, #tpu.memory_space<hbm>>
      tpu.wait_indirect_dma semaphore(%arg18 : memref<!tpu.dma_semaphore, #tpu.memory_space<semaphore_mem>>) src(%dma_wait3A_142 : memref<10000x32xf32, #tpu.memory_space<hbm>>) dst(%arg15 : memref<128x32xf32, #tpu.memory_space<vmem>>)
      %add3A_143 = arith.constant 0 : i32
      %add3A_144 = arith.addi %mul3A_32, %add3A_143 : i32
      %dma_start3A_145 = arith.constant 0 : i32
      %dma_start3A_146 = tpu.memref_slice %arg7[%add3A_144, %dma_start3A_145] : memref<136x128xi32, #tpu.memory_space<vmem>> -> memref<1x128xi32, #tpu.memory_space<vmem>>
      %dma_start3A_147 = tpu.memref_squeeze %dma_start3A_146 : memref<1x128xi32, #tpu.memory_space<vmem>> -> memref<128xi32, #tpu.memory_space<vmem>>
      %dma_start3A_148 = arith.constant 0 : i32
      %dma_start3A_149 = arith.constant 0 : i32
      %dma_start3A_150 = tpu.memref_slice %arg17[%dma_start3A_148, %dma_start3A_149] : memref<10112x32xf32, #tpu.memory_space<vmem_shared>> -> memref<10112x32xf32, #tpu.memory_space<vmem_shared>>
      tpu.enqueue_indirect_dma source(%arg8 : memref<128x32xf32, #tpu.memory_space<vmem>>) target(%dma_start3A_150 : memref<10112x32xf32, #tpu.memory_space<vmem_shared>>) offsets(%dma_start3A_147 : memref<128xi32, #tpu.memory_space<vmem>>) semaphore(%arg19 : memref<!tpu.dma_semaphore, #tpu.memory_space<semaphore_mem>>) {add = true}
      %add3A_151 = arith.constant 1 : i32
      %add3A_152 = arith.addi %mul3A_32, %add3A_151 : i32
      %dma_start3A_153 = arith.constant 0 : i32
      %dma_start3A_154 = tpu.memref_slice %arg7[%add3A_152, %dma_start3A_153] : memref<136x128xi32, #tpu.memory_space<vmem>> -> memref<1x128xi32, #tpu.memory_space<vmem>>
      %dma_start3A_155 = tpu.memref_squeeze %dma_start3A_154 : memref<1x128xi32, #tpu.memory_space<vmem>> -> memref<128xi32, #tpu.memory_space<vmem>>
      %dma_start3A_156 = arith.constant 0 : i32
      %dma_start3A_157 = arith.constant 0 : i32
      %dma_start3A_158 = tpu.memref_slice %arg17[%dma_start3A_156, %dma_start3A_157] : memref<10112x32xf32, #tpu.memory_space<vmem_shared>> -> memref<10112x32xf32, #tpu.memory_space<vmem_shared>>
      tpu.enqueue_indirect_dma source(%arg9 : memref<128x32xf32, #tpu.memory_space<vmem>>) target(%dma_start3A_158 : memref<10112x32xf32, #tpu.memory_space<vmem_shared>>) offsets(%dma_start3A_155 : memref<128xi32, #tpu.memory_space<vmem>>) semaphore(%arg19 : memref<!tpu.dma_semaphore, #tpu.memory_space<semaphore_mem>>) {add = true}
      %add3A_159 = arith.constant 2 : i32
      %add3A_160 = arith.addi %mul3A_32, %add3A_159 : i32
      %dma_start3A_161 = arith.constant 0 : i32
      %dma_start3A_162 = tpu.memref_slice %arg7[%add3A_160, %dma_start3A_161] : memref<136x128xi32, #tpu.memory_space<vmem>> -> memref<1x128xi32, #tpu.memory_space<vmem>>
      %dma_start3A_163 = tpu.memref_squeeze %dma_start3A_162 : memref<1x128xi32, #tpu.memory_space<vmem>> -> memref<128xi32, #tpu.memory_space<vmem>>
      %dma_start3A_164 = arith.constant 0 : i32
      %dma_start3A_165 = arith.constant 0 : i32
      %dma_start3A_166 = tpu.memref_slice %arg17[%dma_start3A_164, %dma_start3A_165] : memref<10112x32xf32, #tpu.memory_space<vmem_shared>> -> memref<10112x32xf32, #tpu.memory_space<vmem_shared>>
      tpu.enqueue_indirect_dma source(%arg10 : memref<128x32xf32, #tpu.memory_space<vmem>>) target(%dma_start3A_166 : memref<10112x32xf32, #tpu.memory_space<vmem_shared>>) offsets(%dma_start3A_163 : memref<128xi32, #tpu.memory_space<vmem>>) semaphore(%arg19 : memref<!tpu.dma_semaphore, #tpu.memory_space<semaphore_mem>>) {add = true}
      %add3A_167 = arith.constant 3 : i32
      %add3A_168 = arith.addi %mul3A_32, %add3A_167 : i32
      %dma_start3A_169 = arith.constant 0 : i32
      %dma_start3A_170 = tpu.memref_slice %arg7[%add3A_168, %dma_start3A_169] : memref<136x128xi32, #tpu.memory_space<vmem>> -> memref<1x128xi32, #tpu.memory_space<vmem>>
      %dma_start3A_171 = tpu.memref_squeeze %dma_start3A_170 : memref<1x128xi32, #tpu.memory_space<vmem>> -> memref<128xi32, #tpu.memory_space<vmem>>
      %dma_start3A_172 = arith.constant 0 : i32
      %dma_start3A_173 = arith.constant 0 : i32
      %dma_start3A_174 = tpu.memref_slice %arg17[%dma_start3A_172, %dma_start3A_173] : memref<10112x32xf32, #tpu.memory_space<vmem_shared>> -> memref<10112x32xf32, #tpu.memory_space<vmem_shared>>
      tpu.enqueue_indirect_dma source(%arg11 : memref<128x32xf32, #tpu.memory_space<vmem>>) target(%dma_start3A_174 : memref<10112x32xf32, #tpu.memory_space<vmem_shared>>) offsets(%dma_start3A_171 : memref<128xi32, #tpu.memory_space<vmem>>) semaphore(%arg19 : memref<!tpu.dma_semaphore, #tpu.memory_space<semaphore_mem>>) {add = true}
      %add3A_175 = arith.constant 4 : i32
      %add3A_176 = arith.addi %mul3A_32, %add3A_175 : i32
      %dma_start3A_177 = arith.constant 0 : i32
      %dma_start3A_178 = tpu.memref_slice %arg7[%add3A_176, %dma_start3A_177] : memref<136x128xi32, #tpu.memory_space<vmem>> -> memref<1x128xi32, #tpu.memory_space<vmem>>
      %dma_start3A_179 = tpu.memref_squeeze %dma_start3A_178 : memref<1x128xi32, #tpu.memory_space<vmem>> -> memref<128xi32, #tpu.memory_space<vmem>>
      %dma_start3A_180 = arith.constant 0 : i32
      %dma_start3A_181 = arith.constant 0 : i32
      %dma_start3A_182 = tpu.memref_slice %arg17[%dma_start3A_180, %dma_start3A_181] : memref<10112x32xf32, #tpu.memory_space<vmem_shared>> -> memref<10112x32xf32, #tpu.memory_space<vmem_shared>>
      tpu.enqueue_indirect_dma source(%arg12 : memref<128x32xf32, #tpu.memory_space<vmem>>) target(%dma_start3A_182 : memref<10112x32xf32, #tpu.memory_space<vmem_shared>>) offsets(%dma_start3A_179 : memref<128xi32, #tpu.memory_space<vmem>>) semaphore(%arg19 : memref<!tpu.dma_semaphore, #tpu.memory_space<semaphore_mem>>) {add = true}
      %add3A_183 = arith.constant 5 : i32
      %add3A_184 = arith.addi %mul3A_32, %add3A_183 : i32
      %dma_start3A_185 = arith.constant 0 : i32
      %dma_start3A_186 = tpu.memref_slice %arg7[%add3A_184, %dma_start3A_185] : memref<136x128xi32, #tpu.memory_space<vmem>> -> memref<1x128xi32, #tpu.memory_space<vmem>>
      %dma_start3A_187 = tpu.memref_squeeze %dma_start3A_186 : memref<1x128xi32, #tpu.memory_space<vmem>> -> memref<128xi32, #tpu.memory_space<vmem>>
      %dma_start3A_188 = arith.constant 0 : i32
      %dma_start3A_189 = arith.constant 0 : i32
      %dma_start3A_190 = tpu.memref_slice %arg17[%dma_start3A_188, %dma_start3A_189] : memref<10112x32xf32, #tpu.memory_space<vmem_shared>> -> memref<10112x32xf32, #tpu.memory_space<vmem_shared>>
      tpu.enqueue_indirect_dma source(%arg13 : memref<128x32xf32, #tpu.memory_space<vmem>>) target(%dma_start3A_190 : memref<10112x32xf32, #tpu.memory_space<vmem_shared>>) offsets(%dma_start3A_187 : memref<128xi32, #tpu.memory_space<vmem>>) semaphore(%arg19 : memref<!tpu.dma_semaphore, #tpu.memory_space<semaphore_mem>>) {add = true}
      %add3A_191 = arith.constant 6 : i32
      %add3A_192 = arith.addi %mul3A_32, %add3A_191 : i32
      %dma_start3A_193 = arith.constant 0 : i32
      %dma_start3A_194 = tpu.memref_slice %arg7[%add3A_192, %dma_start3A_193] : memref<136x128xi32, #tpu.memory_space<vmem>> -> memref<1x128xi32, #tpu.memory_space<vmem>>
      %dma_start3A_195 = tpu.memref_squeeze %dma_start3A_194 : memref<1x128xi32, #tpu.memory_space<vmem>> -> memref<128xi32, #tpu.memory_space<vmem>>
      %dma_start3A_196 = arith.constant 0 : i32
      %dma_start3A_197 = arith.constant 0 : i32
      %dma_start3A_198 = tpu.memref_slice %arg17[%dma_start3A_196, %dma_start3A_197] : memref<10112x32xf32, #tpu.memory_space<vmem_shared>> -> memref<10112x32xf32, #tpu.memory_space<vmem_shared>>
      tpu.enqueue_indirect_dma source(%arg14 : memref<128x32xf32, #tpu.memory_space<vmem>>) target(%dma_start3A_198 : memref<10112x32xf32, #tpu.memory_space<vmem_shared>>) offsets(%dma_start3A_195 : memref<128xi32, #tpu.memory_space<vmem>>) semaphore(%arg19 : memref<!tpu.dma_semaphore, #tpu.memory_space<semaphore_mem>>) {add = true}
      %add3A_199 = arith.constant 7 : i32
      %add3A_200 = arith.addi %mul3A_32, %add3A_199 : i32
      %dma_start3A_201 = arith.constant 0 : i32
      %dma_start3A_202 = tpu.memref_slice %arg7[%add3A_200, %dma_start3A_201] : memref<136x128xi32, #tpu.memory_space<vmem>> -> memref<1x128xi32, #tpu.memory_space<vmem>>
      %dma_start3A_203 = tpu.memref_squeeze %dma_start3A_202 : memref<1x128xi32, #tpu.memory_space<vmem>> -> memref<128xi32, #tpu.memory_space<vmem>>
      %dma_start3A_204 = arith.constant 0 : i32
      %dma_start3A_205 = arith.constant 0 : i32
      %dma_start3A_206 = tpu.memref_slice %arg17[%dma_start3A_204, %dma_start3A_205] : memref<10112x32xf32, #tpu.memory_space<vmem_shared>> -> memref<10112x32xf32, #tpu.memory_space<vmem_shared>>
      tpu.enqueue_indirect_dma source(%arg15 : memref<128x32xf32, #tpu.memory_space<vmem>>) target(%dma_start3A_206 : memref<10112x32xf32, #tpu.memory_space<vmem_shared>>) offsets(%dma_start3A_203 : memref<128xi32, #tpu.memory_space<vmem>>) semaphore(%arg19 : memref<!tpu.dma_semaphore, #tpu.memory_space<semaphore_mem>>) {add = true}
      %dma_wait3A_207 = arith.constant 0 : i32
      %dma_wait3A_208 = tpu.memref_slice %arg7[%add3A_144, %dma_wait3A_207] : memref<136x128xi32, #tpu.memory_space<vmem>> -> memref<1x128xi32, #tpu.memory_space<vmem>>
      %dma_wait3A_209 = tpu.memref_squeeze %dma_wait3A_208 : memref<1x128xi32, #tpu.memory_space<vmem>> -> memref<128xi32, #tpu.memory_space<vmem>>
      %dma_wait3A_210 = arith.constant 0 : i32
      %dma_wait3A_211 = arith.constant 0 : i32
      %dma_wait3A_212 = tpu.memref_slice %arg17[%dma_wait3A_210, %dma_wait3A_211] : memref<10112x32xf32, #tpu.memory_space<vmem_shared>> -> memref<10112x32xf32, #tpu.memory_space<vmem_shared>>
      tpu.wait_indirect_dma semaphore(%arg19 : memref<!tpu.dma_semaphore, #tpu.memory_space<semaphore_mem>>) src(%arg8 : memref<128x32xf32, #tpu.memory_space<vmem>>) dst(%dma_wait3A_212 : memref<10112x32xf32, #tpu.memory_space<vmem_shared>>)
      %dma_wait3A_213 = arith.constant 0 : i32
      %dma_wait3A_214 = tpu.memref_slice %arg7[%add3A_152, %dma_wait3A_213] : memref<136x128xi32, #tpu.memory_space<vmem>> -> memref<1x128xi32, #tpu.memory_space<vmem>>
      %dma_wait3A_215 = tpu.memref_squeeze %dma_wait3A_214 : memref<1x128xi32, #tpu.memory_space<vmem>> -> memref<128xi32, #tpu.memory_space<vmem>>
      %dma_wait3A_216 = arith.constant 0 : i32
      %dma_wait3A_217 = arith.constant 0 : i32
      %dma_wait3A_218 = tpu.memref_slice %arg17[%dma_wait3A_216, %dma_wait3A_217] : memref<10112x32xf32, #tpu.memory_space<vmem_shared>> -> memref<10112x32xf32, #tpu.memory_space<vmem_shared>>
      tpu.wait_indirect_dma semaphore(%arg19 : memref<!tpu.dma_semaphore, #tpu.memory_space<semaphore_mem>>) src(%arg9 : memref<128x32xf32, #tpu.memory_space<vmem>>) dst(%dma_wait3A_218 : memref<10112x32xf32, #tpu.memory_space<vmem_shared>>)
      %dma_wait3A_219 = arith.constant 0 : i32
      %dma_wait3A_220 = tpu.memref_slice %arg7[%add3A_160, %dma_wait3A_219] : memref<136x128xi32, #tpu.memory_space<vmem>> -> memref<1x128xi32, #tpu.memory_space<vmem>>
      %dma_wait3A_221 = tpu.memref_squeeze %dma_wait3A_220 : memref<1x128xi32, #tpu.memory_space<vmem>> -> memref<128xi32, #tpu.memory_space<vmem>>
      %dma_wait3A_222 = arith.constant 0 : i32
      %dma_wait3A_223 = arith.constant 0 : i32
      %dma_wait3A_224 = tpu.memref_slice %arg17[%dma_wait3A_222, %dma_wait3A_223] : memref<10112x32xf32, #tpu.memory_space<vmem_shared>> -> memref<10112x32xf32, #tpu.memory_space<vmem_shared>>
      tpu.wait_indirect_dma semaphore(%arg19 : memref<!tpu.dma_semaphore, #tpu.memory_space<semaphore_mem>>) src(%arg10 : memref<128x32xf32, #tpu.memory_space<vmem>>) dst(%dma_wait3A_224 : memref<10112x32xf32, #tpu.memory_space<vmem_shared>>)
      %dma_wait3A_225 = arith.constant 0 : i32
      %dma_wait3A_226 = tpu.memref_slice %arg7[%add3A_168, %dma_wait3A_225] : memref<136x128xi32, #tpu.memory_space<vmem>> -> memref<1x128xi32, #tpu.memory_space<vmem>>
      %dma_wait3A_227 = tpu.memref_squeeze %dma_wait3A_226 : memref<1x128xi32, #tpu.memory_space<vmem>> -> memref<128xi32, #tpu.memory_space<vmem>>
      %dma_wait3A_228 = arith.constant 0 : i32
      %dma_wait3A_229 = arith.constant 0 : i32
      %dma_wait3A_230 = tpu.memref_slice %arg17[%dma_wait3A_228, %dma_wait3A_229] : memref<10112x32xf32, #tpu.memory_space<vmem_shared>> -> memref<10112x32xf32, #tpu.memory_space<vmem_shared>>
      tpu.wait_indirect_dma semaphore(%arg19 : memref<!tpu.dma_semaphore, #tpu.memory_space<semaphore_mem>>) src(%arg11 : memref<128x32xf32, #tpu.memory_space<vmem>>) dst(%dma_wait3A_230 : memref<10112x32xf32, #tpu.memory_space<vmem_shared>>)
      %dma_wait3A_231 = arith.constant 0 : i32
      %dma_wait3A_232 = tpu.memref_slice %arg7[%add3A_176, %dma_wait3A_231] : memref<136x128xi32, #tpu.memory_space<vmem>> -> memref<1x128xi32, #tpu.memory_space<vmem>>
      %dma_wait3A_233 = tpu.memref_squeeze %dma_wait3A_232 : memref<1x128xi32, #tpu.memory_space<vmem>> -> memref<128xi32, #tpu.memory_space<vmem>>
      %dma_wait3A_234 = arith.constant 0 : i32
      %dma_wait3A_235 = arith.constant 0 : i32
      %dma_wait3A_236 = tpu.memref_slice %arg17[%dma_wait3A_234, %dma_wait3A_235] : memref<10112x32xf32, #tpu.memory_space<vmem_shared>> -> memref<10112x32xf32, #tpu.memory_space<vmem_shared>>
      tpu.wait_indirect_dma semaphore(%arg19 : memref<!tpu.dma_semaphore, #tpu.memory_space<semaphore_mem>>) src(%arg12 : memref<128x32xf32, #tpu.memory_space<vmem>>) dst(%dma_wait3A_236 : memref<10112x32xf32, #tpu.memory_space<vmem_shared>>)
      %dma_wait3A_237 = arith.constant 0 : i32
      %dma_wait3A_238 = tpu.memref_slice %arg7[%add3A_184, %dma_wait3A_237] : memref<136x128xi32, #tpu.memory_space<vmem>> -> memref<1x128xi32, #tpu.memory_space<vmem>>
      %dma_wait3A_239 = tpu.memref_squeeze %dma_wait3A_238 : memref<1x128xi32, #tpu.memory_space<vmem>> -> memref<128xi32, #tpu.memory_space<vmem>>
      %dma_wait3A_240 = arith.constant 0 : i32
      %dma_wait3A_241 = arith.constant 0 : i32
      %dma_wait3A_242 = tpu.memref_slice %arg17[%dma_wait3A_240, %dma_wait3A_241] : memref<10112x32xf32, #tpu.memory_space<vmem_shared>> -> memref<10112x32xf32, #tpu.memory_space<vmem_shared>>
      tpu.wait_indirect_dma semaphore(%arg19 : memref<!tpu.dma_semaphore, #tpu.memory_space<semaphore_mem>>) src(%arg13 : memref<128x32xf32, #tpu.memory_space<vmem>>) dst(%dma_wait3A_242 : memref<10112x32xf32, #tpu.memory_space<vmem_shared>>)
      %dma_wait3A_243 = arith.constant 0 : i32
      %dma_wait3A_244 = tpu.memref_slice %arg7[%add3A_192, %dma_wait3A_243] : memref<136x128xi32, #tpu.memory_space<vmem>> -> memref<1x128xi32, #tpu.memory_space<vmem>>
      %dma_wait3A_245 = tpu.memref_squeeze %dma_wait3A_244 : memref<1x128xi32, #tpu.memory_space<vmem>> -> memref<128xi32, #tpu.memory_space<vmem>>
      %dma_wait3A_246 = arith.constant 0 : i32
      %dma_wait3A_247 = arith.constant 0 : i32
      %dma_wait3A_248 = tpu.memref_slice %arg17[%dma_wait3A_246, %dma_wait3A_247] : memref<10112x32xf32, #tpu.memory_space<vmem_shared>> -> memref<10112x32xf32, #tpu.memory_space<vmem_shared>>
      tpu.wait_indirect_dma semaphore(%arg19 : memref<!tpu.dma_semaphore, #tpu.memory_space<semaphore_mem>>) src(%arg14 : memref<128x32xf32, #tpu.memory_space<vmem>>) dst(%dma_wait3A_248 : memref<10112x32xf32, #tpu.memory_space<vmem_shared>>)
      %dma_wait3A_249 = arith.constant 0 : i32
      %dma_wait3A_250 = tpu.memref_slice %arg7[%add3A_200, %dma_wait3A_249] : memref<136x128xi32, #tpu.memory_space<vmem>> -> memref<1x128xi32, #tpu.memory_space<vmem>>
      %dma_wait3A_251 = tpu.memref_squeeze %dma_wait3A_250 : memref<1x128xi32, #tpu.memory_space<vmem>> -> memref<128xi32, #tpu.memory_space<vmem>>
      %dma_wait3A_252 = arith.constant 0 : i32
      %dma_wait3A_253 = arith.constant 0 : i32
      %dma_wait3A_254 = tpu.memref_slice %arg17[%dma_wait3A_252, %dma_wait3A_253] : memref<10112x32xf32, #tpu.memory_space<vmem_shared>> -> memref<10112x32xf32, #tpu.memory_space<vmem_shared>>
      tpu.wait_indirect_dma semaphore(%arg19 : memref<!tpu.dma_semaphore, #tpu.memory_space<semaphore_mem>>) src(%arg15 : memref<128x32xf32, #tpu.memory_space<vmem>>) dst(%dma_wait3A_254 : memref<10112x32xf32, #tpu.memory_space<vmem_shared>>)
    }
    %while3A_24 = arith.constant 1 : i32
    scf.for %while3A_30 = %while3A_22 to %while3A_18 step %while3A_24  : i32 {
      %mul3A_31 = arith.constant 8 : i32
      %mul3A_32 = arith.muli %while3A_30, %mul3A_31 : i32
      %add3A_33 = arith.constant 0 : i32
      %add3A_34 = arith.addi %mul3A_32, %add3A_33 : i32
      %dma_start3A = arith.constant 0 : i32
      %dma_start3A_35 = tpu.memref_slice %arg6[%add3A_34, %dma_start3A] : memref<136x128xi32, #tpu.memory_space<vmem>> -> memref<1x128xi32, #tpu.memory_space<vmem>>
      %dma_start3A_36 = tpu.memref_squeeze %dma_start3A_35 : memref<1x128xi32, #tpu.memory_space<vmem>> -> memref<128xi32, #tpu.memory_space<vmem>>
      %dma_start3A_37 = arith.constant 0 : i32
      %dma_start3A_38 = arith.constant 0 : i32
      %dma_start3A_39 = tpu.memref_slice %arg2[%dma_start3A_37, %dma_start3A_38] : memref<10000x32xf32, #tpu.memory_space<hbm>> -> memref<10000x32xf32, #tpu.memory_space<hbm>>
      tpu.enqueue_indirect_dma source(%dma_start3A_39 : memref<10000x32xf32, #tpu.memory_space<hbm>>) target(%arg8 : memref<128x32xf32, #tpu.memory_space<vmem>>) offsets(%dma_start3A_36 : memref<128xi32, #tpu.memory_space<vmem>>) semaphore(%arg18 : memref<!tpu.dma_semaphore, #tpu.memory_space<semaphore_mem>>)
      %add3A_40 = arith.constant 1 : i32
      %add3A_41 = arith.addi %mul3A_32, %add3A_40 : i32
      %dma_start3A_42 = arith.constant 0 : i32
      %dma_start3A_43 = tpu.memref_slice %arg6[%add3A_41, %dma_start3A_42] : memref<136x128xi32, #tpu.memory_space<vmem>> -> memref<1x128xi32, #tpu.memory_space<vmem>>
      %dma_start3A_44 = tpu.memref_squeeze %dma_start3A_43 : memref<1x128xi32, #tpu.memory_space<vmem>> -> memref<128xi32, #tpu.memory_space<vmem>>
      %dma_start3A_45 = arith.constant 0 : i32
      %dma_start3A_46 = arith.constant 0 : i32
      %dma_start3A_47 = tpu.memref_slice %arg2[%dma_start3A_45, %dma_start3A_46] : memref<10000x32xf32, #tpu.memory_space<hbm>> -> memref<10000x32xf32, #tpu.memory_space<hbm>>
      tpu.enqueue_indirect_dma source(%dma_start3A_47 : memref<10000x32xf32, #tpu.memory_space<hbm>>) target(%arg9 : memref<128x32xf32, #tpu.memory_space<vmem>>) offsets(%dma_start3A_44 : memref<128xi32, #tpu.memory_space<vmem>>) semaphore(%arg18 : memref<!tpu.dma_semaphore, #tpu.memory_space<semaphore_mem>>)
      %add3A_48 = arith.constant 2 : i32
      %add3A_49 = arith.addi %mul3A_32, %add3A_48 : i32
      %dma_start3A_50 = arith.constant 0 : i32
      %dma_start3A_51 = tpu.memref_slice %arg6[%add3A_49, %dma_start3A_50] : memref<136x128xi32, #tpu.memory_space<vmem>> -> memref<1x128xi32, #tpu.memory_space<vmem>>
      %dma_start3A_52 = tpu.memref_squeeze %dma_start3A_51 : memref<1x128xi32, #tpu.memory_space<vmem>> -> memref<128xi32, #tpu.memory_space<vmem>>
      %dma_start3A_53 = arith.constant 0 : i32
      %dma_start3A_54 = arith.constant 0 : i32
      %dma_start3A_55 = tpu.memref_slice %arg2[%dma_start3A_53, %dma_start3A_54] : memref<10000x32xf32, #tpu.memory_space<hbm>> -> memref<10000x32xf32, #tpu.memory_space<hbm>>
      tpu.enqueue_indirect_dma source(%dma_start3A_55 : memref<10000x32xf32, #tpu.memory_space<hbm>>) target(%arg10 : memref<128x32xf32, #tpu.memory_space<vmem>>) offsets(%dma_start3A_52 : memref<128xi32, #tpu.memory_space<vmem>>) semaphore(%arg18 : memref<!tpu.dma_semaphore, #tpu.memory_space<semaphore_mem>>)
      %add3A_56 = arith.constant 3 : i32
      %add3A_57 = arith.addi %mul3A_32, %add3A_56 : i32
      %dma_start3A_58 = arith.constant 0 : i32
      %dma_start3A_59 = tpu.memref_slice %arg6[%add3A_57, %dma_start3A_58] : memref<136x128xi32, #tpu.memory_space<vmem>> -> memref<1x128xi32, #tpu.memory_space<vmem>>
      %dma_start3A_60 = tpu.memref_squeeze %dma_start3A_59 : memref<1x128xi32, #tpu.memory_space<vmem>> -> memref<128xi32, #tpu.memory_space<vmem>>
      %dma_start3A_61 = arith.constant 0 : i32
      %dma_start3A_62 = arith.constant 0 : i32
      %dma_start3A_63 = tpu.memref_slice %arg2[%dma_start3A_61, %dma_start3A_62] : memref<10000x32xf32, #tpu.memory_space<hbm>> -> memref<10000x32xf32, #tpu.memory_space<hbm>>
      tpu.enqueue_indirect_dma source(%dma_start3A_63 : memref<10000x32xf32, #tpu.memory_space<hbm>>) target(%arg11 : memref<128x32xf32, #tpu.memory_space<vmem>>) offsets(%dma_start3A_60 : memref<128xi32, #tpu.memory_space<vmem>>) semaphore(%arg18 : memref<!tpu.dma_semaphore, #tpu.memory_space<semaphore_mem>>)
      %add3A_64 = arith.constant 4 : i32
      %add3A_65 = arith.addi %mul3A_32, %add3A_64 : i32
      %dma_start3A_66 = arith.constant 0 : i32
      %dma_start3A_67 = tpu.memref_slice %arg6[%add3A_65, %dma_start3A_66] : memref<136x128xi32, #tpu.memory_space<vmem>> -> memref<1x128xi32, #tpu.memory_space<vmem>>
      %dma_start3A_68 = tpu.memref_squeeze %dma_start3A_67 : memref<1x128xi32, #tpu.memory_space<vmem>> -> memref<128xi32, #tpu.memory_space<vmem>>
      %dma_start3A_69 = arith.constant 0 : i32
      %dma_start3A_70 = arith.constant 0 : i32
      %dma_start3A_71 = tpu.memref_slice %arg2[%dma_start3A_69, %dma_start3A_70] : memref<10000x32xf32, #tpu.memory_space<hbm>> -> memref<10000x32xf32, #tpu.memory_space<hbm>>
      tpu.enqueue_indirect_dma source(%dma_start3A_71 : memref<10000x32xf32, #tpu.memory_space<hbm>>) target(%arg12 : memref<128x32xf32, #tpu.memory_space<vmem>>) offsets(%dma_start3A_68 : memref<128xi32, #tpu.memory_space<vmem>>) semaphore(%arg18 : memref<!tpu.dma_semaphore, #tpu.memory_space<semaphore_mem>>)
      %add3A_72 = arith.constant 5 : i32
      %add3A_73 = arith.addi %mul3A_32, %add3A_72 : i32
      %dma_start3A_74 = arith.constant 0 : i32
      %dma_start3A_75 = tpu.memref_slice %arg6[%add3A_73, %dma_start3A_74] : memref<136x128xi32, #tpu.memory_space<vmem>> -> memref<1x128xi32, #tpu.memory_space<vmem>>
      %dma_start3A_76 = tpu.memref_squeeze %dma_start3A_75 : memref<1x128xi32, #tpu.memory_space<vmem>> -> memref<128xi32, #tpu.memory_space<vmem>>
      %dma_start3A_77 = arith.constant 0 : i32
      %dma_start3A_78 = arith.constant 0 : i32
      %dma_start3A_79 = tpu.memref_slice %arg2[%dma_start3A_77, %dma_start3A_78] : memref<10000x32xf32, #tpu.memory_space<hbm>> -> memref<10000x32xf32, #tpu.memory_space<hbm>>
      tpu.enqueue_indirect_dma source(%dma_start3A_79 : memref<10000x32xf32, #tpu.memory_space<hbm>>) target(%arg13 : memref<128x32xf32, #tpu.memory_space<vmem>>) offsets(%dma_start3A_76 : memref<128xi32, #tpu.memory_space<vmem>>) semaphore(%arg18 : memref<!tpu.dma_semaphore, #tpu.memory_space<semaphore_mem>>)
      %add3A_80 = arith.constant 6 : i32
      %add3A_81 = arith.addi %mul3A_32, %add3A_80 : i32
      %dma_start3A_82 = arith.constant 0 : i32
      %dma_start3A_83 = tpu.memref_slice %arg6[%add3A_81, %dma_start3A_82] : memref<136x128xi32, #tpu.memory_space<vmem>> -> memref<1x128xi32, #tpu.memory_space<vmem>>
      %dma_start3A_84 = tpu.memref_squeeze %dma_start3A_83 : memref<1x128xi32, #tpu.memory_space<vmem>> -> memref<128xi32, #tpu.memory_space<vmem>>
      %dma_start3A_85 = arith.constant 0 : i32
      %dma_start3A_86 = arith.constant 0 : i32
      %dma_start3A_87 = tpu.memref_slice %arg2[%dma_start3A_85, %dma_start3A_86] : memref<10000x32xf32, #tpu.memory_space<hbm>> -> memref<10000x32xf32, #tpu.memory_space<hbm>>
      tpu.enqueue_indirect_dma source(%dma_start3A_87 : memref<10000x32xf32, #tpu.memory_space<hbm>>) target(%arg14 : memref<128x32xf32, #tpu.memory_space<vmem>>) offsets(%dma_start3A_84 : memref<128xi32, #tpu.memory_space<vmem>>) semaphore(%arg18 : memref<!tpu.dma_semaphore, #tpu.memory_space<semaphore_mem>>)
      %add3A_88 = arith.constant 7 : i32
      %add3A_89 = arith.addi %mul3A_32, %add3A_88 : i32
      %dma_start3A_90 = arith.constant 0 : i32
      %dma_start3A_91 = tpu.memref_slice %arg6[%add3A_89, %dma_start3A_90] : memref<136x128xi32, #tpu.memory_space<vmem>> -> memref<1x128xi32, #tpu.memory_space<vmem>>
      %dma_start3A_92 = tpu.memref_squeeze %dma_start3A_91 : memref<1x128xi32, #tpu.memory_space<vmem>> -> memref<128xi32, #tpu.memory_space<vmem>>
      %dma_start3A_93 = arith.constant 0 : i32
      %dma_start3A_94 = arith.constant 0 : i32
      %dma_start3A_95 = tpu.memref_slice %arg2[%dma_start3A_93, %dma_start3A_94] : memref<10000x32xf32, #tpu.memory_space<hbm>> -> memref<10000x32xf32, #tpu.memory_space<hbm>>
      tpu.enqueue_indirect_dma source(%dma_start3A_95 : memref<10000x32xf32, #tpu.memory_space<hbm>>) target(%arg15 : memref<128x32xf32, #tpu.memory_space<vmem>>) offsets(%dma_start3A_92 : memref<128xi32, #tpu.memory_space<vmem>>) semaphore(%arg18 : memref<!tpu.dma_semaphore, #tpu.memory_space<semaphore_mem>>)
      %dma_wait3A = arith.constant 0 : i32
      %dma_wait3A_96 = tpu.memref_slice %arg6[%add3A_34, %dma_wait3A] : memref<136x128xi32, #tpu.memory_space<vmem>> -> memref<1x128xi32, #tpu.memory_space<vmem>>
      %dma_wait3A_97 = tpu.memref_squeeze %dma_wait3A_96 : memref<1x128xi32, #tpu.memory_space<vmem>> -> memref<128xi32, #tpu.memory_space<vmem>>
      %dma_wait3A_98 = arith.constant 0 : i32
      %dma_wait3A_99 = arith.constant 0 : i32
      %dma_wait3A_100 = tpu.memref_slice %arg2[%dma_wait3A_98, %dma_wait3A_99] : memref<10000x32xf32, #tpu.memory_space<hbm>> -> memref<10000x32xf32, #tpu.memory_space<hbm>>
      tpu.wait_indirect_dma semaphore(%arg18 : memref<!tpu.dma_semaphore, #tpu.memory_space<semaphore_mem>>) src(%dma_wait3A_100 : memref<10000x32xf32, #tpu.memory_space<hbm>>) dst(%arg8 : memref<128x32xf32, #tpu.memory_space<vmem>>)
      %dma_wait3A_101 = arith.constant 0 : i32
      %dma_wait3A_102 = tpu.memref_slice %arg6[%add3A_41, %dma_wait3A_101] : memref<136x128xi32, #tpu.memory_space<vmem>> -> memref<1x128xi32, #tpu.memory_space<vmem>>
      %dma_wait3A_103 = tpu.memref_squeeze %dma_wait3A_102 : memref<1x128xi32, #tpu.memory_space<vmem>> -> memref<128xi32, #tpu.memory_space<vmem>>
      %dma_wait3A_104 = arith.constant 0 : i32
      %dma_wait3A_105 = arith.constant 0 : i32
      %dma_wait3A_106 = tpu.memref_slice %arg2[%dma_wait3A_104, %dma_wait3A_105] : memref<10000x32xf32, #tpu.memory_space<hbm>> -> memref<10000x32xf32, #tpu.memory_space<hbm>>
      tpu.wait_indirect_dma semaphore(%arg18 : memref<!tpu.dma_semaphore, #tpu.memory_space<semaphore_mem>>) src(%dma_wait3A_106 : memref<10000x32xf32, #tpu.memory_space<hbm>>) dst(%arg9 : memref<128x32xf32, #tpu.memory_space<vmem>>)
      %dma_wait3A_107 = arith.constant 0 : i32
      %dma_wait3A_108 = tpu.memref_slice %arg6[%add3A_49, %dma_wait3A_107] : memref<136x128xi32, #tpu.memory_space<vmem>> -> memref<1x128xi32, #tpu.memory_space<vmem>>
      %dma_wait3A_109 = tpu.memref_squeeze %dma_wait3A_108 : memref<1x128xi32, #tpu.memory_space<vmem>> -> memref<128xi32, #tpu.memory_space<vmem>>
      %dma_wait3A_110 = arith.constant 0 : i32
      %dma_wait3A_111 = arith.constant 0 : i32
      %dma_wait3A_112 = tpu.memref_slice %arg2[%dma_wait3A_110, %dma_wait3A_111] : memref<10000x32xf32, #tpu.memory_space<hbm>> -> memref<10000x32xf32, #tpu.memory_space<hbm>>
      tpu.wait_indirect_dma semaphore(%arg18 : memref<!tpu.dma_semaphore, #tpu.memory_space<semaphore_mem>>) src(%dma_wait3A_112 : memref<10000x32xf32, #tpu.memory_space<hbm>>) dst(%arg10 : memref<128x32xf32, #tpu.memory_space<vmem>>)
      %dma_wait3A_113 = arith.constant 0 : i32
      %dma_wait3A_114 = tpu.memref_slice %arg6[%add3A_57, %dma_wait3A_113] : memref<136x128xi32, #tpu.memory_space<vmem>> -> memref<1x128xi32, #tpu.memory_space<vmem>>
      %dma_wait3A_115 = tpu.memref_squeeze %dma_wait3A_114 : memref<1x128xi32, #tpu.memory_space<vmem>> -> memref<128xi32, #tpu.memory_space<vmem>>
      %dma_wait3A_116 = arith.constant 0 : i32
      %dma_wait3A_117 = arith.constant 0 : i32
      %dma_wait3A_118 = tpu.memref_slice %arg2[%dma_wait3A_116, %dma_wait3A_117] : memref<10000x32xf32, #tpu.memory_space<hbm>> -> memref<10000x32xf32, #tpu.memory_space<hbm>>
      tpu.wait_indirect_dma semaphore(%arg18 : memref<!tpu.dma_semaphore, #tpu.memory_space<semaphore_mem>>) src(%dma_wait3A_118 : memref<10000x32xf32, #tpu.memory_space<hbm>>) dst(%arg11 : memref<128x32xf32, #tpu.memory_space<vmem>>)
      %dma_wait3A_119 = arith.constant 0 : i32
      %dma_wait3A_120 = tpu.memref_slice %arg6[%add3A_65, %dma_wait3A_119] : memref<136x128xi32, #tpu.memory_space<vmem>> -> memref<1x128xi32, #tpu.memory_space<vmem>>
      %dma_wait3A_121 = tpu.memref_squeeze %dma_wait3A_120 : memref<1x128xi32, #tpu.memory_space<vmem>> -> memref<128xi32, #tpu.memory_space<vmem>>
      %dma_wait3A_122 = arith.constant 0 : i32
      %dma_wait3A_123 = arith.constant 0 : i32
      %dma_wait3A_124 = tpu.memref_slice %arg2[%dma_wait3A_122, %dma_wait3A_123] : memref<10000x32xf32, #tpu.memory_space<hbm>> -> memref<10000x32xf32, #tpu.memory_space<hbm>>
      tpu.wait_indirect_dma semaphore(%arg18 : memref<!tpu.dma_semaphore, #tpu.memory_space<semaphore_mem>>) src(%dma_wait3A_124 : memref<10000x32xf32, #tpu.memory_space<hbm>>) dst(%arg12 : memref<128x32xf32, #tpu.memory_space<vmem>>)
      %dma_wait3A_125 = arith.constant 0 : i32
      %dma_wait3A_126 = tpu.memref_slice %arg6[%add3A_73, %dma_wait3A_125] : memref<136x128xi32, #tpu.memory_space<vmem>> -> memref<1x128xi32, #tpu.memory_space<vmem>>
      %dma_wait3A_127 = tpu.memref_squeeze %dma_wait3A_126 : memref<1x128xi32, #tpu.memory_space<vmem>> -> memref<128xi32, #tpu.memory_space<vmem>>
      %dma_wait3A_128 = arith.constant 0 : i32
      %dma_wait3A_129 = arith.constant 0 : i32
      %dma_wait3A_130 = tpu.memref_slice %arg2[%dma_wait3A_128, %dma_wait3A_129] : memref<10000x32xf32, #tpu.memory_space<hbm>> -> memref<10000x32xf32, #tpu.memory_space<hbm>>
      tpu.wait_indirect_dma semaphore(%arg18 : memref<!tpu.dma_semaphore, #tpu.memory_space<semaphore_mem>>) src(%dma_wait3A_130 : memref<10000x32xf32, #tpu.memory_space<hbm>>) dst(%arg13 : memref<128x32xf32, #tpu.memory_space<vmem>>)
      %dma_wait3A_131 = arith.constant 0 : i32
      %dma_wait3A_132 = tpu.memref_slice %arg6[%add3A_81, %dma_wait3A_131] : memref<136x128xi32, #tpu.memory_space<vmem>> -> memref<1x128xi32, #tpu.memory_space<vmem>>
      %dma_wait3A_133 = tpu.memref_squeeze %dma_wait3A_132 : memref<1x128xi32, #tpu.memory_space<vmem>> -> memref<128xi32, #tpu.memory_space<vmem>>
      %dma_wait3A_134 = arith.constant 0 : i32
      %dma_wait3A_135 = arith.constant 0 : i32
      %dma_wait3A_136 = tpu.memref_slice %arg2[%dma_wait3A_134, %dma_wait3A_135] : memref<10000x32xf32, #tpu.memory_space<hbm>> -> memref<10000x32xf32, #tpu.memory_space<hbm>>
      tpu.wait_indirect_dma semaphore(%arg18 : memref<!tpu.dma_semaphore, #tpu.memory_space<semaphore_mem>>) src(%dma_wait3A_136 : memref<10000x32xf32, #tpu.memory_space<hbm>>) dst(%arg14 : memref<128x32xf32, #tpu.memory_space<vmem>>)
      %dma_wait3A_137 = arith.constant 0 : i32
      %dma_wait3A_138 = tpu.memref_slice %arg6[%add3A_89, %dma_wait3A_137] : memref<136x128xi32, #tpu.memory_space<vmem>> -> memref<1x128xi32, #tpu.memory_space<vmem>>
      %dma_wait3A_139 = tpu.memref_squeeze %dma_wait3A_138 : memref<1x128xi32, #tpu.memory_space<vmem>> -> memref<128xi32, #tpu.memory_space<vmem>>
      %dma_wait3A_140 = arith.constant 0 : i32
      %dma_wait3A_141 = arith.constant 0 : i32
      %dma_wait3A_142 = tpu.memref_slice %arg2[%dma_wait3A_140, %dma_wait3A_141] : memref<10000x32xf32, #tpu.memory_space<hbm>> -> memref<10000x32xf32, #tpu.memory_space<hbm>>
      tpu.wait_indirect_dma semaphore(%arg18 : memref<!tpu.dma_semaphore, #tpu.memory_space<semaphore_mem>>) src(%dma_wait3A_142 : memref<10000x32xf32, #tpu.memory_space<hbm>>) dst(%arg15 : memref<128x32xf32, #tpu.memory_space<vmem>>)
      %add3A_143 = arith.constant 0 : i32
      %add3A_144 = arith.addi %mul3A_32, %add3A_143 : i32
      %dma_start3A_145 = arith.constant 0 : i32
      %dma_start3A_146 = tpu.memref_slice %arg7[%add3A_144, %dma_start3A_145] : memref<136x128xi32, #tpu.memory_space<vmem>> -> memref<1x128xi32, #tpu.memory_space<vmem>>
      %dma_start3A_147 = tpu.memref_squeeze %dma_start3A_146 : memref<1x128xi32, #tpu.memory_space<vmem>> -> memref<128xi32, #tpu.memory_space<vmem>>
      %dma_start3A_148 = arith.constant 0 : i32
      %dma_start3A_149 = arith.constant 0 : i32
      %dma_start3A_150 = tpu.memref_slice %arg17[%dma_start3A_148, %dma_start3A_149] : memref<10112x32xf32, #tpu.memory_space<vmem_shared>> -> memref<10112x32xf32, #tpu.memory_space<vmem_shared>>
      tpu.enqueue_indirect_dma source(%arg8 : memref<128x32xf32, #tpu.memory_space<vmem>>) target(%dma_start3A_150 : memref<10112x32xf32, #tpu.memory_space<vmem_shared>>) offsets(%dma_start3A_147 : memref<128xi32, #tpu.memory_space<vmem>>) semaphore(%arg19 : memref<!tpu.dma_semaphore, #tpu.memory_space<semaphore_mem>>) {add = true}
      %add3A_151 = arith.constant 1 : i32
      %add3A_152 = arith.addi %mul3A_32, %add3A_151 : i32
      %dma_start3A_153 = arith.constant 0 : i32
      %dma_start3A_154 = tpu.memref_slice %arg7[%add3A_152, %dma_start3A_153] : memref<136x128xi32, #tpu.memory_space<vmem>> -> memref<1x128xi32, #tpu.memory_space<vmem>>
      %dma_start3A_155 = tpu.memref_squeeze %dma_start3A_154 : memref<1x128xi32, #tpu.memory_space<vmem>> -> memref<128xi32, #tpu.memory_space<vmem>>
      %dma_start3A_156 = arith.constant 0 : i32
      %dma_start3A_157 = arith.constant 0 : i32
      %dma_start3A_158 = tpu.memref_slice %arg17[%dma_start3A_156, %dma_start3A_157] : memref<10112x32xf32, #tpu.memory_space<vmem_shared>> -> memref<10112x32xf32, #tpu.memory_space<vmem_shared>>
      tpu.enqueue_indirect_dma source(%arg9 : memref<128x32xf32, #tpu.memory_space<vmem>>) target(%dma_start3A_158 : memref<10112x32xf32, #tpu.memory_space<vmem_shared>>) offsets(%dma_start3A_155 : memref<128xi32, #tpu.memory_space<vmem>>) semaphore(%arg19 : memref<!tpu.dma_semaphore, #tpu.memory_space<semaphore_mem>>) {add = true}
      %add3A_159 = arith.constant 2 : i32
      %add3A_160 = arith.addi %mul3A_32, %add3A_159 : i32
      %dma_start3A_161 = arith.constant 0 : i32
      %dma_start3A_162 = tpu.memref_slice %arg7[%add3A_160, %dma_start3A_161] : memref<136x128xi32, #tpu.memory_space<vmem>> -> memref<1x128xi32, #tpu.memory_space<vmem>>
      %dma_start3A_163 = tpu.memref_squeeze %dma_start3A_162 : memref<1x128xi32, #tpu.memory_space<vmem>> -> memref<128xi32, #tpu.memory_space<vmem>>
      %dma_start3A_164 = arith.constant 0 : i32
      %dma_start3A_165 = arith.constant 0 : i32
      %dma_start3A_166 = tpu.memref_slice %arg17[%dma_start3A_164, %dma_start3A_165] : memref<10112x32xf32, #tpu.memory_space<vmem_shared>> -> memref<10112x32xf32, #tpu.memory_space<vmem_shared>>
      tpu.enqueue_indirect_dma source(%arg10 : memref<128x32xf32, #tpu.memory_space<vmem>>) target(%dma_start3A_166 : memref<10112x32xf32, #tpu.memory_space<vmem_shared>>) offsets(%dma_start3A_163 : memref<128xi32, #tpu.memory_space<vmem>>) semaphore(%arg19 : memref<!tpu.dma_semaphore, #tpu.memory_space<semaphore_mem>>) {add = true}
      %add3A_167 = arith.constant 3 : i32
      %add3A_168 = arith.addi %mul3A_32, %add3A_167 : i32
      %dma_start3A_169 = arith.constant 0 : i32
      %dma_start3A_170 = tpu.memref_slice %arg7[%add3A_168, %dma_start3A_169] : memref<136x128xi32, #tpu.memory_space<vmem>> -> memref<1x128xi32, #tpu.memory_space<vmem>>
      %dma_start3A_171 = tpu.memref_squeeze %dma_start3A_170 : memref<1x128xi32, #tpu.memory_space<vmem>> -> memref<128xi32, #tpu.memory_space<vmem>>
      %dma_start3A_172 = arith.constant 0 : i32
      %dma_start3A_173 = arith.constant 0 : i32
      %dma_start3A_174 = tpu.memref_slice %arg17[%dma_start3A_172, %dma_start3A_173] : memref<10112x32xf32, #tpu.memory_space<vmem_shared>> -> memref<10112x32xf32, #tpu.memory_space<vmem_shared>>
      tpu.enqueue_indirect_dma source(%arg11 : memref<128x32xf32, #tpu.memory_space<vmem>>) target(%dma_start3A_174 : memref<10112x32xf32, #tpu.memory_space<vmem_shared>>) offsets(%dma_start3A_171 : memref<128xi32, #tpu.memory_space<vmem>>) semaphore(%arg19 : memref<!tpu.dma_semaphore, #tpu.memory_space<semaphore_mem>>) {add = true}
      %add3A_175 = arith.constant 4 : i32
      %add3A_176 = arith.addi %mul3A_32, %add3A_175 : i32
      %dma_start3A_177 = arith.constant 0 : i32
      %dma_start3A_178 = tpu.memref_slice %arg7[%add3A_176, %dma_start3A_177] : memref<136x128xi32, #tpu.memory_space<vmem>> -> memref<1x128xi32, #tpu.memory_space<vmem>>
      %dma_start3A_179 = tpu.memref_squeeze %dma_start3A_178 : memref<1x128xi32, #tpu.memory_space<vmem>> -> memref<128xi32, #tpu.memory_space<vmem>>
      %dma_start3A_180 = arith.constant 0 : i32
      %dma_start3A_181 = arith.constant 0 : i32
      %dma_start3A_182 = tpu.memref_slice %arg17[%dma_start3A_180, %dma_start3A_181] : memref<10112x32xf32, #tpu.memory_space<vmem_shared>> -> memref<10112x32xf32, #tpu.memory_space<vmem_shared>>
      tpu.enqueue_indirect_dma source(%arg12 : memref<128x32xf32, #tpu.memory_space<vmem>>) target(%dma_start3A_182 : memref<10112x32xf32, #tpu.memory_space<vmem_shared>>) offsets(%dma_start3A_179 : memref<128xi32, #tpu.memory_space<vmem>>) semaphore(%arg19 : memref<!tpu.dma_semaphore, #tpu.memory_space<semaphore_mem>>) {add = true}
      %add3A_183 = arith.constant 5 : i32
      %add3A_184 = arith.addi %mul3A_32, %add3A_183 : i32
      %dma_start3A_185 = arith.constant 0 : i32
      %dma_start3A_186 = tpu.memref_slice %arg7[%add3A_184, %dma_start3A_185] : memref<136x128xi32, #tpu.memory_space<vmem>> -> memref<1x128xi32, #tpu.memory_space<vmem>>
      %dma_start3A_187 = tpu.memref_squeeze %dma_start3A_186 : memref<1x128xi32, #tpu.memory_space<vmem>> -> memref<128xi32, #tpu.memory_space<vmem>>
      %dma_start3A_188 = arith.constant 0 : i32
      %dma_start3A_189 = arith.constant 0 : i32
      %dma_start3A_190 = tpu.memref_slice %arg17[%dma_start3A_188, %dma_start3A_189] : memref<10112x32xf32, #tpu.memory_space<vmem_shared>> -> memref<10112x32xf32, #tpu.memory_space<vmem_shared>>
      tpu.enqueue_indirect_dma source(%arg13 : memref<128x32xf32, #tpu.memory_space<vmem>>) target(%dma_start3A_190 : memref<10112x32xf32, #tpu.memory_space<vmem_shared>>) offsets(%dma_start3A_187 : memref<128xi32, #tpu.memory_space<vmem>>) semaphore(%arg19 : memref<!tpu.dma_semaphore, #tpu.memory_space<semaphore_mem>>) {add = true}
      %add3A_191 = arith.constant 6 : i32
      %add3A_192 = arith.addi %mul3A_32, %add3A_191 : i32
      %dma_start3A_193 = arith.constant 0 : i32
      %dma_start3A_194 = tpu.memref_slice %arg7[%add3A_192, %dma_start3A_193] : memref<136x128xi32, #tpu.memory_space<vmem>> -> memref<1x128xi32, #tpu.memory_space<vmem>>
      %dma_start3A_195 = tpu.memref_squeeze %dma_start3A_194 : memref<1x128xi32, #tpu.memory_space<vmem>> -> memref<128xi32, #tpu.memory_space<vmem>>
      %dma_start3A_196 = arith.constant 0 : i32
      %dma_start3A_197 = arith.constant 0 : i32
      %dma_start3A_198 = tpu.memref_slice %arg17[%dma_start3A_196, %dma_start3A_197] : memref<10112x32xf32, #tpu.memory_space<vmem_shared>> -> memref<10112x32xf32, #tpu.memory_space<vmem_shared>>
      tpu.enqueue_indirect_dma source(%arg14 : memref<128x32xf32, #tpu.memory_space<vmem>>) target(%dma_start3A_198 : memref<10112x32xf32, #tpu.memory_space<vmem_shared>>) offsets(%dma_start3A_195 : memref<128xi32, #tpu.memory_space<vmem>>) semaphore(%arg19 : memref<!tpu.dma_semaphore, #tpu.memory_space<semaphore_mem>>) {add = true}
      %add3A_199 = arith.constant 7 : i32
      %add3A_200 = arith.addi %mul3A_32, %add3A_199 : i32
      %dma_start3A_201 = arith.constant 0 : i32
      %dma_start3A_202 = tpu.memref_slice %arg7[%add3A_200, %dma_start3A_201] : memref<136x128xi32, #tpu.memory_space<vmem>> -> memref<1x128xi32, #tpu.memory_space<vmem>>
      %dma_start3A_203 = tpu.memref_squeeze %dma_start3A_202 : memref<1x128xi32, #tpu.memory_space<vmem>> -> memref<128xi32, #tpu.memory_space<vmem>>
      %dma_start3A_204 = arith.constant 0 : i32
      %dma_start3A_205 = arith.constant 0 : i32
      %dma_start3A_206 = tpu.memref_slice %arg17[%dma_start3A_204, %dma_start3A_205] : memref<10112x32xf32, #tpu.memory_space<vmem_shared>> -> memref<10112x32xf32, #tpu.memory_space<vmem_shared>>
      tpu.enqueue_indirect_dma source(%arg15 : memref<128x32xf32, #tpu.memory_space<vmem>>) target(%dma_start3A_206 : memref<10112x32xf32, #tpu.memory_space<vmem_shared>>) offsets(%dma_start3A_203 : memref<128xi32, #tpu.memory_space<vmem>>) semaphore(%arg19 : memref<!tpu.dma_semaphore, #tpu.memory_space<semaphore_mem>>) {add = true}
      %dma_wait3A_207 = arith.constant 0 : i32
      %dma_wait3A_208 = tpu.memref_slice %arg7[%add3A_144, %dma_wait3A_207] : memref<136x128xi32, #tpu.memory_space<vmem>> -> memref<1x128xi32, #tpu.memory_space<vmem>>
      %dma_wait3A_209 = tpu.memref_squeeze %dma_wait3A_208 : memref<1x128xi32, #tpu.memory_space<vmem>> -> memref<128xi32, #tpu.memory_space<vmem>>
      %dma_wait3A_210 = arith.constant 0 : i32
      %dma_wait3A_211 = arith.constant 0 : i32
      %dma_wait3A_212 = tpu.memref_slice %arg17[%dma_wait3A_210, %dma_wait3A_211] : memref<10112x32xf32, #tpu.memory_space<vmem_shared>> -> memref<10112x32xf32, #tpu.memory_space<vmem_shared>>
      tpu.wait_indirect_dma semaphore(%arg19 : memref<!tpu.dma_semaphore, #tpu.memory_space<semaphore_mem>>) src(%arg8 : memref<128x32xf32, #tpu.memory_space<vmem>>) dst(%dma_wait3A_212 : memref<10112x32xf32, #tpu.memory_space<vmem_shared>>)
      %dma_wait3A_213 = arith.constant 0 : i32
      %dma_wait3A_214 = tpu.memref_slice %arg7[%add3A_152, %dma_wait3A_213] : memref<136x128xi32, #tpu.memory_space<vmem>> -> memref<1x128xi32, #tpu.memory_space<vmem>>
      %dma_wait3A_215 = tpu.memref_squeeze %dma_wait3A_214 : memref<1x128xi32, #tpu.memory_space<vmem>> -> memref<128xi32, #tpu.memory_space<vmem>>
      %dma_wait3A_216 = arith.constant 0 : i32
      %dma_wait3A_217 = arith.constant 0 : i32
      %dma_wait3A_218 = tpu.memref_slice %arg17[%dma_wait3A_216, %dma_wait3A_217] : memref<10112x32xf32, #tpu.memory_space<vmem_shared>> -> memref<10112x32xf32, #tpu.memory_space<vmem_shared>>
      tpu.wait_indirect_dma semaphore(%arg19 : memref<!tpu.dma_semaphore, #tpu.memory_space<semaphore_mem>>) src(%arg9 : memref<128x32xf32, #tpu.memory_space<vmem>>) dst(%dma_wait3A_218 : memref<10112x32xf32, #tpu.memory_space<vmem_shared>>)
      %dma_wait3A_219 = arith.constant 0 : i32
      %dma_wait3A_220 = tpu.memref_slice %arg7[%add3A_160, %dma_wait3A_219] : memref<136x128xi32, #tpu.memory_space<vmem>> -> memref<1x128xi32, #tpu.memory_space<vmem>>
      %dma_wait3A_221 = tpu.memref_squeeze %dma_wait3A_220 : memref<1x128xi32, #tpu.memory_space<vmem>> -> memref<128xi32, #tpu.memory_space<vmem>>
      %dma_wait3A_222 = arith.constant 0 : i32
      %dma_wait3A_223 = arith.constant 0 : i32
      %dma_wait3A_224 = tpu.memref_slice %arg17[%dma_wait3A_222, %dma_wait3A_223] : memref<10112x32xf32, #tpu.memory_space<vmem_shared>> -> memref<10112x32xf32, #tpu.memory_space<vmem_shared>>
      tpu.wait_indirect_dma semaphore(%arg19 : memref<!tpu.dma_semaphore, #tpu.memory_space<semaphore_mem>>) src(%arg10 : memref<128x32xf32, #tpu.memory_space<vmem>>) dst(%dma_wait3A_224 : memref<10112x32xf32, #tpu.memory_space<vmem_shared>>)
      %dma_wait3A_225 = arith.constant 0 : i32
      %dma_wait3A_226 = tpu.memref_slice %arg7[%add3A_168, %dma_wait3A_225] : memref<136x128xi32, #tpu.memory_space<vmem>> -> memref<1x128xi32, #tpu.memory_space<vmem>>
      %dma_wait3A_227 = tpu.memref_squeeze %dma_wait3A_226 : memref<1x128xi32, #tpu.memory_space<vmem>> -> memref<128xi32, #tpu.memory_space<vmem>>
      %dma_wait3A_228 = arith.constant 0 : i32
      %dma_wait3A_229 = arith.constant 0 : i32
      %dma_wait3A_230 = tpu.memref_slice %arg17[%dma_wait3A_228, %dma_wait3A_229] : memref<10112x32xf32, #tpu.memory_space<vmem_shared>> -> memref<10112x32xf32, #tpu.memory_space<vmem_shared>>
      tpu.wait_indirect_dma semaphore(%arg19 : memref<!tpu.dma_semaphore, #tpu.memory_space<semaphore_mem>>) src(%arg11 : memref<128x32xf32, #tpu.memory_space<vmem>>) dst(%dma_wait3A_230 : memref<10112x32xf32, #tpu.memory_space<vmem_shared>>)
      %dma_wait3A_231 = arith.constant 0 : i32
      %dma_wait3A_232 = tpu.memref_slice %arg7[%add3A_176, %dma_wait3A_231] : memref<136x128xi32, #tpu.memory_space<vmem>> -> memref<1x128xi32, #tpu.memory_space<vmem>>
      %dma_wait3A_233 = tpu.memref_squeeze %dma_wait3A_232 : memref<1x128xi32, #tpu.memory_space<vmem>> -> memref<128xi32, #tpu.memory_space<vmem>>
      %dma_wait3A_234 = arith.constant 0 : i32
      %dma_wait3A_235 = arith.constant 0 : i32
      %dma_wait3A_236 = tpu.memref_slice %arg17[%dma_wait3A_234, %dma_wait3A_235] : memref<10112x32xf32, #tpu.memory_space<vmem_shared>> -> memref<10112x32xf32, #tpu.memory_space<vmem_shared>>
      tpu.wait_indirect_dma semaphore(%arg19 : memref<!tpu.dma_semaphore, #tpu.memory_space<semaphore_mem>>) src(%arg12 : memref<128x32xf32, #tpu.memory_space<vmem>>) dst(%dma_wait3A_236 : memref<10112x32xf32, #tpu.memory_space<vmem_shared>>)
      %dma_wait3A_237 = arith.constant 0 : i32
      %dma_wait3A_238 = tpu.memref_slice %arg7[%add3A_184, %dma_wait3A_237] : memref<136x128xi32, #tpu.memory_space<vmem>> -> memref<1x128xi32, #tpu.memory_space<vmem>>
      %dma_wait3A_239 = tpu.memref_squeeze %dma_wait3A_238 : memref<1x128xi32, #tpu.memory_space<vmem>> -> memref<128xi32, #tpu.memory_space<vmem>>
      %dma_wait3A_240 = arith.constant 0 : i32
      %dma_wait3A_241 = arith.constant 0 : i32
      %dma_wait3A_242 = tpu.memref_slice %arg17[%dma_wait3A_240, %dma_wait3A_241] : memref<10112x32xf32, #tpu.memory_space<vmem_shared>> -> memref<10112x32xf32, #tpu.memory_space<vmem_shared>>
      tpu.wait_indirect_dma semaphore(%arg19 : memref<!tpu.dma_semaphore, #tpu.memory_space<semaphore_mem>>) src(%arg13 : memref<128x32xf32, #tpu.memory_space<vmem>>) dst(%dma_wait3A_242 : memref<10112x32xf32, #tpu.memory_space<vmem_shared>>)
      %dma_wait3A_243 = arith.constant 0 : i32
      %dma_wait3A_244 = tpu.memref_slice %arg7[%add3A_192, %dma_wait3A_243] : memref<136x128xi32, #tpu.memory_space<vmem>> -> memref<1x128xi32, #tpu.memory_space<vmem>>
      %dma_wait3A_245 = tpu.memref_squeeze %dma_wait3A_244 : memref<1x128xi32, #tpu.memory_space<vmem>> -> memref<128xi32, #tpu.memory_space<vmem>>
      %dma_wait3A_246 = arith.constant 0 : i32
      %dma_wait3A_247 = arith.constant 0 : i32
      %dma_wait3A_248 = tpu.memref_slice %arg17[%dma_wait3A_246, %dma_wait3A_247] : memref<10112x32xf32, #tpu.memory_space<vmem_shared>> -> memref<10112x32xf32, #tpu.memory_space<vmem_shared>>
      tpu.wait_indirect_dma semaphore(%arg19 : memref<!tpu.dma_semaphore, #tpu.memory_space<semaphore_mem>>) src(%arg14 : memref<128x32xf32, #tpu.memory_space<vmem>>) dst(%dma_wait3A_248 : memref<10112x32xf32, #tpu.memory_space<vmem_shared>>)
      %dma_wait3A_249 = arith.constant 0 : i32
      %dma_wait3A_250 = tpu.memref_slice %arg7[%add3A_200, %dma_wait3A_249] : memref<136x128xi32, #tpu.memory_space<vmem>> -> memref<1x128xi32, #tpu.memory_space<vmem>>
      %dma_wait3A_251 = tpu.memref_squeeze %dma_wait3A_250 : memref<1x128xi32, #tpu.memory_space<vmem>> -> memref<128xi32, #tpu.memory_space<vmem>>
      %dma_wait3A_252 = arith.constant 0 : i32
      %dma_wait3A_253 = arith.constant 0 : i32
      %dma_wait3A_254 = tpu.memref_slice %arg17[%dma_wait3A_252, %dma_wait3A_253] : memref<10112x32xf32, #tpu.memory_space<vmem_shared>> -> memref<10112x32xf32, #tpu.memory_space<vmem_shared>>
      tpu.wait_indirect_dma semaphore(%arg19 : memref<!tpu.dma_semaphore, #tpu.memory_space<semaphore_mem>>) src(%arg15 : memref<128x32xf32, #tpu.memory_space<vmem>>) dst(%dma_wait3A_254 : memref<10112x32xf32, #tpu.memory_space<vmem_shared>>)
    }
    %barrier3A_25 = arith.constant 0 : index
    tpu.barrier barrier_id(%barrier3A_25)
    %mul3A_26 = arith.constant 632 : i32
    %mul3A_27 = arith.muli %arg1, %mul3A_26 : i32
    %mul3A_28 = arith.constant 632 : i32
    %mul3A_29 = arith.muli %arg1, %mul3A_28 : i32
    "tpu.region"() ({
      %run_scoped3A = tpu.sem_alloc : memref<!tpu.dma_semaphore, #tpu.memory_space<semaphore_mem>>
      %dma_start3A = arith.constant 0 : i32
      %dma_start3A_30 = tpu.memref_slice %arg5[%arg0, %mul3A_29, %dma_start3A] : memref<2x10112x32xf32, #tpu.memory_space<hbm>> -> memref<1x632x32xf32, #tpu.memory_space<hbm>>
      %dma_start3A_31 = tpu.memref_squeeze %dma_start3A_30 : memref<1x632x32xf32, #tpu.memory_space<hbm>> -> memref<632x32xf32, #tpu.memory_space<hbm>>
      %dma_start3A_32 = arith.constant 0 : i32
      %dma_start3A_33 = tpu.memref_slice %arg17[%mul3A_27, %dma_start3A_32] : memref<10112x32xf32, #tpu.memory_space<vmem_shared>> -> memref<632x32xf32, #tpu.memory_space<vmem_shared>>
      tpu.enqueue_dma source(%dma_start3A_33 : memref<632x32xf32, #tpu.memory_space<vmem_shared>>) target(%dma_start3A_31 : memref<632x32xf32, #tpu.memory_space<hbm>>) target_semaphore(%run_scoped3A : memref<!tpu.dma_semaphore, #tpu.memory_space<semaphore_mem>>)
      %dma_wait3A = arith.constant 0 : i32
      %dma_wait3A_34 = tpu.memref_slice %arg5[%arg0, %mul3A_29, %dma_wait3A] : memref<2x10112x32xf32, #tpu.memory_space<hbm>> -> memref<1x632x32xf32, #tpu.memory_space<hbm>>
      %dma_wait3A_35 = tpu.memref_squeeze %dma_wait3A_34 : memref<1x632x32xf32, #tpu.memory_space<hbm>> -> memref<632x32xf32, #tpu.memory_space<hbm>>
      %dma_wait3A_36 = arith.constant 0 : i32
      %dma_wait3A_37 = tpu.memref_slice %arg17[%mul3A_27, %dma_wait3A_36] : memref<10112x32xf32, #tpu.memory_space<vmem_shared>> -> memref<632x32xf32, #tpu.memory_space<vmem_shared>>
      tpu.wait_dma2 semaphore(%run_scoped3A : memref<!tpu.dma_semaphore, #tpu.memory_space<semaphore_mem>>) src(%dma_wait3A_37 : memref<632x32xf32, #tpu.memory_space<vmem_shared>>) dst(%dma_wait3A_35 : memref<632x32xf32, #tpu.memory_space<hbm>>)
      tpu.yield
    }) : () -> ()
    return
  }
}

#map = affine_map<(d0, d1) -> (0, 0)>
#map1 = affine_map<(d0, d1) -> (0, 0, 0)>
module attributes {stable_mosaic.version = 14 : i64} {
  func.func @body(%arg0: i32, %arg1: i32, %arg2: memref<10000x16xf32, #tpu.memory_space<hbm>>, %arg3: memref<2672x128xi32, #tpu.memory_space<hbm>>, %arg4: memref<2672x128xi32, #tpu.memory_space<hbm>>, %arg5: memref<2x10112x16xf32, #tpu.memory_space<hbm>>, %arg6: memref<136x128xi32, #tpu.memory_space<vmem>>, %arg7: memref<136x128xi32, #tpu.memory_space<vmem>>, %arg8: memref<128x16xf32, #tpu.memory_space<vmem>>, %arg9: memref<128x16xf32, #tpu.memory_space<vmem>>, %arg10: memref<128x16xf32, #tpu.memory_space<vmem>>, %arg11: memref<128x16xf32, #tpu.memory_space<vmem>>, %arg12: memref<128x16xf32, #tpu.memory_space<vmem>>, %arg13: memref<128x16xf32, #tpu.memory_space<vmem>>, %arg14: memref<128x16xf32, #tpu.memory_space<vmem>>, %arg15: memref<128x16xf32, #tpu.memory_space<vmem>>, %arg16: memref<632x16xf32, #tpu.memory_space<vmem>>, %arg17: memref<10112x16xf32, #tpu.memory_space<vmem_shared>>, %arg18: memref<!tpu.dma_semaphore, #tpu.memory_space<semaphore_mem>>, %arg19: memref<!tpu.dma_semaphore, #tpu.memory_space<semaphore_mem>>) attributes {dimension_semantics = [#tpu.dimension_semantics<core_parallel>, #tpu.dimension_semantics<subcore_parallel>], iteration_bounds = array<i64: 2, 16>, scalar_prefetch = 0 : i64, scratch_operands = 14 : i64, tpu.core_type = #tpu.core_type<sc_vector_subcore>, window_params = [{transform_indices = #map}, {transform_indices = #map}, {transform_indices = #map}, {transform_indices = #map1}]} {
    %eq3A = arith.constant 0 : i32
    %eq3A_0 = arith.cmpi eq, %arg0, %eq3A : i32
    %mul3A = arith.constant 136 : i32
    %mul3A_1 = arith.muli %arg1, %mul3A : i32
    %mul3A_2 = arith.constant 24 : i32
    %mul3A_3 = arith.muli %arg1, %mul3A_2 : i32
    %add3A = arith.constant 2176 : i32
    %add3A_4 = arith.addi %add3A, %mul3A_3 : i32
    %select_n3A = arith.select %eq3A_0, %mul3A_1, %add3A_4 : i32
    %eq3A_5 = arith.constant 0 : i32
    %eq3A_6 = arith.cmpi eq, %arg0, %eq3A_5 : i32
    %jit3A = arith.constant 17 : i32
    %jit3A_7 = arith.constant 3 : i32
    %select_n3A_8 = arith.select %eq3A_6, %jit3A, %jit3A_7 : i32
    %scan3A = arith.constant 0 : i32
    %scan3A_9 = arith.constant 0 : i32
    %scan3A_10 = arith.constant 632 : i32
    %scan3A_11 = arith.addi %scan3A_9, %scan3A_10 : i32
    %scan3A_12 = arith.constant 1 : i32
    scf.for %scan3A_30 = %scan3A_9 to %scan3A_11 step %scan3A_12  : i32 {
      %broadcast_in_dim3A = arith.constant 0.000000e+00 : f32
      %broadcast_in_dim3A_31 = vector.broadcast %broadcast_in_dim3A : f32 to vector<16xf32>
      %swap3A = arith.index_cast %scan3A_30 : i32 to index
      %swap3A_32 = arith.constant 0 : index
      %swap3A_33 = tpu.vector_load %arg16[%swap3A, %swap3A_32] {strides = array<i32>} : memref<632x16xf32, #tpu.memory_space<vmem>>, vector<1x16xf32>,
      %swap3A_34 = vector.shape_cast %swap3A_33 : vector<1x16xf32> to vector<16xf32>
      %swap3A_35 = vector.shape_cast %broadcast_in_dim3A_31 : vector<16xf32> to vector<1x16xf32>
      tpu.vector_store %arg16[%swap3A, %swap3A_32], %swap3A_35 {strides = array<i32>} : memref<632x16xf32, #tpu.memory_space<vmem>>, vector<1x16xf32>,
    }
    %scan3A_13 = arith.constant 632 : i32
    %mul3A_14 = arith.constant 632 : i32
    %mul3A_15 = arith.muli %arg1, %mul3A_14 : i32
    "tpu.region"() ({
      %run_scoped3A = tpu.sem_alloc : memref<!tpu.dma_semaphore, #tpu.memory_space<semaphore_mem>>
      %dma_start3A = arith.constant 0 : i32
      %dma_start3A_30 = tpu.memref_slice %arg17[%mul3A_15, %dma_start3A] : memref<10112x16xf32, #tpu.memory_space<vmem_shared>> -> memref<632x16xf32, #tpu.memory_space<vmem_shared>>
      %dma_start3A_31 = arith.constant 0 : i32
      %dma_start3A_32 = tpu.memref_slice %arg17[%mul3A_15, %dma_start3A_31] : memref<10112x16xf32, #tpu.memory_space<vmem_shared>> -> memref<632x16xf32, #tpu.memory_space<vmem_shared>>
      tpu.enqueue_dma source(%arg16 : memref<632x16xf32, #tpu.memory_space<vmem>>) target(%dma_start3A_32 : memref<632x16xf32, #tpu.memory_space<vmem_shared>>) target_semaphore(%run_scoped3A : memref<!tpu.dma_semaphore, #tpu.memory_space<semaphore_mem>>)
      %dma_wait3A = arith.constant 0 : i32
      %dma_wait3A_33 = tpu.memref_slice %arg17[%mul3A_15, %dma_wait3A] : memref<10112x16xf32, #tpu.memory_space<vmem_shared>> -> memref<632x16xf32, #tpu.memory_space<vmem_shared>>
      %dma_wait3A_34 = arith.constant 0 : i32
      %dma_wait3A_35 = tpu.memref_slice %arg17[%mul3A_15, %dma_wait3A_34] : memref<10112x16xf32, #tpu.memory_space<vmem_shared>> -> memref<632x16xf32, #tpu.memory_space<vmem_shared>>
      tpu.wait_dma2 semaphore(%run_scoped3A : memref<!tpu.dma_semaphore, #tpu.memory_space<semaphore_mem>>) src(%arg16 : memref<632x16xf32, #tpu.memory_space<vmem>>) dst(%dma_wait3A_35 : memref<632x16xf32, #tpu.memory_space<vmem_shared>>)
      tpu.yield
    }) : () -> ()
    %barrier3A = arith.constant 0 : index
    tpu.barrier barrier_id(%barrier3A)
    "tpu.region"() ({
      %run_scoped3A = tpu.sem_alloc : memref<!tpu.dma_semaphore, #tpu.memory_space<semaphore_mem>>
      %dma_start3A = arith.constant 0 : i32
      %dma_start3A_30 = tpu.memref_slice %arg3[%select_n3A, %dma_start3A] : memref<2672x128xi32, #tpu.memory_space<hbm>> -> memref<136x128xi32, #tpu.memory_space<hbm>>
      %dma_start3A_31 = arith.constant 0 : i32
      %dma_start3A_32 = tpu.memref_slice %arg3[%select_n3A, %dma_start3A_31] : memref<2672x128xi32, #tpu.memory_space<hbm>> -> memref<136x128xi32, #tpu.memory_space<hbm>>
      tpu.enqueue_dma source(%dma_start3A_32 : memref<136x128xi32, #tpu.memory_space<hbm>>) target(%arg6 : memref<136x128xi32, #tpu.memory_space<vmem>>) target_semaphore(%run_scoped3A : memref<!tpu.dma_semaphore, #tpu.memory_space<semaphore_mem>>)
      %dma_wait3A = arith.constant 0 : i32
      %dma_wait3A_33 = tpu.memref_slice %arg3[%select_n3A, %dma_wait3A] : memref<2672x128xi32, #tpu.memory_space<hbm>> -> memref<136x128xi32, #tpu.memory_space<hbm>>
      %dma_wait3A_34 = arith.constant 0 : i32
      %dma_wait3A_35 = tpu.memref_slice %arg3[%select_n3A, %dma_wait3A_34] : memref<2672x128xi32, #tpu.memory_space<hbm>> -> memref<136x128xi32, #tpu.memory_space<hbm>>
      tpu.wait_dma2 semaphore(%run_scoped3A : memref<!tpu.dma_semaphore, #tpu.memory_space<semaphore_mem>>) src(%dma_wait3A_35 : memref<136x128xi32, #tpu.memory_space<hbm>>) dst(%arg6 : memref<136x128xi32, #tpu.memory_space<vmem>>)
      tpu.yield
    }) : () -> ()
    "tpu.region"() ({
      %run_scoped3A = tpu.sem_alloc : memref<!tpu.dma_semaphore, #tpu.memory_space<semaphore_mem>>
      %dma_start3A = arith.constant 0 : i32
      %dma_start3A_30 = tpu.memref_slice %arg4[%select_n3A, %dma_start3A] : memref<2672x128xi32, #tpu.memory_space<hbm>> -> memref<136x128xi32, #tpu.memory_space<hbm>>
      %dma_start3A_31 = arith.constant 0 : i32
      %dma_start3A_32 = tpu.memref_slice %arg4[%select_n3A, %dma_start3A_31] : memref<2672x128xi32, #tpu.memory_space<hbm>> -> memref<136x128xi32, #tpu.memory_space<hbm>>
      tpu.enqueue_dma source(%dma_start3A_32 : memref<136x128xi32, #tpu.memory_space<hbm>>) target(%arg7 : memref<136x128xi32, #tpu.memory_space<vmem>>) target_semaphore(%run_scoped3A : memref<!tpu.dma_semaphore, #tpu.memory_space<semaphore_mem>>)
      %dma_wait3A = arith.constant 0 : i32
      %dma_wait3A_33 = tpu.memref_slice %arg4[%select_n3A, %dma_wait3A] : memref<2672x128xi32, #tpu.memory_space<hbm>> -> memref<136x128xi32, #tpu.memory_space<hbm>>
      %dma_wait3A_34 = arith.constant 0 : i32
      %dma_wait3A_35 = tpu.memref_slice %arg4[%select_n3A, %dma_wait3A_34] : memref<2672x128xi32, #tpu.memory_space<hbm>> -> memref<136x128xi32, #tpu.memory_space<hbm>>
      tpu.wait_dma2 semaphore(%run_scoped3A : memref<!tpu.dma_semaphore, #tpu.memory_space<semaphore_mem>>) src(%dma_wait3A_35 : memref<136x128xi32, #tpu.memory_space<hbm>>) dst(%arg7 : memref<136x128xi32, #tpu.memory_space<vmem>>)
      tpu.yield
    }) : () -> ()
    %while3A = arith.constant 0 : i32
    %while3A_16 = arith.constant 0 : i32
    %while3A_17 = arith.subi %select_n3A_8, %while3A_16 : i32
    %while3A_18 = arith.addi %while3A_16, %while3A_17 : i32
    %while3A_19 = arith.constant 1 : i32
    %while3A_20 = arith.divsi %while3A_17, %while3A_19 : i32
    %while3A_21 = arith.muli %while3A_20, %while3A_19 : i32
    %while3A_22 = arith.addi %while3A_16, %while3A_21 : i32
    %while3A_23 = arith.constant 1 : i32
    scf.for %while3A_30 = %while3A_16 to %while3A_22 step %while3A_23  : i32 {
      %mul3A_31 = arith.constant 8 : i32
      %mul3A_32 = arith.muli %while3A_30, %mul3A_31 : i32
      %add3A_33 = arith.constant 0 : i32
      %add3A_34 = arith.addi %mul3A_32, %add3A_33 : i32
      %dma_start3A = arith.constant 0 : i32
      %dma_start3A_35 = tpu.memref_slice %arg6[%add3A_34, %dma_start3A] : memref<136x128xi32, #tpu.memory_space<vmem>> -> memref<1x128xi32, #tpu.memory_space<vmem>>
      %dma_start3A_36 = tpu.memref_squeeze %dma_start3A_35 : memref<1x128xi32, #tpu.memory_space<vmem>> -> memref<128xi32, #tpu.memory_space<vmem>>
      %dma_start3A_37 = arith.constant 0 : i32
      %dma_start3A_38 = arith.constant 0 : i32
      %dma_start3A_39 = tpu.memref_slice %arg2[%dma_start3A_37, %dma_start3A_38] : memref<10000x16xf32, #tpu.memory_space<hbm>> -> memref<10000x16xf32, #tpu.memory_space<hbm>>
      tpu.enqueue_indirect_dma source(%dma_start3A_39 : memref<10000x16xf32, #tpu.memory_space<hbm>>) target(%arg8 : memref<128x16xf32, #tpu.memory_space<vmem>>) offsets(%dma_start3A_36 : memref<128xi32, #tpu.memory_space<vmem>>) semaphore(%arg18 : memref<!tpu.dma_semaphore, #tpu.memory_space<semaphore_mem>>)
      %add3A_40 = arith.constant 1 : i32
      %add3A_41 = arith.addi %mul3A_32, %add3A_40 : i32
      %dma_start3A_42 = arith.constant 0 : i32
      %dma_start3A_43 = tpu.memref_slice %arg6[%add3A_41, %dma_start3A_42] : memref<136x128xi32, #tpu.memory_space<vmem>> -> memref<1x128xi32, #tpu.memory_space<vmem>>
      %dma_start3A_44 = tpu.memref_squeeze %dma_start3A_43 : memref<1x128xi32, #tpu.memory_space<vmem>> -> memref<128xi32, #tpu.memory_space<vmem>>
      %dma_start3A_45 = arith.constant 0 : i32
      %dma_start3A_46 = arith.constant 0 : i32
      %dma_start3A_47 = tpu.memref_slice %arg2[%dma_start3A_45, %dma_start3A_46] : memref<10000x16xf32, #tpu.memory_space<hbm>> -> memref<10000x16xf32, #tpu.memory_space<hbm>>
      tpu.enqueue_indirect_dma source(%dma_start3A_47 : memref<10000x16xf32, #tpu.memory_space<hbm>>) target(%arg9 : memref<128x16xf32, #tpu.memory_space<vmem>>) offsets(%dma_start3A_44 : memref<128xi32, #tpu.memory_space<vmem>>) semaphore(%arg18 : memref<!tpu.dma_semaphore, #tpu.memory_space<semaphore_mem>>)
      %add3A_48 = arith.constant 2 : i32
      %add3A_49 = arith.addi %mul3A_32, %add3A_48 : i32
      %dma_start3A_50 = arith.constant 0 : i32
      %dma_start3A_51 = tpu.memref_slice %arg6[%add3A_49, %dma_start3A_50] : memref<136x128xi32, #tpu.memory_space<vmem>> -> memref<1x128xi32, #tpu.memory_space<vmem>>
      %dma_start3A_52 = tpu.memref_squeeze %dma_start3A_51 : memref<1x128xi32, #tpu.memory_space<vmem>> -> memref<128xi32, #tpu.memory_space<vmem>>
      %dma_start3A_53 = arith.constant 0 : i32
      %dma_start3A_54 = arith.constant 0 : i32
      %dma_start3A_55 = tpu.memref_slice %arg2[%dma_start3A_53, %dma_start3A_54] : memref<10000x16xf32, #tpu.memory_space<hbm>> -> memref<10000x16xf32, #tpu.memory_space<hbm>>
      tpu.enqueue_indirect_dma source(%dma_start3A_55 : memref<10000x16xf32, #tpu.memory_space<hbm>>) target(%arg10 : memref<128x16xf32, #tpu.memory_space<vmem>>) offsets(%dma_start3A_52 : memref<128xi32, #tpu.memory_space<vmem>>) semaphore(%arg18 : memref<!tpu.dma_semaphore, #tpu.memory_space<semaphore_mem>>)
      %add3A_56 = arith.constant 3 : i32
      %add3A_57 = arith.addi %mul3A_32, %add3A_56 : i32
      %dma_start3A_58 = arith.constant 0 : i32
      %dma_start3A_59 = tpu.memref_slice %arg6[%add3A_57, %dma_start3A_58] : memref<136x128xi32, #tpu.memory_space<vmem>> -> memref<1x128xi32, #tpu.memory_space<vmem>>
      %dma_start3A_60 = tpu.memref_squeeze %dma_start3A_59 : memref<1x128xi32, #tpu.memory_space<vmem>> -> memref<128xi32, #tpu.memory_space<vmem>>
      %dma_start3A_61 = arith.constant 0 : i32
      %dma_start3A_62 = arith.constant 0 : i32
      %dma_start3A_63 = tpu.memref_slice %arg2[%dma_start3A_61, %dma_start3A_62] : memref<10000x16xf32, #tpu.memory_space<hbm>> -> memref<10000x16xf32, #tpu.memory_space<hbm>>
      tpu.enqueue_indirect_dma source(%dma_start3A_63 : memref<10000x16xf32, #tpu.memory_space<hbm>>) target(%arg11 : memref<128x16xf32, #tpu.memory_space<vmem>>) offsets(%dma_start3A_60 : memref<128xi32, #tpu.memory_space<vmem>>) semaphore(%arg18 : memref<!tpu.dma_semaphore, #tpu.memory_space<semaphore_mem>>)
      %add3A_64 = arith.constant 4 : i32
      %add3A_65 = arith.addi %mul3A_32, %add3A_64 : i32
      %dma_start3A_66 = arith.constant 0 : i32
      %dma_start3A_67 = tpu.memref_slice %arg6[%add3A_65, %dma_start3A_66] : memref<136x128xi32, #tpu.memory_space<vmem>> -> memref<1x128xi32, #tpu.memory_space<vmem>>
      %dma_start3A_68 = tpu.memref_squeeze %dma_start3A_67 : memref<1x128xi32, #tpu.memory_space<vmem>> -> memref<128xi32, #tpu.memory_space<vmem>>
      %dma_start3A_69 = arith.constant 0 : i32
      %dma_start3A_70 = arith.constant 0 : i32
      %dma_start3A_71 = tpu.memref_slice %arg2[%dma_start3A_69, %dma_start3A_70] : memref<10000x16xf32, #tpu.memory_space<hbm>> -> memref<10000x16xf32, #tpu.memory_space<hbm>>
      tpu.enqueue_indirect_dma source(%dma_start3A_71 : memref<10000x16xf32, #tpu.memory_space<hbm>>) target(%arg12 : memref<128x16xf32, #tpu.memory_space<vmem>>) offsets(%dma_start3A_68 : memref<128xi32, #tpu.memory_space<vmem>>) semaphore(%arg18 : memref<!tpu.dma_semaphore, #tpu.memory_space<semaphore_mem>>)
      %add3A_72 = arith.constant 5 : i32
      %add3A_73 = arith.addi %mul3A_32, %add3A_72 : i32
      %dma_start3A_74 = arith.constant 0 : i32
      %dma_start3A_75 = tpu.memref_slice %arg6[%add3A_73, %dma_start3A_74] : memref<136x128xi32, #tpu.memory_space<vmem>> -> memref<1x128xi32, #tpu.memory_space<vmem>>
      %dma_start3A_76 = tpu.memref_squeeze %dma_start3A_75 : memref<1x128xi32, #tpu.memory_space<vmem>> -> memref<128xi32, #tpu.memory_space<vmem>>
      %dma_start3A_77 = arith.constant 0 : i32
      %dma_start3A_78 = arith.constant 0 : i32
      %dma_start3A_79 = tpu.memref_slice %arg2[%dma_start3A_77, %dma_start3A_78] : memref<10000x16xf32, #tpu.memory_space<hbm>> -> memref<10000x16xf32, #tpu.memory_space<hbm>>
      tpu.enqueue_indirect_dma source(%dma_start3A_79 : memref<10000x16xf32, #tpu.memory_space<hbm>>) target(%arg13 : memref<128x16xf32, #tpu.memory_space<vmem>>) offsets(%dma_start3A_76 : memref<128xi32, #tpu.memory_space<vmem>>) semaphore(%arg18 : memref<!tpu.dma_semaphore, #tpu.memory_space<semaphore_mem>>)
      %add3A_80 = arith.constant 6 : i32
      %add3A_81 = arith.addi %mul3A_32, %add3A_80 : i32
      %dma_start3A_82 = arith.constant 0 : i32
      %dma_start3A_83 = tpu.memref_slice %arg6[%add3A_81, %dma_start3A_82] : memref<136x128xi32, #tpu.memory_space<vmem>> -> memref<1x128xi32, #tpu.memory_space<vmem>>
      %dma_start3A_84 = tpu.memref_squeeze %dma_start3A_83 : memref<1x128xi32, #tpu.memory_space<vmem>> -> memref<128xi32, #tpu.memory_space<vmem>>
      %dma_start3A_85 = arith.constant 0 : i32
      %dma_start3A_86 = arith.constant 0 : i32
      %dma_start3A_87 = tpu.memref_slice %arg2[%dma_start3A_85, %dma_start3A_86] : memref<10000x16xf32, #tpu.memory_space<hbm>> -> memref<10000x16xf32, #tpu.memory_space<hbm>>
      tpu.enqueue_indirect_dma source(%dma_start3A_87 : memref<10000x16xf32, #tpu.memory_space<hbm>>) target(%arg14 : memref<128x16xf32, #tpu.memory_space<vmem>>) offsets(%dma_start3A_84 : memref<128xi32, #tpu.memory_space<vmem>>) semaphore(%arg18 : memref<!tpu.dma_semaphore, #tpu.memory_space<semaphore_mem>>)
      %add3A_88 = arith.constant 7 : i32
      %add3A_89 = arith.addi %mul3A_32, %add3A_88 : i32
      %dma_start3A_90 = arith.constant 0 : i32
      %dma_start3A_91 = tpu.memref_slice %arg6[%add3A_89, %dma_start3A_90] : memref<136x128xi32, #tpu.memory_space<vmem>> -> memref<1x128xi32, #tpu.memory_space<vmem>>
      %dma_start3A_92 = tpu.memref_squeeze %dma_start3A_91 : memref<1x128xi32, #tpu.memory_space<vmem>> -> memref<128xi32, #tpu.memory_space<vmem>>
      %dma_start3A_93 = arith.constant 0 : i32
      %dma_start3A_94 = arith.constant 0 : i32
      %dma_start3A_95 = tpu.memref_slice %arg2[%dma_start3A_93, %dma_start3A_94] : memref<10000x16xf32, #tpu.memory_space<hbm>> -> memref<10000x16xf32, #tpu.memory_space<hbm>>
      tpu.enqueue_indirect_dma source(%dma_start3A_95 : memref<10000x16xf32, #tpu.memory_space<hbm>>) target(%arg15 : memref<128x16xf32, #tpu.memory_space<vmem>>) offsets(%dma_start3A_92 : memref<128xi32, #tpu.memory_space<vmem>>) semaphore(%arg18 : memref<!tpu.dma_semaphore, #tpu.memory_space<semaphore_mem>>)
      %dma_wait3A = arith.constant 0 : i32
      %dma_wait3A_96 = tpu.memref_slice %arg6[%add3A_34, %dma_wait3A] : memref<136x128xi32, #tpu.memory_space<vmem>> -> memref<1x128xi32, #tpu.memory_space<vmem>>
      %dma_wait3A_97 = tpu.memref_squeeze %dma_wait3A_96 : memref<1x128xi32, #tpu.memory_space<vmem>> -> memref<128xi32, #tpu.memory_space<vmem>>
      %dma_wait3A_98 = arith.constant 0 : i32
      %dma_wait3A_99 = arith.constant 0 : i32
      %dma_wait3A_100 = tpu.memref_slice %arg2[%dma_wait3A_98, %dma_wait3A_99] : memref<10000x16xf32, #tpu.memory_space<hbm>> -> memref<10000x16xf32, #tpu.memory_space<hbm>>
      tpu.wait_indirect_dma semaphore(%arg18 : memref<!tpu.dma_semaphore, #tpu.memory_space<semaphore_mem>>) src(%dma_wait3A_100 : memref<10000x16xf32, #tpu.memory_space<hbm>>) dst(%arg8 : memref<128x16xf32, #tpu.memory_space<vmem>>)
      %dma_wait3A_101 = arith.constant 0 : i32
      %dma_wait3A_102 = tpu.memref_slice %arg6[%add3A_41, %dma_wait3A_101] : memref<136x128xi32, #tpu.memory_space<vmem>> -> memref<1x128xi32, #tpu.memory_space<vmem>>
      %dma_wait3A_103 = tpu.memref_squeeze %dma_wait3A_102 : memref<1x128xi32, #tpu.memory_space<vmem>> -> memref<128xi32, #tpu.memory_space<vmem>>
      %dma_wait3A_104 = arith.constant 0 : i32
      %dma_wait3A_105 = arith.constant 0 : i32
      %dma_wait3A_106 = tpu.memref_slice %arg2[%dma_wait3A_104, %dma_wait3A_105] : memref<10000x16xf32, #tpu.memory_space<hbm>> -> memref<10000x16xf32, #tpu.memory_space<hbm>>
      tpu.wait_indirect_dma semaphore(%arg18 : memref<!tpu.dma_semaphore, #tpu.memory_space<semaphore_mem>>) src(%dma_wait3A_106 : memref<10000x16xf32, #tpu.memory_space<hbm>>) dst(%arg9 : memref<128x16xf32, #tpu.memory_space<vmem>>)
      %dma_wait3A_107 = arith.constant 0 : i32
      %dma_wait3A_108 = tpu.memref_slice %arg6[%add3A_49, %dma_wait3A_107] : memref<136x128xi32, #tpu.memory_space<vmem>> -> memref<1x128xi32, #tpu.memory_space<vmem>>
      %dma_wait3A_109 = tpu.memref_squeeze %dma_wait3A_108 : memref<1x128xi32, #tpu.memory_space<vmem>> -> memref<128xi32, #tpu.memory_space<vmem>>
      %dma_wait3A_110 = arith.constant 0 : i32
      %dma_wait3A_111 = arith.constant 0 : i32
      %dma_wait3A_112 = tpu.memref_slice %arg2[%dma_wait3A_110, %dma_wait3A_111] : memref<10000x16xf32, #tpu.memory_space<hbm>> -> memref<10000x16xf32, #tpu.memory_space<hbm>>
      tpu.wait_indirect_dma semaphore(%arg18 : memref<!tpu.dma_semaphore, #tpu.memory_space<semaphore_mem>>) src(%dma_wait3A_112 : memref<10000x16xf32, #tpu.memory_space<hbm>>) dst(%arg10 : memref<128x16xf32, #tpu.memory_space<vmem>>)
      %dma_wait3A_113 = arith.constant 0 : i32
      %dma_wait3A_114 = tpu.memref_slice %arg6[%add3A_57, %dma_wait3A_113] : memref<136x128xi32, #tpu.memory_space<vmem>> -> memref<1x128xi32, #tpu.memory_space<vmem>>
      %dma_wait3A_115 = tpu.memref_squeeze %dma_wait3A_114 : memref<1x128xi32, #tpu.memory_space<vmem>> -> memref<128xi32, #tpu.memory_space<vmem>>
      %dma_wait3A_116 = arith.constant 0 : i32
      %dma_wait3A_117 = arith.constant 0 : i32
      %dma_wait3A_118 = tpu.memref_slice %arg2[%dma_wait3A_116, %dma_wait3A_117] : memref<10000x16xf32, #tpu.memory_space<hbm>> -> memref<10000x16xf32, #tpu.memory_space<hbm>>
      tpu.wait_indirect_dma semaphore(%arg18 : memref<!tpu.dma_semaphore, #tpu.memory_space<semaphore_mem>>) src(%dma_wait3A_118 : memref<10000x16xf32, #tpu.memory_space<hbm>>) dst(%arg11 : memref<128x16xf32, #tpu.memory_space<vmem>>)
      %dma_wait3A_119 = arith.constant 0 : i32
      %dma_wait3A_120 = tpu.memref_slice %arg6[%add3A_65, %dma_wait3A_119] : memref<136x128xi32, #tpu.memory_space<vmem>> -> memref<1x128xi32, #tpu.memory_space<vmem>>
      %dma_wait3A_121 = tpu.memref_squeeze %dma_wait3A_120 : memref<1x128xi32, #tpu.memory_space<vmem>> -> memref<128xi32, #tpu.memory_space<vmem>>
      %dma_wait3A_122 = arith.constant 0 : i32
      %dma_wait3A_123 = arith.constant 0 : i32
      %dma_wait3A_124 = tpu.memref_slice %arg2[%dma_wait3A_122, %dma_wait3A_123] : memref<10000x16xf32, #tpu.memory_space<hbm>> -> memref<10000x16xf32, #tpu.memory_space<hbm>>
      tpu.wait_indirect_dma semaphore(%arg18 : memref<!tpu.dma_semaphore, #tpu.memory_space<semaphore_mem>>) src(%dma_wait3A_124 : memref<10000x16xf32, #tpu.memory_space<hbm>>) dst(%arg12 : memref<128x16xf32, #tpu.memory_space<vmem>>)
      %dma_wait3A_125 = arith.constant 0 : i32
      %dma_wait3A_126 = tpu.memref_slice %arg6[%add3A_73, %dma_wait3A_125] : memref<136x128xi32, #tpu.memory_space<vmem>> -> memref<1x128xi32, #tpu.memory_space<vmem>>
      %dma_wait3A_127 = tpu.memref_squeeze %dma_wait3A_126 : memref<1x128xi32, #tpu.memory_space<vmem>> -> memref<128xi32, #tpu.memory_space<vmem>>
      %dma_wait3A_128 = arith.constant 0 : i32
      %dma_wait3A_129 = arith.constant 0 : i32
      %dma_wait3A_130 = tpu.memref_slice %arg2[%dma_wait3A_128, %dma_wait3A_129] : memref<10000x16xf32, #tpu.memory_space<hbm>> -> memref<10000x16xf32, #tpu.memory_space<hbm>>
      tpu.wait_indirect_dma semaphore(%arg18 : memref<!tpu.dma_semaphore, #tpu.memory_space<semaphore_mem>>) src(%dma_wait3A_130 : memref<10000x16xf32, #tpu.memory_space<hbm>>) dst(%arg13 : memref<128x16xf32, #tpu.memory_space<vmem>>)
      %dma_wait3A_131 = arith.constant 0 : i32
      %dma_wait3A_132 = tpu.memref_slice %arg6[%add3A_81, %dma_wait3A_131] : memref<136x128xi32, #tpu.memory_space<vmem>> -> memref<1x128xi32, #tpu.memory_space<vmem>>
      %dma_wait3A_133 = tpu.memref_squeeze %dma_wait3A_132 : memref<1x128xi32, #tpu.memory_space<vmem>> -> memref<128xi32, #tpu.memory_space<vmem>>
      %dma_wait3A_134 = arith.constant 0 : i32
      %dma_wait3A_135 = arith.constant 0 : i32
      %dma_wait3A_136 = tpu.memref_slice %arg2[%dma_wait3A_134, %dma_wait3A_135] : memref<10000x16xf32, #tpu.memory_space<hbm>> -> memref<10000x16xf32, #tpu.memory_space<hbm>>
      tpu.wait_indirect_dma semaphore(%arg18 : memref<!tpu.dma_semaphore, #tpu.memory_space<semaphore_mem>>) src(%dma_wait3A_136 : memref<10000x16xf32, #tpu.memory_space<hbm>>) dst(%arg14 : memref<128x16xf32, #tpu.memory_space<vmem>>)
      %dma_wait3A_137 = arith.constant 0 : i32
      %dma_wait3A_138 = tpu.memref_slice %arg6[%add3A_89, %dma_wait3A_137] : memref<136x128xi32, #tpu.memory_space<vmem>> -> memref<1x128xi32, #tpu.memory_space<vmem>>
      %dma_wait3A_139 = tpu.memref_squeeze %dma_wait3A_138 : memref<1x128xi32, #tpu.memory_space<vmem>> -> memref<128xi32, #tpu.memory_space<vmem>>
      %dma_wait3A_140 = arith.constant 0 : i32
      %dma_wait3A_141 = arith.constant 0 : i32
      %dma_wait3A_142 = tpu.memref_slice %arg2[%dma_wait3A_140, %dma_wait3A_141] : memref<10000x16xf32, #tpu.memory_space<hbm>> -> memref<10000x16xf32, #tpu.memory_space<hbm>>
      tpu.wait_indirect_dma semaphore(%arg18 : memref<!tpu.dma_semaphore, #tpu.memory_space<semaphore_mem>>) src(%dma_wait3A_142 : memref<10000x16xf32, #tpu.memory_space<hbm>>) dst(%arg15 : memref<128x16xf32, #tpu.memory_space<vmem>>)
      %add3A_143 = arith.constant 0 : i32
      %add3A_144 = arith.addi %mul3A_32, %add3A_143 : i32
      %dma_start3A_145 = arith.constant 0 : i32
      %dma_start3A_146 = tpu.memref_slice %arg7[%add3A_144, %dma_start3A_145] : memref<136x128xi32, #tpu.memory_space<vmem>> -> memref<1x128xi32, #tpu.memory_space<vmem>>
      %dma_start3A_147 = tpu.memref_squeeze %dma_start3A_146 : memref<1x128xi32, #tpu.memory_space<vmem>> -> memref<128xi32, #tpu.memory_space<vmem>>
      %dma_start3A_148 = arith.constant 0 : i32
      %dma_start3A_149 = arith.constant 0 : i32
      %dma_start3A_150 = tpu.memref_slice %arg17[%dma_start3A_148, %dma_start3A_149] : memref<10112x16xf32, #tpu.memory_space<vmem_shared>> -> memref<10112x16xf32, #tpu.memory_space<vmem_shared>>
      tpu.enqueue_indirect_dma source(%arg8 : memref<128x16xf32, #tpu.memory_space<vmem>>) target(%dma_start3A_150 : memref<10112x16xf32, #tpu.memory_space<vmem_shared>>) offsets(%dma_start3A_147 : memref<128xi32, #tpu.memory_space<vmem>>) semaphore(%arg19 : memref<!tpu.dma_semaphore, #tpu.memory_space<semaphore_mem>>) {add = true}
      %add3A_151 = arith.constant 1 : i32
      %add3A_152 = arith.addi %mul3A_32, %add3A_151 : i32
      %dma_start3A_153 = arith.constant 0 : i32
      %dma_start3A_154 = tpu.memref_slice %arg7[%add3A_152, %dma_start3A_153] : memref<136x128xi32, #tpu.memory_space<vmem>> -> memref<1x128xi32, #tpu.memory_space<vmem>>
      %dma_start3A_155 = tpu.memref_squeeze %dma_start3A_154 : memref<1x128xi32, #tpu.memory_space<vmem>> -> memref<128xi32, #tpu.memory_space<vmem>>
      %dma_start3A_156 = arith.constant 0 : i32
      %dma_start3A_157 = arith.constant 0 : i32
      %dma_start3A_158 = tpu.memref_slice %arg17[%dma_start3A_156, %dma_start3A_157] : memref<10112x16xf32, #tpu.memory_space<vmem_shared>> -> memref<10112x16xf32, #tpu.memory_space<vmem_shared>>
      tpu.enqueue_indirect_dma source(%arg9 : memref<128x16xf32, #tpu.memory_space<vmem>>) target(%dma_start3A_158 : memref<10112x16xf32, #tpu.memory_space<vmem_shared>>) offsets(%dma_start3A_155 : memref<128xi32, #tpu.memory_space<vmem>>) semaphore(%arg19 : memref<!tpu.dma_semaphore, #tpu.memory_space<semaphore_mem>>) {add = true}
      %add3A_159 = arith.constant 2 : i32
      %add3A_160 = arith.addi %mul3A_32, %add3A_159 : i32
      %dma_start3A_161 = arith.constant 0 : i32
      %dma_start3A_162 = tpu.memref_slice %arg7[%add3A_160, %dma_start3A_161] : memref<136x128xi32, #tpu.memory_space<vmem>> -> memref<1x128xi32, #tpu.memory_space<vmem>>
      %dma_start3A_163 = tpu.memref_squeeze %dma_start3A_162 : memref<1x128xi32, #tpu.memory_space<vmem>> -> memref<128xi32, #tpu.memory_space<vmem>>
      %dma_start3A_164 = arith.constant 0 : i32
      %dma_start3A_165 = arith.constant 0 : i32
      %dma_start3A_166 = tpu.memref_slice %arg17[%dma_start3A_164, %dma_start3A_165] : memref<10112x16xf32, #tpu.memory_space<vmem_shared>> -> memref<10112x16xf32, #tpu.memory_space<vmem_shared>>
      tpu.enqueue_indirect_dma source(%arg10 : memref<128x16xf32, #tpu.memory_space<vmem>>) target(%dma_start3A_166 : memref<10112x16xf32, #tpu.memory_space<vmem_shared>>) offsets(%dma_start3A_163 : memref<128xi32, #tpu.memory_space<vmem>>) semaphore(%arg19 : memref<!tpu.dma_semaphore, #tpu.memory_space<semaphore_mem>>) {add = true}
      %add3A_167 = arith.constant 3 : i32
      %add3A_168 = arith.addi %mul3A_32, %add3A_167 : i32
      %dma_start3A_169 = arith.constant 0 : i32
      %dma_start3A_170 = tpu.memref_slice %arg7[%add3A_168, %dma_start3A_169] : memref<136x128xi32, #tpu.memory_space<vmem>> -> memref<1x128xi32, #tpu.memory_space<vmem>>
      %dma_start3A_171 = tpu.memref_squeeze %dma_start3A_170 : memref<1x128xi32, #tpu.memory_space<vmem>> -> memref<128xi32, #tpu.memory_space<vmem>>
      %dma_start3A_172 = arith.constant 0 : i32
      %dma_start3A_173 = arith.constant 0 : i32
      %dma_start3A_174 = tpu.memref_slice %arg17[%dma_start3A_172, %dma_start3A_173] : memref<10112x16xf32, #tpu.memory_space<vmem_shared>> -> memref<10112x16xf32, #tpu.memory_space<vmem_shared>>
      tpu.enqueue_indirect_dma source(%arg11 : memref<128x16xf32, #tpu.memory_space<vmem>>) target(%dma_start3A_174 : memref<10112x16xf32, #tpu.memory_space<vmem_shared>>) offsets(%dma_start3A_171 : memref<128xi32, #tpu.memory_space<vmem>>) semaphore(%arg19 : memref<!tpu.dma_semaphore, #tpu.memory_space<semaphore_mem>>) {add = true}
      %add3A_175 = arith.constant 4 : i32
      %add3A_176 = arith.addi %mul3A_32, %add3A_175 : i32
      %dma_start3A_177 = arith.constant 0 : i32
      %dma_start3A_178 = tpu.memref_slice %arg7[%add3A_176, %dma_start3A_177] : memref<136x128xi32, #tpu.memory_space<vmem>> -> memref<1x128xi32, #tpu.memory_space<vmem>>
      %dma_start3A_179 = tpu.memref_squeeze %dma_start3A_178 : memref<1x128xi32, #tpu.memory_space<vmem>> -> memref<128xi32, #tpu.memory_space<vmem>>
      %dma_start3A_180 = arith.constant 0 : i32
      %dma_start3A_181 = arith.constant 0 : i32
      %dma_start3A_182 = tpu.memref_slice %arg17[%dma_start3A_180, %dma_start3A_181] : memref<10112x16xf32, #tpu.memory_space<vmem_shared>> -> memref<10112x16xf32, #tpu.memory_space<vmem_shared>>
      tpu.enqueue_indirect_dma source(%arg12 : memref<128x16xf32, #tpu.memory_space<vmem>>) target(%dma_start3A_182 : memref<10112x16xf32, #tpu.memory_space<vmem_shared>>) offsets(%dma_start3A_179 : memref<128xi32, #tpu.memory_space<vmem>>) semaphore(%arg19 : memref<!tpu.dma_semaphore, #tpu.memory_space<semaphore_mem>>) {add = true}
      %add3A_183 = arith.constant 5 : i32
      %add3A_184 = arith.addi %mul3A_32, %add3A_183 : i32
      %dma_start3A_185 = arith.constant 0 : i32
      %dma_start3A_186 = tpu.memref_slice %arg7[%add3A_184, %dma_start3A_185] : memref<136x128xi32, #tpu.memory_space<vmem>> -> memref<1x128xi32, #tpu.memory_space<vmem>>
      %dma_start3A_187 = tpu.memref_squeeze %dma_start3A_186 : memref<1x128xi32, #tpu.memory_space<vmem>> -> memref<128xi32, #tpu.memory_space<vmem>>
      %dma_start3A_188 = arith.constant 0 : i32
      %dma_start3A_189 = arith.constant 0 : i32
      %dma_start3A_190 = tpu.memref_slice %arg17[%dma_start3A_188, %dma_start3A_189] : memref<10112x16xf32, #tpu.memory_space<vmem_shared>> -> memref<10112x16xf32, #tpu.memory_space<vmem_shared>>
      tpu.enqueue_indirect_dma source(%arg13 : memref<128x16xf32, #tpu.memory_space<vmem>>) target(%dma_start3A_190 : memref<10112x16xf32, #tpu.memory_space<vmem_shared>>) offsets(%dma_start3A_187 : memref<128xi32, #tpu.memory_space<vmem>>) semaphore(%arg19 : memref<!tpu.dma_semaphore, #tpu.memory_space<semaphore_mem>>) {add = true}
      %add3A_191 = arith.constant 6 : i32
      %add3A_192 = arith.addi %mul3A_32, %add3A_191 : i32
      %dma_start3A_193 = arith.constant 0 : i32
      %dma_start3A_194 = tpu.memref_slice %arg7[%add3A_192, %dma_start3A_193] : memref<136x128xi32, #tpu.memory_space<vmem>> -> memref<1x128xi32, #tpu.memory_space<vmem>>
      %dma_start3A_195 = tpu.memref_squeeze %dma_start3A_194 : memref<1x128xi32, #tpu.memory_space<vmem>> -> memref<128xi32, #tpu.memory_space<vmem>>
      %dma_start3A_196 = arith.constant 0 : i32
      %dma_start3A_197 = arith.constant 0 : i32
      %dma_start3A_198 = tpu.memref_slice %arg17[%dma_start3A_196, %dma_start3A_197] : memref<10112x16xf32, #tpu.memory_space<vmem_shared>> -> memref<10112x16xf32, #tpu.memory_space<vmem_shared>>
      tpu.enqueue_indirect_dma source(%arg14 : memref<128x16xf32, #tpu.memory_space<vmem>>) target(%dma_start3A_198 : memref<10112x16xf32, #tpu.memory_space<vmem_shared>>) offsets(%dma_start3A_195 : memref<128xi32, #tpu.memory_space<vmem>>) semaphore(%arg19 : memref<!tpu.dma_semaphore, #tpu.memory_space<semaphore_mem>>) {add = true}
      %add3A_199 = arith.constant 7 : i32
      %add3A_200 = arith.addi %mul3A_32, %add3A_199 : i32
      %dma_start3A_201 = arith.constant 0 : i32
      %dma_start3A_202 = tpu.memref_slice %arg7[%add3A_200, %dma_start3A_201] : memref<136x128xi32, #tpu.memory_space<vmem>> -> memref<1x128xi32, #tpu.memory_space<vmem>>
      %dma_start3A_203 = tpu.memref_squeeze %dma_start3A_202 : memref<1x128xi32, #tpu.memory_space<vmem>> -> memref<128xi32, #tpu.memory_space<vmem>>
      %dma_start3A_204 = arith.constant 0 : i32
      %dma_start3A_205 = arith.constant 0 : i32
      %dma_start3A_206 = tpu.memref_slice %arg17[%dma_start3A_204, %dma_start3A_205] : memref<10112x16xf32, #tpu.memory_space<vmem_shared>> -> memref<10112x16xf32, #tpu.memory_space<vmem_shared>>
      tpu.enqueue_indirect_dma source(%arg15 : memref<128x16xf32, #tpu.memory_space<vmem>>) target(%dma_start3A_206 : memref<10112x16xf32, #tpu.memory_space<vmem_shared>>) offsets(%dma_start3A_203 : memref<128xi32, #tpu.memory_space<vmem>>) semaphore(%arg19 : memref<!tpu.dma_semaphore, #tpu.memory_space<semaphore_mem>>) {add = true}
      %dma_wait3A_207 = arith.constant 0 : i32
      %dma_wait3A_208 = tpu.memref_slice %arg7[%add3A_144, %dma_wait3A_207] : memref<136x128xi32, #tpu.memory_space<vmem>> -> memref<1x128xi32, #tpu.memory_space<vmem>>
      %dma_wait3A_209 = tpu.memref_squeeze %dma_wait3A_208 : memref<1x128xi32, #tpu.memory_space<vmem>> -> memref<128xi32, #tpu.memory_space<vmem>>
      %dma_wait3A_210 = arith.constant 0 : i32
      %dma_wait3A_211 = arith.constant 0 : i32
      %dma_wait3A_212 = tpu.memref_slice %arg17[%dma_wait3A_210, %dma_wait3A_211] : memref<10112x16xf32, #tpu.memory_space<vmem_shared>> -> memref<10112x16xf32, #tpu.memory_space<vmem_shared>>
      tpu.wait_indirect_dma semaphore(%arg19 : memref<!tpu.dma_semaphore, #tpu.memory_space<semaphore_mem>>) src(%arg8 : memref<128x16xf32, #tpu.memory_space<vmem>>) dst(%dma_wait3A_212 : memref<10112x16xf32, #tpu.memory_space<vmem_shared>>)
      %dma_wait3A_213 = arith.constant 0 : i32
      %dma_wait3A_214 = tpu.memref_slice %arg7[%add3A_152, %dma_wait3A_213] : memref<136x128xi32, #tpu.memory_space<vmem>> -> memref<1x128xi32, #tpu.memory_space<vmem>>
      %dma_wait3A_215 = tpu.memref_squeeze %dma_wait3A_214 : memref<1x128xi32, #tpu.memory_space<vmem>> -> memref<128xi32, #tpu.memory_space<vmem>>
      %dma_wait3A_216 = arith.constant 0 : i32
      %dma_wait3A_217 = arith.constant 0 : i32
      %dma_wait3A_218 = tpu.memref_slice %arg17[%dma_wait3A_216, %dma_wait3A_217] : memref<10112x16xf32, #tpu.memory_space<vmem_shared>> -> memref<10112x16xf32, #tpu.memory_space<vmem_shared>>
      tpu.wait_indirect_dma semaphore(%arg19 : memref<!tpu.dma_semaphore, #tpu.memory_space<semaphore_mem>>) src(%arg9 : memref<128x16xf32, #tpu.memory_space<vmem>>) dst(%dma_wait3A_218 : memref<10112x16xf32, #tpu.memory_space<vmem_shared>>)
      %dma_wait3A_219 = arith.constant 0 : i32
      %dma_wait3A_220 = tpu.memref_slice %arg7[%add3A_160, %dma_wait3A_219] : memref<136x128xi32, #tpu.memory_space<vmem>> -> memref<1x128xi32, #tpu.memory_space<vmem>>
      %dma_wait3A_221 = tpu.memref_squeeze %dma_wait3A_220 : memref<1x128xi32, #tpu.memory_space<vmem>> -> memref<128xi32, #tpu.memory_space<vmem>>
      %dma_wait3A_222 = arith.constant 0 : i32
      %dma_wait3A_223 = arith.constant 0 : i32
      %dma_wait3A_224 = tpu.memref_slice %arg17[%dma_wait3A_222, %dma_wait3A_223] : memref<10112x16xf32, #tpu.memory_space<vmem_shared>> -> memref<10112x16xf32, #tpu.memory_space<vmem_shared>>
      tpu.wait_indirect_dma semaphore(%arg19 : memref<!tpu.dma_semaphore, #tpu.memory_space<semaphore_mem>>) src(%arg10 : memref<128x16xf32, #tpu.memory_space<vmem>>) dst(%dma_wait3A_224 : memref<10112x16xf32, #tpu.memory_space<vmem_shared>>)
      %dma_wait3A_225 = arith.constant 0 : i32
      %dma_wait3A_226 = tpu.memref_slice %arg7[%add3A_168, %dma_wait3A_225] : memref<136x128xi32, #tpu.memory_space<vmem>> -> memref<1x128xi32, #tpu.memory_space<vmem>>
      %dma_wait3A_227 = tpu.memref_squeeze %dma_wait3A_226 : memref<1x128xi32, #tpu.memory_space<vmem>> -> memref<128xi32, #tpu.memory_space<vmem>>
      %dma_wait3A_228 = arith.constant 0 : i32
      %dma_wait3A_229 = arith.constant 0 : i32
      %dma_wait3A_230 = tpu.memref_slice %arg17[%dma_wait3A_228, %dma_wait3A_229] : memref<10112x16xf32, #tpu.memory_space<vmem_shared>> -> memref<10112x16xf32, #tpu.memory_space<vmem_shared>>
      tpu.wait_indirect_dma semaphore(%arg19 : memref<!tpu.dma_semaphore, #tpu.memory_space<semaphore_mem>>) src(%arg11 : memref<128x16xf32, #tpu.memory_space<vmem>>) dst(%dma_wait3A_230 : memref<10112x16xf32, #tpu.memory_space<vmem_shared>>)
      %dma_wait3A_231 = arith.constant 0 : i32
      %dma_wait3A_232 = tpu.memref_slice %arg7[%add3A_176, %dma_wait3A_231] : memref<136x128xi32, #tpu.memory_space<vmem>> -> memref<1x128xi32, #tpu.memory_space<vmem>>
      %dma_wait3A_233 = tpu.memref_squeeze %dma_wait3A_232 : memref<1x128xi32, #tpu.memory_space<vmem>> -> memref<128xi32, #tpu.memory_space<vmem>>
      %dma_wait3A_234 = arith.constant 0 : i32
      %dma_wait3A_235 = arith.constant 0 : i32
      %dma_wait3A_236 = tpu.memref_slice %arg17[%dma_wait3A_234, %dma_wait3A_235] : memref<10112x16xf32, #tpu.memory_space<vmem_shared>> -> memref<10112x16xf32, #tpu.memory_space<vmem_shared>>
      tpu.wait_indirect_dma semaphore(%arg19 : memref<!tpu.dma_semaphore, #tpu.memory_space<semaphore_mem>>) src(%arg12 : memref<128x16xf32, #tpu.memory_space<vmem>>) dst(%dma_wait3A_236 : memref<10112x16xf32, #tpu.memory_space<vmem_shared>>)
      %dma_wait3A_237 = arith.constant 0 : i32
      %dma_wait3A_238 = tpu.memref_slice %arg7[%add3A_184, %dma_wait3A_237] : memref<136x128xi32, #tpu.memory_space<vmem>> -> memref<1x128xi32, #tpu.memory_space<vmem>>
      %dma_wait3A_239 = tpu.memref_squeeze %dma_wait3A_238 : memref<1x128xi32, #tpu.memory_space<vmem>> -> memref<128xi32, #tpu.memory_space<vmem>>
      %dma_wait3A_240 = arith.constant 0 : i32
      %dma_wait3A_241 = arith.constant 0 : i32
      %dma_wait3A_242 = tpu.memref_slice %arg17[%dma_wait3A_240, %dma_wait3A_241] : memref<10112x16xf32, #tpu.memory_space<vmem_shared>> -> memref<10112x16xf32, #tpu.memory_space<vmem_shared>>
      tpu.wait_indirect_dma semaphore(%arg19 : memref<!tpu.dma_semaphore, #tpu.memory_space<semaphore_mem>>) src(%arg13 : memref<128x16xf32, #tpu.memory_space<vmem>>) dst(%dma_wait3A_242 : memref<10112x16xf32, #tpu.memory_space<vmem_shared>>)
      %dma_wait3A_243 = arith.constant 0 : i32
      %dma_wait3A_244 = tpu.memref_slice %arg7[%add3A_192, %dma_wait3A_243] : memref<136x128xi32, #tpu.memory_space<vmem>> -> memref<1x128xi32, #tpu.memory_space<vmem>>
      %dma_wait3A_245 = tpu.memref_squeeze %dma_wait3A_244 : memref<1x128xi32, #tpu.memory_space<vmem>> -> memref<128xi32, #tpu.memory_space<vmem>>
      %dma_wait3A_246 = arith.constant 0 : i32
      %dma_wait3A_247 = arith.constant 0 : i32
      %dma_wait3A_248 = tpu.memref_slice %arg17[%dma_wait3A_246, %dma_wait3A_247] : memref<10112x16xf32, #tpu.memory_space<vmem_shared>> -> memref<10112x16xf32, #tpu.memory_space<vmem_shared>>
      tpu.wait_indirect_dma semaphore(%arg19 : memref<!tpu.dma_semaphore, #tpu.memory_space<semaphore_mem>>) src(%arg14 : memref<128x16xf32, #tpu.memory_space<vmem>>) dst(%dma_wait3A_248 : memref<10112x16xf32, #tpu.memory_space<vmem_shared>>)
      %dma_wait3A_249 = arith.constant 0 : i32
      %dma_wait3A_250 = tpu.memref_slice %arg7[%add3A_200, %dma_wait3A_249] : memref<136x128xi32, #tpu.memory_space<vmem>> -> memref<1x128xi32, #tpu.memory_space<vmem>>
      %dma_wait3A_251 = tpu.memref_squeeze %dma_wait3A_250 : memref<1x128xi32, #tpu.memory_space<vmem>> -> memref<128xi32, #tpu.memory_space<vmem>>
      %dma_wait3A_252 = arith.constant 0 : i32
      %dma_wait3A_253 = arith.constant 0 : i32
      %dma_wait3A_254 = tpu.memref_slice %arg17[%dma_wait3A_252, %dma_wait3A_253] : memref<10112x16xf32, #tpu.memory_space<vmem_shared>> -> memref<10112x16xf32, #tpu.memory_space<vmem_shared>>
      tpu.wait_indirect_dma semaphore(%arg19 : memref<!tpu.dma_semaphore, #tpu.memory_space<semaphore_mem>>) src(%arg15 : memref<128x16xf32, #tpu.memory_space<vmem>>) dst(%dma_wait3A_254 : memref<10112x16xf32, #tpu.memory_space<vmem_shared>>)
    }
    %while3A_24 = arith.constant 1 : i32
    scf.for %while3A_30 = %while3A_22 to %while3A_18 step %while3A_24  : i32 {
      %mul3A_31 = arith.constant 8 : i32
      %mul3A_32 = arith.muli %while3A_30, %mul3A_31 : i32
      %add3A_33 = arith.constant 0 : i32
      %add3A_34 = arith.addi %mul3A_32, %add3A_33 : i32
      %dma_start3A = arith.constant 0 : i32
      %dma_start3A_35 = tpu.memref_slice %arg6[%add3A_34, %dma_start3A] : memref<136x128xi32, #tpu.memory_space<vmem>> -> memref<1x128xi32, #tpu.memory_space<vmem>>
      %dma_start3A_36 = tpu.memref_squeeze %dma_start3A_35 : memref<1x128xi32, #tpu.memory_space<vmem>> -> memref<128xi32, #tpu.memory_space<vmem>>
      %dma_start3A_37 = arith.constant 0 : i32
      %dma_start3A_38 = arith.constant 0 : i32
      %dma_start3A_39 = tpu.memref_slice %arg2[%dma_start3A_37, %dma_start3A_38] : memref<10000x16xf32, #tpu.memory_space<hbm>> -> memref<10000x16xf32, #tpu.memory_space<hbm>>
      tpu.enqueue_indirect_dma source(%dma_start3A_39 : memref<10000x16xf32, #tpu.memory_space<hbm>>) target(%arg8 : memref<128x16xf32, #tpu.memory_space<vmem>>) offsets(%dma_start3A_36 : memref<128xi32, #tpu.memory_space<vmem>>) semaphore(%arg18 : memref<!tpu.dma_semaphore, #tpu.memory_space<semaphore_mem>>)
      %add3A_40 = arith.constant 1 : i32
      %add3A_41 = arith.addi %mul3A_32, %add3A_40 : i32
      %dma_start3A_42 = arith.constant 0 : i32
      %dma_start3A_43 = tpu.memref_slice %arg6[%add3A_41, %dma_start3A_42] : memref<136x128xi32, #tpu.memory_space<vmem>> -> memref<1x128xi32, #tpu.memory_space<vmem>>
      %dma_start3A_44 = tpu.memref_squeeze %dma_start3A_43 : memref<1x128xi32, #tpu.memory_space<vmem>> -> memref<128xi32, #tpu.memory_space<vmem>>
      %dma_start3A_45 = arith.constant 0 : i32
      %dma_start3A_46 = arith.constant 0 : i32
      %dma_start3A_47 = tpu.memref_slice %arg2[%dma_start3A_45, %dma_start3A_46] : memref<10000x16xf32, #tpu.memory_space<hbm>> -> memref<10000x16xf32, #tpu.memory_space<hbm>>
      tpu.enqueue_indirect_dma source(%dma_start3A_47 : memref<10000x16xf32, #tpu.memory_space<hbm>>) target(%arg9 : memref<128x16xf32, #tpu.memory_space<vmem>>) offsets(%dma_start3A_44 : memref<128xi32, #tpu.memory_space<vmem>>) semaphore(%arg18 : memref<!tpu.dma_semaphore, #tpu.memory_space<semaphore_mem>>)
      %add3A_48 = arith.constant 2 : i32
      %add3A_49 = arith.addi %mul3A_32, %add3A_48 : i32
      %dma_start3A_50 = arith.constant 0 : i32
      %dma_start3A_51 = tpu.memref_slice %arg6[%add3A_49, %dma_start3A_50] : memref<136x128xi32, #tpu.memory_space<vmem>> -> memref<1x128xi32, #tpu.memory_space<vmem>>
      %dma_start3A_52 = tpu.memref_squeeze %dma_start3A_51 : memref<1x128xi32, #tpu.memory_space<vmem>> -> memref<128xi32, #tpu.memory_space<vmem>>
      %dma_start3A_53 = arith.constant 0 : i32
      %dma_start3A_54 = arith.constant 0 : i32
      %dma_start3A_55 = tpu.memref_slice %arg2[%dma_start3A_53, %dma_start3A_54] : memref<10000x16xf32, #tpu.memory_space<hbm>> -> memref<10000x16xf32, #tpu.memory_space<hbm>>
      tpu.enqueue_indirect_dma source(%dma_start3A_55 : memref<10000x16xf32, #tpu.memory_space<hbm>>) target(%arg10 : memref<128x16xf32, #tpu.memory_space<vmem>>) offsets(%dma_start3A_52 : memref<128xi32, #tpu.memory_space<vmem>>) semaphore(%arg18 : memref<!tpu.dma_semaphore, #tpu.memory_space<semaphore_mem>>)
      %add3A_56 = arith.constant 3 : i32
      %add3A_57 = arith.addi %mul3A_32, %add3A_56 : i32
      %dma_start3A_58 = arith.constant 0 : i32
      %dma_start3A_59 = tpu.memref_slice %arg6[%add3A_57, %dma_start3A_58] : memref<136x128xi32, #tpu.memory_space<vmem>> -> memref<1x128xi32, #tpu.memory_space<vmem>>
      %dma_start3A_60 = tpu.memref_squeeze %dma_start3A_59 : memref<1x128xi32, #tpu.memory_space<vmem>> -> memref<128xi32, #tpu.memory_space<vmem>>
      %dma_start3A_61 = arith.constant 0 : i32
      %dma_start3A_62 = arith.constant 0 : i32
      %dma_start3A_63 = tpu.memref_slice %arg2[%dma_start3A_61, %dma_start3A_62] : memref<10000x16xf32, #tpu.memory_space<hbm>> -> memref<10000x16xf32, #tpu.memory_space<hbm>>
      tpu.enqueue_indirect_dma source(%dma_start3A_63 : memref<10000x16xf32, #tpu.memory_space<hbm>>) target(%arg11 : memref<128x16xf32, #tpu.memory_space<vmem>>) offsets(%dma_start3A_60 : memref<128xi32, #tpu.memory_space<vmem>>) semaphore(%arg18 : memref<!tpu.dma_semaphore, #tpu.memory_space<semaphore_mem>>)
      %add3A_64 = arith.constant 4 : i32
      %add3A_65 = arith.addi %mul3A_32, %add3A_64 : i32
      %dma_start3A_66 = arith.constant 0 : i32
      %dma_start3A_67 = tpu.memref_slice %arg6[%add3A_65, %dma_start3A_66] : memref<136x128xi32, #tpu.memory_space<vmem>> -> memref<1x128xi32, #tpu.memory_space<vmem>>
      %dma_start3A_68 = tpu.memref_squeeze %dma_start3A_67 : memref<1x128xi32, #tpu.memory_space<vmem>> -> memref<128xi32, #tpu.memory_space<vmem>>
      %dma_start3A_69 = arith.constant 0 : i32
      %dma_start3A_70 = arith.constant 0 : i32
      %dma_start3A_71 = tpu.memref_slice %arg2[%dma_start3A_69, %dma_start3A_70] : memref<10000x16xf32, #tpu.memory_space<hbm>> -> memref<10000x16xf32, #tpu.memory_space<hbm>>
      tpu.enqueue_indirect_dma source(%dma_start3A_71 : memref<10000x16xf32, #tpu.memory_space<hbm>>) target(%arg12 : memref<128x16xf32, #tpu.memory_space<vmem>>) offsets(%dma_start3A_68 : memref<128xi32, #tpu.memory_space<vmem>>) semaphore(%arg18 : memref<!tpu.dma_semaphore, #tpu.memory_space<semaphore_mem>>)
      %add3A_72 = arith.constant 5 : i32
      %add3A_73 = arith.addi %mul3A_32, %add3A_72 : i32
      %dma_start3A_74 = arith.constant 0 : i32
      %dma_start3A_75 = tpu.memref_slice %arg6[%add3A_73, %dma_start3A_74] : memref<136x128xi32, #tpu.memory_space<vmem>> -> memref<1x128xi32, #tpu.memory_space<vmem>>
      %dma_start3A_76 = tpu.memref_squeeze %dma_start3A_75 : memref<1x128xi32, #tpu.memory_space<vmem>> -> memref<128xi32, #tpu.memory_space<vmem>>
      %dma_start3A_77 = arith.constant 0 : i32
      %dma_start3A_78 = arith.constant 0 : i32
      %dma_start3A_79 = tpu.memref_slice %arg2[%dma_start3A_77, %dma_start3A_78] : memref<10000x16xf32, #tpu.memory_space<hbm>> -> memref<10000x16xf32, #tpu.memory_space<hbm>>
      tpu.enqueue_indirect_dma source(%dma_start3A_79 : memref<10000x16xf32, #tpu.memory_space<hbm>>) target(%arg13 : memref<128x16xf32, #tpu.memory_space<vmem>>) offsets(%dma_start3A_76 : memref<128xi32, #tpu.memory_space<vmem>>) semaphore(%arg18 : memref<!tpu.dma_semaphore, #tpu.memory_space<semaphore_mem>>)
      %add3A_80 = arith.constant 6 : i32
      %add3A_81 = arith.addi %mul3A_32, %add3A_80 : i32
      %dma_start3A_82 = arith.constant 0 : i32
      %dma_start3A_83 = tpu.memref_slice %arg6[%add3A_81, %dma_start3A_82] : memref<136x128xi32, #tpu.memory_space<vmem>> -> memref<1x128xi32, #tpu.memory_space<vmem>>
      %dma_start3A_84 = tpu.memref_squeeze %dma_start3A_83 : memref<1x128xi32, #tpu.memory_space<vmem>> -> memref<128xi32, #tpu.memory_space<vmem>>
      %dma_start3A_85 = arith.constant 0 : i32
      %dma_start3A_86 = arith.constant 0 : i32
      %dma_start3A_87 = tpu.memref_slice %arg2[%dma_start3A_85, %dma_start3A_86] : memref<10000x16xf32, #tpu.memory_space<hbm>> -> memref<10000x16xf32, #tpu.memory_space<hbm>>
      tpu.enqueue_indirect_dma source(%dma_start3A_87 : memref<10000x16xf32, #tpu.memory_space<hbm>>) target(%arg14 : memref<128x16xf32, #tpu.memory_space<vmem>>) offsets(%dma_start3A_84 : memref<128xi32, #tpu.memory_space<vmem>>) semaphore(%arg18 : memref<!tpu.dma_semaphore, #tpu.memory_space<semaphore_mem>>)
      %add3A_88 = arith.constant 7 : i32
      %add3A_89 = arith.addi %mul3A_32, %add3A_88 : i32
      %dma_start3A_90 = arith.constant 0 : i32
      %dma_start3A_91 = tpu.memref_slice %arg6[%add3A_89, %dma_start3A_90] : memref<136x128xi32, #tpu.memory_space<vmem>> -> memref<1x128xi32, #tpu.memory_space<vmem>>
      %dma_start3A_92 = tpu.memref_squeeze %dma_start3A_91 : memref<1x128xi32, #tpu.memory_space<vmem>> -> memref<128xi32, #tpu.memory_space<vmem>>
      %dma_start3A_93 = arith.constant 0 : i32
      %dma_start3A_94 = arith.constant 0 : i32
      %dma_start3A_95 = tpu.memref_slice %arg2[%dma_start3A_93, %dma_start3A_94] : memref<10000x16xf32, #tpu.memory_space<hbm>> -> memref<10000x16xf32, #tpu.memory_space<hbm>>
      tpu.enqueue_indirect_dma source(%dma_start3A_95 : memref<10000x16xf32, #tpu.memory_space<hbm>>) target(%arg15 : memref<128x16xf32, #tpu.memory_space<vmem>>) offsets(%dma_start3A_92 : memref<128xi32, #tpu.memory_space<vmem>>) semaphore(%arg18 : memref<!tpu.dma_semaphore, #tpu.memory_space<semaphore_mem>>)
      %dma_wait3A = arith.constant 0 : i32
      %dma_wait3A_96 = tpu.memref_slice %arg6[%add3A_34, %dma_wait3A] : memref<136x128xi32, #tpu.memory_space<vmem>> -> memref<1x128xi32, #tpu.memory_space<vmem>>
      %dma_wait3A_97 = tpu.memref_squeeze %dma_wait3A_96 : memref<1x128xi32, #tpu.memory_space<vmem>> -> memref<128xi32, #tpu.memory_space<vmem>>
      %dma_wait3A_98 = arith.constant 0 : i32
      %dma_wait3A_99 = arith.constant 0 : i32
      %dma_wait3A_100 = tpu.memref_slice %arg2[%dma_wait3A_98, %dma_wait3A_99] : memref<10000x16xf32, #tpu.memory_space<hbm>> -> memref<10000x16xf32, #tpu.memory_space<hbm>>
      tpu.wait_indirect_dma semaphore(%arg18 : memref<!tpu.dma_semaphore, #tpu.memory_space<semaphore_mem>>) src(%dma_wait3A_100 : memref<10000x16xf32, #tpu.memory_space<hbm>>) dst(%arg8 : memref<128x16xf32, #tpu.memory_space<vmem>>)
      %dma_wait3A_101 = arith.constant 0 : i32
      %dma_wait3A_102 = tpu.memref_slice %arg6[%add3A_41, %dma_wait3A_101] : memref<136x128xi32, #tpu.memory_space<vmem>> -> memref<1x128xi32, #tpu.memory_space<vmem>>
      %dma_wait3A_103 = tpu.memref_squeeze %dma_wait3A_102 : memref<1x128xi32, #tpu.memory_space<vmem>> -> memref<128xi32, #tpu.memory_space<vmem>>
      %dma_wait3A_104 = arith.constant 0 : i32
      %dma_wait3A_105 = arith.constant 0 : i32
      %dma_wait3A_106 = tpu.memref_slice %arg2[%dma_wait3A_104, %dma_wait3A_105] : memref<10000x16xf32, #tpu.memory_space<hbm>> -> memref<10000x16xf32, #tpu.memory_space<hbm>>
      tpu.wait_indirect_dma semaphore(%arg18 : memref<!tpu.dma_semaphore, #tpu.memory_space<semaphore_mem>>) src(%dma_wait3A_106 : memref<10000x16xf32, #tpu.memory_space<hbm>>) dst(%arg9 : memref<128x16xf32, #tpu.memory_space<vmem>>)
      %dma_wait3A_107 = arith.constant 0 : i32
      %dma_wait3A_108 = tpu.memref_slice %arg6[%add3A_49, %dma_wait3A_107] : memref<136x128xi32, #tpu.memory_space<vmem>> -> memref<1x128xi32, #tpu.memory_space<vmem>>
      %dma_wait3A_109 = tpu.memref_squeeze %dma_wait3A_108 : memref<1x128xi32, #tpu.memory_space<vmem>> -> memref<128xi32, #tpu.memory_space<vmem>>
      %dma_wait3A_110 = arith.constant 0 : i32
      %dma_wait3A_111 = arith.constant 0 : i32
      %dma_wait3A_112 = tpu.memref_slice %arg2[%dma_wait3A_110, %dma_wait3A_111] : memref<10000x16xf32, #tpu.memory_space<hbm>> -> memref<10000x16xf32, #tpu.memory_space<hbm>>
      tpu.wait_indirect_dma semaphore(%arg18 : memref<!tpu.dma_semaphore, #tpu.memory_space<semaphore_mem>>) src(%dma_wait3A_112 : memref<10000x16xf32, #tpu.memory_space<hbm>>) dst(%arg10 : memref<128x16xf32, #tpu.memory_space<vmem>>)
      %dma_wait3A_113 = arith.constant 0 : i32
      %dma_wait3A_114 = tpu.memref_slice %arg6[%add3A_57, %dma_wait3A_113] : memref<136x128xi32, #tpu.memory_space<vmem>> -> memref<1x128xi32, #tpu.memory_space<vmem>>
      %dma_wait3A_115 = tpu.memref_squeeze %dma_wait3A_114 : memref<1x128xi32, #tpu.memory_space<vmem>> -> memref<128xi32, #tpu.memory_space<vmem>>
      %dma_wait3A_116 = arith.constant 0 : i32
      %dma_wait3A_117 = arith.constant 0 : i32
      %dma_wait3A_118 = tpu.memref_slice %arg2[%dma_wait3A_116, %dma_wait3A_117] : memref<10000x16xf32, #tpu.memory_space<hbm>> -> memref<10000x16xf32, #tpu.memory_space<hbm>>
      tpu.wait_indirect_dma semaphore(%arg18 : memref<!tpu.dma_semaphore, #tpu.memory_space<semaphore_mem>>) src(%dma_wait3A_118 : memref<10000x16xf32, #tpu.memory_space<hbm>>) dst(%arg11 : memref<128x16xf32, #tpu.memory_space<vmem>>)
      %dma_wait3A_119 = arith.constant 0 : i32
      %dma_wait3A_120 = tpu.memref_slice %arg6[%add3A_65, %dma_wait3A_119] : memref<136x128xi32, #tpu.memory_space<vmem>> -> memref<1x128xi32, #tpu.memory_space<vmem>>
      %dma_wait3A_121 = tpu.memref_squeeze %dma_wait3A_120 : memref<1x128xi32, #tpu.memory_space<vmem>> -> memref<128xi32, #tpu.memory_space<vmem>>
      %dma_wait3A_122 = arith.constant 0 : i32
      %dma_wait3A_123 = arith.constant 0 : i32
      %dma_wait3A_124 = tpu.memref_slice %arg2[%dma_wait3A_122, %dma_wait3A_123] : memref<10000x16xf32, #tpu.memory_space<hbm>> -> memref<10000x16xf32, #tpu.memory_space<hbm>>
      tpu.wait_indirect_dma semaphore(%arg18 : memref<!tpu.dma_semaphore, #tpu.memory_space<semaphore_mem>>) src(%dma_wait3A_124 : memref<10000x16xf32, #tpu.memory_space<hbm>>) dst(%arg12 : memref<128x16xf32, #tpu.memory_space<vmem>>)
      %dma_wait3A_125 = arith.constant 0 : i32
      %dma_wait3A_126 = tpu.memref_slice %arg6[%add3A_73, %dma_wait3A_125] : memref<136x128xi32, #tpu.memory_space<vmem>> -> memref<1x128xi32, #tpu.memory_space<vmem>>
      %dma_wait3A_127 = tpu.memref_squeeze %dma_wait3A_126 : memref<1x128xi32, #tpu.memory_space<vmem>> -> memref<128xi32, #tpu.memory_space<vmem>>
      %dma_wait3A_128 = arith.constant 0 : i32
      %dma_wait3A_129 = arith.constant 0 : i32
      %dma_wait3A_130 = tpu.memref_slice %arg2[%dma_wait3A_128, %dma_wait3A_129] : memref<10000x16xf32, #tpu.memory_space<hbm>> -> memref<10000x16xf32, #tpu.memory_space<hbm>>
      tpu.wait_indirect_dma semaphore(%arg18 : memref<!tpu.dma_semaphore, #tpu.memory_space<semaphore_mem>>) src(%dma_wait3A_130 : memref<10000x16xf32, #tpu.memory_space<hbm>>) dst(%arg13 : memref<128x16xf32, #tpu.memory_space<vmem>>)
      %dma_wait3A_131 = arith.constant 0 : i32
      %dma_wait3A_132 = tpu.memref_slice %arg6[%add3A_81, %dma_wait3A_131] : memref<136x128xi32, #tpu.memory_space<vmem>> -> memref<1x128xi32, #tpu.memory_space<vmem>>
      %dma_wait3A_133 = tpu.memref_squeeze %dma_wait3A_132 : memref<1x128xi32, #tpu.memory_space<vmem>> -> memref<128xi32, #tpu.memory_space<vmem>>
      %dma_wait3A_134 = arith.constant 0 : i32
      %dma_wait3A_135 = arith.constant 0 : i32
      %dma_wait3A_136 = tpu.memref_slice %arg2[%dma_wait3A_134, %dma_wait3A_135] : memref<10000x16xf32, #tpu.memory_space<hbm>> -> memref<10000x16xf32, #tpu.memory_space<hbm>>
      tpu.wait_indirect_dma semaphore(%arg18 : memref<!tpu.dma_semaphore, #tpu.memory_space<semaphore_mem>>) src(%dma_wait3A_136 : memref<10000x16xf32, #tpu.memory_space<hbm>>) dst(%arg14 : memref<128x16xf32, #tpu.memory_space<vmem>>)
      %dma_wait3A_137 = arith.constant 0 : i32
      %dma_wait3A_138 = tpu.memref_slice %arg6[%add3A_89, %dma_wait3A_137] : memref<136x128xi32, #tpu.memory_space<vmem>> -> memref<1x128xi32, #tpu.memory_space<vmem>>
      %dma_wait3A_139 = tpu.memref_squeeze %dma_wait3A_138 : memref<1x128xi32, #tpu.memory_space<vmem>> -> memref<128xi32, #tpu.memory_space<vmem>>
      %dma_wait3A_140 = arith.constant 0 : i32
      %dma_wait3A_141 = arith.constant 0 : i32
      %dma_wait3A_142 = tpu.memref_slice %arg2[%dma_wait3A_140, %dma_wait3A_141] : memref<10000x16xf32, #tpu.memory_space<hbm>> -> memref<10000x16xf32, #tpu.memory_space<hbm>>
      tpu.wait_indirect_dma semaphore(%arg18 : memref<!tpu.dma_semaphore, #tpu.memory_space<semaphore_mem>>) src(%dma_wait3A_142 : memref<10000x16xf32, #tpu.memory_space<hbm>>) dst(%arg15 : memref<128x16xf32, #tpu.memory_space<vmem>>)
      %add3A_143 = arith.constant 0 : i32
      %add3A_144 = arith.addi %mul3A_32, %add3A_143 : i32
      %dma_start3A_145 = arith.constant 0 : i32
      %dma_start3A_146 = tpu.memref_slice %arg7[%add3A_144, %dma_start3A_145] : memref<136x128xi32, #tpu.memory_space<vmem>> -> memref<1x128xi32, #tpu.memory_space<vmem>>
      %dma_start3A_147 = tpu.memref_squeeze %dma_start3A_146 : memref<1x128xi32, #tpu.memory_space<vmem>> -> memref<128xi32, #tpu.memory_space<vmem>>
      %dma_start3A_148 = arith.constant 0 : i32
      %dma_start3A_149 = arith.constant 0 : i32
      %dma_start3A_150 = tpu.memref_slice %arg17[%dma_start3A_148, %dma_start3A_149] : memref<10112x16xf32, #tpu.memory_space<vmem_shared>> -> memref<10112x16xf32, #tpu.memory_space<vmem_shared>>
      tpu.enqueue_indirect_dma source(%arg8 : memref<128x16xf32, #tpu.memory_space<vmem>>) target(%dma_start3A_150 : memref<10112x16xf32, #tpu.memory_space<vmem_shared>>) offsets(%dma_start3A_147 : memref<128xi32, #tpu.memory_space<vmem>>) semaphore(%arg19 : memref<!tpu.dma_semaphore, #tpu.memory_space<semaphore_mem>>) {add = true}
      %add3A_151 = arith.constant 1 : i32
      %add3A_152 = arith.addi %mul3A_32, %add3A_151 : i32
      %dma_start3A_153 = arith.constant 0 : i32
      %dma_start3A_154 = tpu.memref_slice %arg7[%add3A_152, %dma_start3A_153] : memref<136x128xi32, #tpu.memory_space<vmem>> -> memref<1x128xi32, #tpu.memory_space<vmem>>
      %dma_start3A_155 = tpu.memref_squeeze %dma_start3A_154 : memref<1x128xi32, #tpu.memory_space<vmem>> -> memref<128xi32, #tpu.memory_space<vmem>>
      %dma_start3A_156 = arith.constant 0 : i32
      %dma_start3A_157 = arith.constant 0 : i32
      %dma_start3A_158 = tpu.memref_slice %arg17[%dma_start3A_156, %dma_start3A_157] : memref<10112x16xf32, #tpu.memory_space<vmem_shared>> -> memref<10112x16xf32, #tpu.memory_space<vmem_shared>>
      tpu.enqueue_indirect_dma source(%arg9 : memref<128x16xf32, #tpu.memory_space<vmem>>) target(%dma_start3A_158 : memref<10112x16xf32, #tpu.memory_space<vmem_shared>>) offsets(%dma_start3A_155 : memref<128xi32, #tpu.memory_space<vmem>>) semaphore(%arg19 : memref<!tpu.dma_semaphore, #tpu.memory_space<semaphore_mem>>) {add = true}
      %add3A_159 = arith.constant 2 : i32
      %add3A_160 = arith.addi %mul3A_32, %add3A_159 : i32
      %dma_start3A_161 = arith.constant 0 : i32
      %dma_start3A_162 = tpu.memref_slice %arg7[%add3A_160, %dma_start3A_161] : memref<136x128xi32, #tpu.memory_space<vmem>> -> memref<1x128xi32, #tpu.memory_space<vmem>>
      %dma_start3A_163 = tpu.memref_squeeze %dma_start3A_162 : memref<1x128xi32, #tpu.memory_space<vmem>> -> memref<128xi32, #tpu.memory_space<vmem>>
      %dma_start3A_164 = arith.constant 0 : i32
      %dma_start3A_165 = arith.constant 0 : i32
      %dma_start3A_166 = tpu.memref_slice %arg17[%dma_start3A_164, %dma_start3A_165] : memref<10112x16xf32, #tpu.memory_space<vmem_shared>> -> memref<10112x16xf32, #tpu.memory_space<vmem_shared>>
      tpu.enqueue_indirect_dma source(%arg10 : memref<128x16xf32, #tpu.memory_space<vmem>>) target(%dma_start3A_166 : memref<10112x16xf32, #tpu.memory_space<vmem_shared>>) offsets(%dma_start3A_163 : memref<128xi32, #tpu.memory_space<vmem>>) semaphore(%arg19 : memref<!tpu.dma_semaphore, #tpu.memory_space<semaphore_mem>>) {add = true}
      %add3A_167 = arith.constant 3 : i32
      %add3A_168 = arith.addi %mul3A_32, %add3A_167 : i32
      %dma_start3A_169 = arith.constant 0 : i32
      %dma_start3A_170 = tpu.memref_slice %arg7[%add3A_168, %dma_start3A_169] : memref<136x128xi32, #tpu.memory_space<vmem>> -> memref<1x128xi32, #tpu.memory_space<vmem>>
      %dma_start3A_171 = tpu.memref_squeeze %dma_start3A_170 : memref<1x128xi32, #tpu.memory_space<vmem>> -> memref<128xi32, #tpu.memory_space<vmem>>
      %dma_start3A_172 = arith.constant 0 : i32
      %dma_start3A_173 = arith.constant 0 : i32
      %dma_start3A_174 = tpu.memref_slice %arg17[%dma_start3A_172, %dma_start3A_173] : memref<10112x16xf32, #tpu.memory_space<vmem_shared>> -> memref<10112x16xf32, #tpu.memory_space<vmem_shared>>
      tpu.enqueue_indirect_dma source(%arg11 : memref<128x16xf32, #tpu.memory_space<vmem>>) target(%dma_start3A_174 : memref<10112x16xf32, #tpu.memory_space<vmem_shared>>) offsets(%dma_start3A_171 : memref<128xi32, #tpu.memory_space<vmem>>) semaphore(%arg19 : memref<!tpu.dma_semaphore, #tpu.memory_space<semaphore_mem>>) {add = true}
      %add3A_175 = arith.constant 4 : i32
      %add3A_176 = arith.addi %mul3A_32, %add3A_175 : i32
      %dma_start3A_177 = arith.constant 0 : i32
      %dma_start3A_178 = tpu.memref_slice %arg7[%add3A_176, %dma_start3A_177] : memref<136x128xi32, #tpu.memory_space<vmem>> -> memref<1x128xi32, #tpu.memory_space<vmem>>
      %dma_start3A_179 = tpu.memref_squeeze %dma_start3A_178 : memref<1x128xi32, #tpu.memory_space<vmem>> -> memref<128xi32, #tpu.memory_space<vmem>>
      %dma_start3A_180 = arith.constant 0 : i32
      %dma_start3A_181 = arith.constant 0 : i32
      %dma_start3A_182 = tpu.memref_slice %arg17[%dma_start3A_180, %dma_start3A_181] : memref<10112x16xf32, #tpu.memory_space<vmem_shared>> -> memref<10112x16xf32, #tpu.memory_space<vmem_shared>>
      tpu.enqueue_indirect_dma source(%arg12 : memref<128x16xf32, #tpu.memory_space<vmem>>) target(%dma_start3A_182 : memref<10112x16xf32, #tpu.memory_space<vmem_shared>>) offsets(%dma_start3A_179 : memref<128xi32, #tpu.memory_space<vmem>>) semaphore(%arg19 : memref<!tpu.dma_semaphore, #tpu.memory_space<semaphore_mem>>) {add = true}
      %add3A_183 = arith.constant 5 : i32
      %add3A_184 = arith.addi %mul3A_32, %add3A_183 : i32
      %dma_start3A_185 = arith.constant 0 : i32
      %dma_start3A_186 = tpu.memref_slice %arg7[%add3A_184, %dma_start3A_185] : memref<136x128xi32, #tpu.memory_space<vmem>> -> memref<1x128xi32, #tpu.memory_space<vmem>>
      %dma_start3A_187 = tpu.memref_squeeze %dma_start3A_186 : memref<1x128xi32, #tpu.memory_space<vmem>> -> memref<128xi32, #tpu.memory_space<vmem>>
      %dma_start3A_188 = arith.constant 0 : i32
      %dma_start3A_189 = arith.constant 0 : i32
      %dma_start3A_190 = tpu.memref_slice %arg17[%dma_start3A_188, %dma_start3A_189] : memref<10112x16xf32, #tpu.memory_space<vmem_shared>> -> memref<10112x16xf32, #tpu.memory_space<vmem_shared>>
      tpu.enqueue_indirect_dma source(%arg13 : memref<128x16xf32, #tpu.memory_space<vmem>>) target(%dma_start3A_190 : memref<10112x16xf32, #tpu.memory_space<vmem_shared>>) offsets(%dma_start3A_187 : memref<128xi32, #tpu.memory_space<vmem>>) semaphore(%arg19 : memref<!tpu.dma_semaphore, #tpu.memory_space<semaphore_mem>>) {add = true}
      %add3A_191 = arith.constant 6 : i32
      %add3A_192 = arith.addi %mul3A_32, %add3A_191 : i32
      %dma_start3A_193 = arith.constant 0 : i32
      %dma_start3A_194 = tpu.memref_slice %arg7[%add3A_192, %dma_start3A_193] : memref<136x128xi32, #tpu.memory_space<vmem>> -> memref<1x128xi32, #tpu.memory_space<vmem>>
      %dma_start3A_195 = tpu.memref_squeeze %dma_start3A_194 : memref<1x128xi32, #tpu.memory_space<vmem>> -> memref<128xi32, #tpu.memory_space<vmem>>
      %dma_start3A_196 = arith.constant 0 : i32
      %dma_start3A_197 = arith.constant 0 : i32
      %dma_start3A_198 = tpu.memref_slice %arg17[%dma_start3A_196, %dma_start3A_197] : memref<10112x16xf32, #tpu.memory_space<vmem_shared>> -> memref<10112x16xf32, #tpu.memory_space<vmem_shared>>
      tpu.enqueue_indirect_dma source(%arg14 : memref<128x16xf32, #tpu.memory_space<vmem>>) target(%dma_start3A_198 : memref<10112x16xf32, #tpu.memory_space<vmem_shared>>) offsets(%dma_start3A_195 : memref<128xi32, #tpu.memory_space<vmem>>) semaphore(%arg19 : memref<!tpu.dma_semaphore, #tpu.memory_space<semaphore_mem>>) {add = true}
      %add3A_199 = arith.constant 7 : i32
      %add3A_200 = arith.addi %mul3A_32, %add3A_199 : i32
      %dma_start3A_201 = arith.constant 0 : i32
      %dma_start3A_202 = tpu.memref_slice %arg7[%add3A_200, %dma_start3A_201] : memref<136x128xi32, #tpu.memory_space<vmem>> -> memref<1x128xi32, #tpu.memory_space<vmem>>
      %dma_start3A_203 = tpu.memref_squeeze %dma_start3A_202 : memref<1x128xi32, #tpu.memory_space<vmem>> -> memref<128xi32, #tpu.memory_space<vmem>>
      %dma_start3A_204 = arith.constant 0 : i32
      %dma_start3A_205 = arith.constant 0 : i32
      %dma_start3A_206 = tpu.memref_slice %arg17[%dma_start3A_204, %dma_start3A_205] : memref<10112x16xf32, #tpu.memory_space<vmem_shared>> -> memref<10112x16xf32, #tpu.memory_space<vmem_shared>>
      tpu.enqueue_indirect_dma source(%arg15 : memref<128x16xf32, #tpu.memory_space<vmem>>) target(%dma_start3A_206 : memref<10112x16xf32, #tpu.memory_space<vmem_shared>>) offsets(%dma_start3A_203 : memref<128xi32, #tpu.memory_space<vmem>>) semaphore(%arg19 : memref<!tpu.dma_semaphore, #tpu.memory_space<semaphore_mem>>) {add = true}
      %dma_wait3A_207 = arith.constant 0 : i32
      %dma_wait3A_208 = tpu.memref_slice %arg7[%add3A_144, %dma_wait3A_207] : memref<136x128xi32, #tpu.memory_space<vmem>> -> memref<1x128xi32, #tpu.memory_space<vmem>>
      %dma_wait3A_209 = tpu.memref_squeeze %dma_wait3A_208 : memref<1x128xi32, #tpu.memory_space<vmem>> -> memref<128xi32, #tpu.memory_space<vmem>>
      %dma_wait3A_210 = arith.constant 0 : i32
      %dma_wait3A_211 = arith.constant 0 : i32
      %dma_wait3A_212 = tpu.memref_slice %arg17[%dma_wait3A_210, %dma_wait3A_211] : memref<10112x16xf32, #tpu.memory_space<vmem_shared>> -> memref<10112x16xf32, #tpu.memory_space<vmem_shared>>
      tpu.wait_indirect_dma semaphore(%arg19 : memref<!tpu.dma_semaphore, #tpu.memory_space<semaphore_mem>>) src(%arg8 : memref<128x16xf32, #tpu.memory_space<vmem>>) dst(%dma_wait3A_212 : memref<10112x16xf32, #tpu.memory_space<vmem_shared>>)
      %dma_wait3A_213 = arith.constant 0 : i32
      %dma_wait3A_214 = tpu.memref_slice %arg7[%add3A_152, %dma_wait3A_213] : memref<136x128xi32, #tpu.memory_space<vmem>> -> memref<1x128xi32, #tpu.memory_space<vmem>>
      %dma_wait3A_215 = tpu.memref_squeeze %dma_wait3A_214 : memref<1x128xi32, #tpu.memory_space<vmem>> -> memref<128xi32, #tpu.memory_space<vmem>>
      %dma_wait3A_216 = arith.constant 0 : i32
      %dma_wait3A_217 = arith.constant 0 : i32
      %dma_wait3A_218 = tpu.memref_slice %arg17[%dma_wait3A_216, %dma_wait3A_217] : memref<10112x16xf32, #tpu.memory_space<vmem_shared>> -> memref<10112x16xf32, #tpu.memory_space<vmem_shared>>
      tpu.wait_indirect_dma semaphore(%arg19 : memref<!tpu.dma_semaphore, #tpu.memory_space<semaphore_mem>>) src(%arg9 : memref<128x16xf32, #tpu.memory_space<vmem>>) dst(%dma_wait3A_218 : memref<10112x16xf32, #tpu.memory_space<vmem_shared>>)
      %dma_wait3A_219 = arith.constant 0 : i32
      %dma_wait3A_220 = tpu.memref_slice %arg7[%add3A_160, %dma_wait3A_219] : memref<136x128xi32, #tpu.memory_space<vmem>> -> memref<1x128xi32, #tpu.memory_space<vmem>>
      %dma_wait3A_221 = tpu.memref_squeeze %dma_wait3A_220 : memref<1x128xi32, #tpu.memory_space<vmem>> -> memref<128xi32, #tpu.memory_space<vmem>>
      %dma_wait3A_222 = arith.constant 0 : i32
      %dma_wait3A_223 = arith.constant 0 : i32
      %dma_wait3A_224 = tpu.memref_slice %arg17[%dma_wait3A_222, %dma_wait3A_223] : memref<10112x16xf32, #tpu.memory_space<vmem_shared>> -> memref<10112x16xf32, #tpu.memory_space<vmem_shared>>
      tpu.wait_indirect_dma semaphore(%arg19 : memref<!tpu.dma_semaphore, #tpu.memory_space<semaphore_mem>>) src(%arg10 : memref<128x16xf32, #tpu.memory_space<vmem>>) dst(%dma_wait3A_224 : memref<10112x16xf32, #tpu.memory_space<vmem_shared>>)
      %dma_wait3A_225 = arith.constant 0 : i32
      %dma_wait3A_226 = tpu.memref_slice %arg7[%add3A_168, %dma_wait3A_225] : memref<136x128xi32, #tpu.memory_space<vmem>> -> memref<1x128xi32, #tpu.memory_space<vmem>>
      %dma_wait3A_227 = tpu.memref_squeeze %dma_wait3A_226 : memref<1x128xi32, #tpu.memory_space<vmem>> -> memref<128xi32, #tpu.memory_space<vmem>>
      %dma_wait3A_228 = arith.constant 0 : i32
      %dma_wait3A_229 = arith.constant 0 : i32
      %dma_wait3A_230 = tpu.memref_slice %arg17[%dma_wait3A_228, %dma_wait3A_229] : memref<10112x16xf32, #tpu.memory_space<vmem_shared>> -> memref<10112x16xf32, #tpu.memory_space<vmem_shared>>
      tpu.wait_indirect_dma semaphore(%arg19 : memref<!tpu.dma_semaphore, #tpu.memory_space<semaphore_mem>>) src(%arg11 : memref<128x16xf32, #tpu.memory_space<vmem>>) dst(%dma_wait3A_230 : memref<10112x16xf32, #tpu.memory_space<vmem_shared>>)
      %dma_wait3A_231 = arith.constant 0 : i32
      %dma_wait3A_232 = tpu.memref_slice %arg7[%add3A_176, %dma_wait3A_231] : memref<136x128xi32, #tpu.memory_space<vmem>> -> memref<1x128xi32, #tpu.memory_space<vmem>>
      %dma_wait3A_233 = tpu.memref_squeeze %dma_wait3A_232 : memref<1x128xi32, #tpu.memory_space<vmem>> -> memref<128xi32, #tpu.memory_space<vmem>>
      %dma_wait3A_234 = arith.constant 0 : i32
      %dma_wait3A_235 = arith.constant 0 : i32
      %dma_wait3A_236 = tpu.memref_slice %arg17[%dma_wait3A_234, %dma_wait3A_235] : memref<10112x16xf32, #tpu.memory_space<vmem_shared>> -> memref<10112x16xf32, #tpu.memory_space<vmem_shared>>
      tpu.wait_indirect_dma semaphore(%arg19 : memref<!tpu.dma_semaphore, #tpu.memory_space<semaphore_mem>>) src(%arg12 : memref<128x16xf32, #tpu.memory_space<vmem>>) dst(%dma_wait3A_236 : memref<10112x16xf32, #tpu.memory_space<vmem_shared>>)
      %dma_wait3A_237 = arith.constant 0 : i32
      %dma_wait3A_238 = tpu.memref_slice %arg7[%add3A_184, %dma_wait3A_237] : memref<136x128xi32, #tpu.memory_space<vmem>> -> memref<1x128xi32, #tpu.memory_space<vmem>>
      %dma_wait3A_239 = tpu.memref_squeeze %dma_wait3A_238 : memref<1x128xi32, #tpu.memory_space<vmem>> -> memref<128xi32, #tpu.memory_space<vmem>>
      %dma_wait3A_240 = arith.constant 0 : i32
      %dma_wait3A_241 = arith.constant 0 : i32
      %dma_wait3A_242 = tpu.memref_slice %arg17[%dma_wait3A_240, %dma_wait3A_241] : memref<10112x16xf32, #tpu.memory_space<vmem_shared>> -> memref<10112x16xf32, #tpu.memory_space<vmem_shared>>
      tpu.wait_indirect_dma semaphore(%arg19 : memref<!tpu.dma_semaphore, #tpu.memory_space<semaphore_mem>>) src(%arg13 : memref<128x16xf32, #tpu.memory_space<vmem>>) dst(%dma_wait3A_242 : memref<10112x16xf32, #tpu.memory_space<vmem_shared>>)
      %dma_wait3A_243 = arith.constant 0 : i32
      %dma_wait3A_244 = tpu.memref_slice %arg7[%add3A_192, %dma_wait3A_243] : memref<136x128xi32, #tpu.memory_space<vmem>> -> memref<1x128xi32, #tpu.memory_space<vmem>>
      %dma_wait3A_245 = tpu.memref_squeeze %dma_wait3A_244 : memref<1x128xi32, #tpu.memory_space<vmem>> -> memref<128xi32, #tpu.memory_space<vmem>>
      %dma_wait3A_246 = arith.constant 0 : i32
      %dma_wait3A_247 = arith.constant 0 : i32
      %dma_wait3A_248 = tpu.memref_slice %arg17[%dma_wait3A_246, %dma_wait3A_247] : memref<10112x16xf32, #tpu.memory_space<vmem_shared>> -> memref<10112x16xf32, #tpu.memory_space<vmem_shared>>
      tpu.wait_indirect_dma semaphore(%arg19 : memref<!tpu.dma_semaphore, #tpu.memory_space<semaphore_mem>>) src(%arg14 : memref<128x16xf32, #tpu.memory_space<vmem>>) dst(%dma_wait3A_248 : memref<10112x16xf32, #tpu.memory_space<vmem_shared>>)
      %dma_wait3A_249 = arith.constant 0 : i32
      %dma_wait3A_250 = tpu.memref_slice %arg7[%add3A_200, %dma_wait3A_249] : memref<136x128xi32, #tpu.memory_space<vmem>> -> memref<1x128xi32, #tpu.memory_space<vmem>>
      %dma_wait3A_251 = tpu.memref_squeeze %dma_wait3A_250 : memref<1x128xi32, #tpu.memory_space<vmem>> -> memref<128xi32, #tpu.memory_space<vmem>>
      %dma_wait3A_252 = arith.constant 0 : i32
      %dma_wait3A_253 = arith.constant 0 : i32
      %dma_wait3A_254 = tpu.memref_slice %arg17[%dma_wait3A_252, %dma_wait3A_253] : memref<10112x16xf32, #tpu.memory_space<vmem_shared>> -> memref<10112x16xf32, #tpu.memory_space<vmem_shared>>
      tpu.wait_indirect_dma semaphore(%arg19 : memref<!tpu.dma_semaphore, #tpu.memory_space<semaphore_mem>>) src(%arg15 : memref<128x16xf32, #tpu.memory_space<vmem>>) dst(%dma_wait3A_254 : memref<10112x16xf32, #tpu.memory_space<vmem_shared>>)
    }
    %barrier3A_25 = arith.constant 0 : index
    tpu.barrier barrier_id(%barrier3A_25)
    %mul3A_26 = arith.constant 632 : i32
    %mul3A_27 = arith.muli %arg1, %mul3A_26 : i32
    %mul3A_28 = arith.constant 632 : i32
    %mul3A_29 = arith.muli %arg1, %mul3A_28 : i32
    "tpu.region"() ({
      %run_scoped3A = tpu.sem_alloc : memref<!tpu.dma_semaphore, #tpu.memory_space<semaphore_mem>>
      %dma_start3A = arith.constant 0 : i32
      %dma_start3A_30 = tpu.memref_slice %arg5[%arg0, %mul3A_29, %dma_start3A] : memref<2x10112x16xf32, #tpu.memory_space<hbm>> -> memref<1x632x16xf32, #tpu.memory_space<hbm>>
      %dma_start3A_31 = tpu.memref_squeeze %dma_start3A_30 : memref<1x632x16xf32, #tpu.memory_space<hbm>> -> memref<632x16xf32, #tpu.memory_space<hbm>>
      %dma_start3A_32 = arith.constant 0 : i32
      %dma_start3A_33 = tpu.memref_slice %arg17[%mul3A_27, %dma_start3A_32] : memref<10112x16xf32, #tpu.memory_space<vmem_shared>> -> memref<632x16xf32, #tpu.memory_space<vmem_shared>>
      tpu.enqueue_dma source(%dma_start3A_33 : memref<632x16xf32, #tpu.memory_space<vmem_shared>>) target(%dma_start3A_31 : memref<632x16xf32, #tpu.memory_space<hbm>>) target_semaphore(%run_scoped3A : memref<!tpu.dma_semaphore, #tpu.memory_space<semaphore_mem>>)
      %dma_wait3A = arith.constant 0 : i32
      %dma_wait3A_34 = tpu.memref_slice %arg5[%arg0, %mul3A_29, %dma_wait3A] : memref<2x10112x16xf32, #tpu.memory_space<hbm>> -> memref<1x632x16xf32, #tpu.memory_space<hbm>>
      %dma_wait3A_35 = tpu.memref_squeeze %dma_wait3A_34 : memref<1x632x16xf32, #tpu.memory_space<hbm>> -> memref<632x16xf32, #tpu.memory_space<hbm>>
      %dma_wait3A_36 = arith.constant 0 : i32
      %dma_wait3A_37 = tpu.memref_slice %arg17[%mul3A_27, %dma_wait3A_36] : memref<10112x16xf32, #tpu.memory_space<vmem_shared>> -> memref<632x16xf32, #tpu.memory_space<vmem_shared>>
      tpu.wait_dma2 semaphore(%run_scoped3A : memref<!tpu.dma_semaphore, #tpu.memory_space<semaphore_mem>>) src(%dma_wait3A_37 : memref<632x16xf32, #tpu.memory_space<vmem_shared>>) dst(%dma_wait3A_35 : memref<632x16xf32, #tpu.memory_space<hbm>>)
      tpu.yield
    }) : () -> ()
    return
  }
}

module attributes {stable_mosaic.version = 14 : i64} {
  func.func @body(%arg0: i32, %arg1: memref<1000x128xf32, #tpu.memory_space<vmem>>, %arg2: memref<128x32xf32, #tpu.memory_space<vmem>>, %arg3: memref<1000x32xf32, #tpu.memory_space<vmem>>) attributes {dimension_semantics = [#tpu.dimension_semantics<arbitrary>], iteration_bounds = array<i64: 10>, scalar_prefetch = 0 : i64, scratch_operands = 0 : i64, tpu.core_type = #tpu.core_type<tc>, window_params = [{transform_indices = @transform_0, window_bounds = array<i64: 1000, 128>}, {pipeline_mode = #tpu.pipeline_mode<synchronous>, transform_indices = @transform_1, window_bounds = array<i64: 128, 32>}, {transform_indices = @transform_2, window_bounds = array<i64: 1000, 32>}]} {
    %get3A = arith.constant 0 : index
    %get3A_0 = arith.constant 0 : index
    %get3A_1 = vector.load %arg1[%get3A, %get3A_0] : memref<1000x128xf32, #tpu.memory_space<vmem>>, vector<1000x128xf32>
    %get3A_2 = arith.constant 0 : index
    %get3A_3 = arith.constant 0 : index
    %get3A_4 = vector.load %arg2[%get3A_2, %get3A_3] : memref<128x32xf32, #tpu.memory_space<vmem>>, vector<128x32xf32>
    %dot_general3A = arith.constant dense<0.000000e+00> : vector<1000x32xf32>
    %dot_general3A_5 = tpu.matmul %get3A_1, %get3A_4, %dot_general3A {dimension_numbers = #tpu.dot_dimension_numbers<[1], [0], [0], [1], [0, 0, 1, 1], [], []>, transpose_lhs_hint = false} : vector<1000x128xf32>, vector<128x32xf32>, vector<1000x32xf32> -> vector<1000x32xf32>
    %swap3A = arith.constant 0 : index
    %swap3A_6 = arith.constant 0 : index
    %swap3A_7 = vector.load %arg3[%swap3A, %swap3A_6] : memref<1000x32xf32, #tpu.memory_space<vmem>>, vector<1000x32xf32>
    tpu.vector_store %arg3[%swap3A, %swap3A_6], %dot_general3A_5 {strides = array<i32>} : memref<1000x32xf32, #tpu.memory_space<vmem>>, vector<1000x32xf32>,
    return
  }
  func.func @transform_0(%arg0: i32) -> (i32, i32) {
    %c0_i32 = arith.constant 0 : i32
    %c0_i32_0 = arith.constant 0 : i32
    return %arg0, %c0_i32 : i32, i32
  }
  func.func @transform_1(%arg0: i32) -> (i32, i32) {
    %c0_i32 = arith.constant 0 : i32
    %c0_i32_0 = arith.constant 0 : i32
    %c0_i32_1 = arith.constant 0 : i32
    return %c0_i32, %c0_i32_0 : i32, i32
  }
  func.func @transform_2(%arg0: i32) -> (i32, i32) {
    %c0_i32 = arith.constant 0 : i32
    %c0_i32_0 = arith.constant 0 : i32
    return %arg0, %c0_i32 : i32, i32
  }
}

module attributes {stable_mosaic.version = 14 : i64} {
  func.func @body(%arg0: i32, %arg1: memref<2x1000x32xf32, #tpu.memory_space<vmem>>, %arg2: memref<32x16xf32, #tpu.memory_space<vmem>>, %arg3: memref<1000x16xf32, #tpu.memory_space<vmem>>) attributes {dimension_semantics = [#tpu.dimension_semantics<arbitrary>], iteration_bounds = array<i64: 10>, scalar_prefetch = 0 : i64, scratch_operands = 0 : i64, tpu.core_type = #tpu.core_type<tc>, window_params = [{transform_indices = @transform_0, window_bounds = array<i64: 2, 1000, 32>}, {pipeline_mode = #tpu.pipeline_mode<synchronous>, transform_indices = @transform_1, window_bounds = array<i64: 32, 16>}, {transform_indices = @transform_2, window_bounds = array<i64: 1000, 16>}]} {
    %get3A = arith.constant 0 : index
    %get3A_0 = arith.constant 0 : index
    %get3A_1 = arith.constant 0 : index
    %get3A_2 = vector.load %arg1[%get3A, %get3A_0, %get3A_1] : memref<2x1000x32xf32, #tpu.memory_space<vmem>>, vector<1x1000x32xf32>
    %get3A_3 = vector.shape_cast %get3A_2 : vector<1x1000x32xf32> to vector<1000x32xf32>
    %get3A_4 = arith.constant 1 : index
    %get3A_5 = arith.constant 0 : index
    %get3A_6 = arith.constant 0 : index
    %get3A_7 = vector.load %arg1[%get3A_4, %get3A_5, %get3A_6] : memref<2x1000x32xf32, #tpu.memory_space<vmem>>, vector<1x1000x32xf32>
    %get3A_8 = vector.shape_cast %get3A_7 : vector<1x1000x32xf32> to vector<1000x32xf32>
    %add3A = arith.addf %get3A_3, %get3A_8 : vector<1000x32xf32>
    %max3A = arith.constant 0.000000e+00 : f32
    %max3A_9 = vector.broadcast %max3A : f32 to vector<1000x32xf32>
    %max3A_10 = arith.maximumf %add3A, %max3A_9 : vector<1000x32xf32>
    %get3A_11 = arith.constant 0 : index
    %get3A_12 = arith.constant 0 : index
    %get3A_13 = vector.load %arg2[%get3A_11, %get3A_12] : memref<32x16xf32, #tpu.memory_space<vmem>>, vector<32x16xf32>
    %dot_general3A = arith.constant dense<0.000000e+00> : vector<1000x16xf32>
    %dot_general3A_14 = tpu.matmul %max3A_10, %get3A_13, %dot_general3A {dimension_numbers = #tpu.dot_dimension_numbers<[1], [0], [0], [1], [0, 0, 1, 1], [], []>, transpose_lhs_hint = false} : vector<1000x32xf32>, vector<32x16xf32>, vector<1000x16xf32> -> vector<1000x16xf32>
    %swap3A = arith.constant 0 : index
    %swap3A_15 = arith.constant 0 : index
    %swap3A_16 = vector.load %arg3[%swap3A, %swap3A_15] : memref<1000x16xf32, #tpu.memory_space<vmem>>, vector<1000x16xf32>
    tpu.vector_store %arg3[%swap3A, %swap3A_15], %dot_general3A_14 {strides = array<i32>} : memref<1000x16xf32, #tpu.memory_space<vmem>>, vector<1000x16xf32>,
    return
  }
  func.func @transform_0(%arg0: i32) -> (i32, i32, i32) {
    %c0_i32 = arith.constant 0 : i32
    %c0_i32_0 = arith.constant 0 : i32
    %c0_i32_1 = arith.constant 0 : i32
    return %c0_i32, %arg0, %c0_i32_0 : i32, i32, i32
  }
  func.func @transform_1(%arg0: i32) -> (i32, i32) {
    %c0_i32 = arith.constant 0 : i32
    %c0_i32_0 = arith.constant 0 : i32
    %c0_i32_1 = arith.constant 0 : i32
    return %c0_i32, %c0_i32_0 : i32, i32
  }
  func.func @transform_2(%arg0: i32) -> (i32, i32) {
    %c0_i32 = arith.constant 0 : i32
    %c0_i32_0 = arith.constant 0 : i32
    return %arg0, %c0_i32 : i32, i32
  }
}

module attributes {stable_mosaic.version = 14 : i64} {
  func.func @body(%arg0: i32, %arg1: memref<2x1264x16xf32, #tpu.memory_space<vmem>>, %arg2: memref<1264x16xf32, #tpu.memory_space<vmem>>) attributes {dimension_semantics = [#tpu.dimension_semantics<arbitrary>], iteration_bounds = array<i64: 8>, scalar_prefetch = 0 : i64, scratch_operands = 0 : i64, tpu.core_type = #tpu.core_type<tc>, window_params = [{transform_indices = @transform_0, window_bounds = array<i64: 2, 1264, 16>}, {transform_indices = @transform_1, window_bounds = array<i64: 1264, 16>}]} {
    %get3A = arith.constant 0 : index
    %get3A_0 = arith.constant 0 : index
    %get3A_1 = arith.constant 0 : index
    %get3A_2 = vector.load %arg1[%get3A, %get3A_0, %get3A_1] : memref<2x1264x16xf32, #tpu.memory_space<vmem>>, vector<1x1264x16xf32>
    %get3A_3 = vector.shape_cast %get3A_2 : vector<1x1264x16xf32> to vector<1264x16xf32>
    %get3A_4 = arith.constant 1 : index
    %get3A_5 = arith.constant 0 : index
    %get3A_6 = arith.constant 0 : index
    %get3A_7 = vector.load %arg1[%get3A_4, %get3A_5, %get3A_6] : memref<2x1264x16xf32, #tpu.memory_space<vmem>>, vector<1x1264x16xf32>
    %get3A_8 = vector.shape_cast %get3A_7 : vector<1x1264x16xf32> to vector<1264x16xf32>
    %add3A = arith.addf %get3A_3, %get3A_8 : vector<1264x16xf32>
    %swap3A = arith.constant 0 : index
    %swap3A_9 = arith.constant 0 : index
    %swap3A_10 = vector.load %arg2[%swap3A, %swap3A_9] : memref<1264x16xf32, #tpu.memory_space<vmem>>, vector<1264x16xf32>
    tpu.vector_store %arg2[%swap3A, %swap3A_9], %add3A {strides = array<i32>} : memref<1264x16xf32, #tpu.memory_space<vmem>>, vector<1264x16xf32>,
    return
  }
  func.func @transform_0(%arg0: i32) -> (i32, i32, i32) {
    %c0_i32 = arith.constant 0 : i32
    %c0_i32_0 = arith.constant 0 : i32
    %c0_i32_1 = arith.constant 0 : i32
    return %c0_i32, %arg0, %c0_i32_0 : i32, i32, i32
  }
  func.func @transform_1(%arg0: i32) -> (i32, i32) {
    %c0_i32 = arith.constant 0 : i32
    %c0_i32_0 = arith.constant 0 : i32
    return %arg0, %c0_i32 : i32, i32
  }
}

module attributes {stable_mosaic.version = 14 : i64} {
  func.func @body(%arg0: i32, %arg1: i32, %arg2: memref<2048x16xf32, #tpu.memory_space<vmem>>, %arg3: memref<2048x16xf32, #tpu.memory_space<vmem>>, %arg4: memref<2048x2048xf32, #tpu.memory_space<vmem>>) attributes {dimension_semantics = [#tpu.dimension_semantics<arbitrary>, #tpu.dimension_semantics<arbitrary>], iteration_bounds = array<i64: 5, 5>, scalar_prefetch = 0 : i64, scratch_operands = 0 : i64, tpu.core_type = #tpu.core_type<tc>, window_params = [{transform_indices = @transform_0, window_bounds = array<i64: 2048, 16>}, {transform_indices = @transform_1, window_bounds = array<i64: 2048, 16>}, {transform_indices = @transform_2, window_bounds = array<i64: 2048, 2048>}]} {
    %get3A = arith.constant 0 : index
    %get3A_0 = arith.constant 0 : index
    %get3A_1 = vector.load %arg2[%get3A, %get3A_0] : memref<2048x16xf32, #tpu.memory_space<vmem>>, vector<2048x16xf32>
    %get3A_2 = arith.constant 0 : index
    %get3A_3 = arith.constant 0 : index
    %get3A_4 = vector.load %arg3[%get3A_2, %get3A_3] : memref<2048x16xf32, #tpu.memory_space<vmem>>, vector<2048x16xf32>
    %dot_general3A = arith.constant dense<0.000000e+00> : vector<2048x2048xf32>
    %dot_general3A_5 = tpu.matmul %get3A_1, %get3A_4, %dot_general3A {dimension_numbers = #tpu.dot_dimension_numbers<[1], [1], [0], [0], [0, 0, 1, 0], [], []>, transpose_lhs_hint = false} : vector<2048x16xf32>, vector<2048x16xf32>, vector<2048x2048xf32> -> vector<2048x2048xf32>
    %tanh3A = math.tanh %dot_general3A_5 : vector<2048x2048xf32>
    %swap3A = arith.constant 0 : index
    %swap3A_6 = arith.constant 0 : index
    %swap3A_7 = vector.load %arg4[%swap3A, %swap3A_6] : memref<2048x2048xf32, #tpu.memory_space<vmem>>, vector<2048x2048xf32>
    tpu.vector_store %arg4[%swap3A, %swap3A_6], %tanh3A {strides = array<i32>} : memref<2048x2048xf32, #tpu.memory_space<vmem>>, vector<2048x2048xf32>,
    return
  }
  func.func @transform_0(%arg0: i32, %arg1: i32) -> (i32, i32) {
    %c0_i32 = arith.constant 0 : i32
    %c0_i32_0 = arith.constant 0 : i32
    return %arg0, %c0_i32 : i32, i32
  }
  func.func @transform_1(%arg0: i32, %arg1: i32) -> (i32, i32) {
    %c0_i32 = arith.constant 0 : i32
    %c0_i32_0 = arith.constant 0 : i32
    return %arg1, %c0_i32 : i32, i32
  }
  func.func @transform_2(%arg0: i32, %arg1: i32) -> (i32, i32) {
    %c0_i32 = arith.constant 0 : i32
    return %arg0, %arg1 : i32, i32
  }
}

</mosaic_0001>

<sc_bundles>
// kernel: kernel.11.cloned.1.call-start
scs
__scs_entry_jumppad:
0x0: {  	(pc) =	sbr.rel $0x88, $3  }
0x1: {  	(tag) =	ssettag $0x0;
	lr =	simm.s32 $0x1  }
0x2: {  	[smem:$0x3F9D] =	sst lr;
	_ =	strace $0xD0000000  }
0x3: {  	_ = 	snop  }
0x4: {  	_ = 	snop  }
0x5: {  	_ = 	snop  }
0x6: {  	_ = 	snop  }
0x7: {  	_ = 	snop  }
__scs_overlays_trampoline_lowered:
0x8: {  	[smem:$0x3FAC] =	sst s0  }
0x9: {  	[smem:$0x3FAD] =	sst s1  }
0xa: {  	[smem:$0x3FAE] =	sst s2  }
0xb: {  	[smem:$0x3FAF] =	sst s3  }
0xc: {  	[smem:$0x3FB0] =	sst s4  }
0xd: {  	[smem:$0x3FB1] =	sst s5  }
0xe: {  	[smem:$0x3FB2] =	sst s6  }
0xf: {  	[smem:$0x3FB3] =	sst s7  }
0x10: {  	[smem:$0x3FB4] =	sst s8  }
0x11: {  	[smem:$0x3FB5] =	sst s9;
	s0 =	simm.s32 @!p0 $0x0  }
0x12: {  	s1 =	sld [smem:$0x3F9B];
	s0 =	simm.s32 @p0 $0x1  }
0x13: {  	[smem:$0x3FB6] =	sst s0;
	s0 =	simm.s32 @!p1 $0x0  }
0x14: {  	s2 =	sld [smem:$0x3F9A];
	s0 =	simm.s32 @p1 $0x1  }
0x15: {  	[smem:$0x3FB7] =	sst s0;
	s0 =	simm.s32 @!p2 $0x0  }
0x16: {  	s3 =	sld [smem:$0x3FDB];
	s0 =	simm.s32 @p2 $0x1  }
0x17: {  	s4 =	simm.s32 $0x1BF5;
	[smem:$0x3FB9] =	sst s0  }
0x18: {  	s0 =	sld [smem:$0x3F9C];
	_ =	swait.ge [sflag:s4], $0x0  }
0x19: {  	s7 =	sld [smem:$0x3F9D]  }
0x1a: {  	s8 =	sadd.s32 $0xFFFFE003, lr  }
0x1b: {  	s9 =	sadd.s32 $0xFFFFFEF7, lr;
	s5 =	simm.s32 $0xFFFFFFFF;
	p2 =	slt.u32 s8, $0xFFFFF086  }
0x1c: {  	p1 =	slt.u32 s9, $0xF7A;
	s5 =	simm.s32 @!p2 $0x0  }
0x1d: {  	s5 =	simm.s32 @p1 $0x1;
	p0 =	seq.s32 s7, s2  }
0x1e: {  	s7 =	smul.u32 @!p0 $0xF7A, s2;
	p2 =	seq.s32 @!p0 s5, $0x0  }
0x1f: {  	s9 =	smul.u32 $0xF7A, s1;
	s8 =	simm.s32 @!p0 $0x1BF5;
	p2 =	por !p2, p0  }
0x20: {  	[sflag:s8] =	ssyncset.s32 @!p0 $0xFFFFF086;
	s6 =	sadd.s32 @!p0 s3, s7;
	s7 =	simm.s32 @!p0 $0x108  }
0x21: {  	s3 =	sadd.s32 s3, s9;
	s6 =	sadd.s32 @!p0 $0x88, s6;
	s7 =	simm.s32 @p2 $0x1082  }
0x22: {  	[simem:s7], [sflag:s8] =	dma.local @!p0 [hbm:s6], $0xF7A  }
0x23: {  	s9 =	sor.u32 $0xD0000000, s2;
	s6 =	simm.s32 $0x108;
	_ =	swait.ge @!p0 [sflag:s8], $0x0  }
0x24: {  	s3 =	sadd.s32 $0x88, s3;
	s6 =	simm.s32 @!p1 $0x1082;
	[sflag:s4] =	ssyncset.s32 $0xFFFFF086  }
0x25: {  	[simem:s6], [sflag:s4] =	dma.local [hbm:s3], $0xF7A  }
0x26: {  	[smem:$0x3F9D] =	sst s1;
	(tag) =	ssettag s2;
	_ =	strace s9  }
0x27: {  	s1 =	sld [smem:$0x3FAD]  }
0x28: {  	s2 =	sld [smem:$0x3FAE]  }
0x29: {  	s4 =	sld [smem:$0x3FB0]  }
0x2a: {  	p0 =	seq.s32 s5, $0x0;
	s5 =	sld [smem:$0x3FB1]  }
0x2b: {  	s6 =	sld [smem:$0x3FB2]  }
0x2c: {  	s7 =	sld [smem:$0x3FB3]  }
0x2d: {  	s3 =	simm.s32 $0x108;
	s8 =	sld [smem:$0x3FB4]  }
0x2e: {  	s3 =	simm.s32 @!p0 $0x1082;
	s9 =	sld [smem:$0x3FB5]  }
0x2f: {  	lr =	sadd.s32 s0, s3;
	s0 =	sld [smem:$0x3FAC]  }
0x30: {  	s3 =	sld [smem:$0x3FAF]  }
0x31: {  	[smem:$0x3FB8] =	sst s10  }
0x32: {  	s10 =	sld [smem:$0x3FB6];
	_ =	sdelay $0x3  }
0x33: {  	p0 =	seq.s32 s10, $0x1;
	s10 =	sld [smem:$0x3FB8];
	_ =	sdelay $0x3  }
0x34: {  	[smem:$0x3FB8] =	sst s10  }
0x35: {  	s10 =	sld [smem:$0x3FB7];
	_ =	sdelay $0x3  }
0x36: {  	p1 =	seq.s32 s10, $0x1;
	s10 =	sld [smem:$0x3FB8];
	_ =	sdelay $0x3  }
0x37: {  	[smem:$0x3FB8] =	sst s10  }
0x38: {  	s10 =	sld [smem:$0x3FB9]  }
0x39: {  	_ = 	snop;
	(pc) =	sbr.ind lr, $3  }
0x3a: {  	_ = 	snop  }
0x3b: {  	_ = 	snop  }
0x3c: {  	p2 =	seq.s32 s10, $0x1;
	s10 =	sld [smem:$0x3FB8]  }
0x3d: {  	_ =	shalt  }
0x3e: {  	_ =	shalt  }
0x3f: {  	_ =	shalt  }
0x40: {  	_ =	shalt  }
0x41: {  	_ =	shalt  }
0x42: {  	_ =	shalt  }
0x43: {  	_ =	shalt  }
0x44: {  	_ =	shalt  }
0x45: {  	_ =	shalt  }
0x46: {  	_ =	shalt  }
0x47: {  	_ =	shalt  }
0x48: {  	_ =	shalt  }
0x49: {  	_ =	shalt  }
0x4a: {  	_ =	shalt  }
0x4b: {  	_ =	shalt  }
0x4c: {  	_ =	shalt  }
0x4d: {  	_ =	shalt  }
0x4e: {  	_ =	shalt  }
0x4f: {  	_ =	shalt  }
0x50: {  	_ =	shalt  }
0x51: {  	_ =	shalt  }
0x52: {  	_ =	shalt  }
0x53: {  	_ =	shalt  }
0x54: {  	_ =	shalt  }
0x55: {  	_ =	shalt  }
0x56: {  	_ =	shalt  }
0x57: {  	_ =	shalt  }
0x58: {  	_ =	shalt  }
0x59: {  	_ =	shalt  }
0x5a: {  	_ =	shalt  }
0x5b: {  	_ =	shalt  }
0x5c: {  	_ =	shalt  }
0x5d: {  	_ =	shalt  }
0x5e: {  	_ =	shalt  }
0x5f: {  	_ =	shalt  }
0x60: {  	_ =	shalt  }
0x61: {  	_ =	shalt  }
0x62: {  	_ =	shalt  }
0x63: {  	_ =	shalt  }
0x64: {  	_ =	shalt  }
0x65: {  	_ =	shalt  }
0x66: {  	_ =	shalt  }
0x67: {  	_ =	shalt  }
0x68: {  	_ =	shalt  }
0x69: {  	_ =	shalt  }
0x6a: {  	_ =	shalt  }
0x6b: {  	_ =	shalt  }
0x6c: {  	_ =	shalt  }
0x6d: {  	_ =	shalt  }
0x6e: {  	_ =	shalt  }
0x6f: {  	_ =	shalt  }
0x70: {  	_ =	shalt  }
0x71: {  	_ =	shalt  }
0x72: {  	_ =	shalt  }
0x73: {  	_ =	shalt  }
0x74: {  	_ =	shalt  }
0x75: {  	_ =	shalt  }
0x76: {  	_ =	shalt  }
0x77: {  	_ =	shalt  }
0x78: {  	_ =	shalt  }
0x79: {  	_ =	shalt  }
0x7a: {  	_ =	shalt  }
0x7b: {  	_ =	shalt  }
0x7c: {  	_ =	shalt  }
0x7d: {  	_ =	shalt  }
0x7e: {  	_ =	shalt  }
0x7f: {  	_ =	shalt  }
0x80: {  	_ =	shalt  }
0x81: {  	_ =	shalt  }
0x82: {  	_ =	shalt  }
0x83: {  	_ =	shalt  }
0x84: {  	_ =	shalt  }
0x85: {  	_ =	shalt  }
0x86: {  	_ =	shalt  }
0x87: {  	_ =	shalt  }
.Lfunc_end0:
.L_simem_size_0:
called_computation.1_lowered:
.L_overlay_start_0:
0x88: {  	s2 =	sld [smem:$0x3FD9]  }
0x89: {  	s3 =	sld [smem:$0x3FFE];
	_ =	sdelay $0x1  }
0x8a: {  	s1 =	srdreg.scid  }
0x8b: {  	s0 =	sand.u32 $0x1, s1  }
0x8c: {  	s17 =	sshll.u32 s0, $0xA;
	s2 =	sadd.s32 s3, s2  }
0x8d: {  	s2 =	sadd.s32 s2, s17  }
0x8e: {  	[smem:$0x3FC4] =	sst s2  }
0x8f: {  	_ = 	snop  }
0x90: {  	s2 =	sld [smem:$0x3FD0];
	(tm) =	ssettm $0x1  }
0x91: {  	s18 =	sld [smem:$0x3FFB];
	_ =	sdelay $0x3  }
0x92: {  	_ =	strace s18  }
0x93: {  	s3 =	sld [smem:$0x3FFC];
	_ =	sdelay $0x3  }
0x94: {  	_ =	strace s3  }
0x95: {  	s3 =	sld [smem:$0x3FFD];
	_ =	sdelay $0x3  }
0x96: {  	_ =	strace s3  }
0x97: {  	_ =	strace $0x8FFFFFFF  }
0x98: {  	s19 =	sld [smem:$0x3FDB];
	_ =	sdelay $0x1  }
0x99: {  	s4 =	simm.s32 $_scs_section_size  }
0x9a: {  	s5 =	simm.s32 $_size__tile_overlayer_lowered;
	s6 =	simm.s32 $_tile_overlayer_lowered  }
0x9b: {  	s22 =	simm.s32 $0x1BFF;
	s21 =	sshll.u32 s6, $0x1;
	s3 =	sadd.s32 s4, s19  }
0x9c: {  	s7 =	simm.s32 $0x0;
	s20 =	sshll.u32 s5, $0x1;
	s5 =	sadd.s32 s21, s3  }
0x9d: {  	[timem:s7], [sflag:s22] =	dma.local [hbm:s5], s20  }
0x9e: {  	_ =	swait.ge [sflag:s22], s20  }
0x9f: {  	s4 =	ssub.s32 $0x0, s20;
	[sflag:s22] =	ssyncset.done $0x0  }
0xa0: {  	[sflag:s22] =	ssyncadd.s32 s4;
	_ =	sdelay $0x1  }
0xa1: {  	s23 =	simm.s32 $0x1B8B  }
0xa2: {  	_ =	swait.ge [sflag:s23], $0x1  }
0xa3: {  	[sflag:s23] =	ssyncset.done $0x0  }
0xa4: {  	s25 =	simm.s32 $0x1B8E;
	s24 =	sld [smem:$0x3FFE];
	[sflag:s23] =	ssyncadd.s32 $0xFFFFFFFF  }
0xa5: {  	s26 =	simm.s32 $execute0_lowered;
	[smem:$0x3FD2] =	sst s25  }
0xa6: {  	s5 =	sshll.u32 s26, $0x1;
	_ =	strace $0x80000049;
	[dreg:$0x1] =	wrdreg $0xFFFFFFFF  }
0xa7: {  	s28 =	simm.s32 $_size_execute0_lowered;
	s3 =	sadd.s32 s3, s5;
	[dreg:$0x0] =	wrdreg $0x0  }
0xa8: {  	s5 =	sshll.u32 s28, $0x1;
	[dreg:$0x2] =	wrdreg s3  }
0xa9: {  	[dreg:$0x3] =	wrdreg s5  }
0xaa: {  	[dreg:$0x4] =	wrdreg $0xC0  }
0xab: {  	_ =	task [dreg:s7], $0x5FFFF  }
0xac: {  	[dreg:$0x1] =	wrdreg $0xFFFFFFFF  }
0xad: {  	[dreg:$0x0] =	wrdreg $0x60  }
0xae: {  	[dreg:$0x2] =	wrdreg s24  }
0xaf: {  	[dreg:$0x3] =	wrdreg s2  }
0xb0: {  	[dreg:$0x4] =	wrdreg $0xEF800  }
0xb1: {  	[dreg:$0x5] =	wrdreg $0x9  }
0xb2: {  	_ =	task.clear_ibuf [dreg:s7], $0x6FFFF;
	_ =	strace $0x90000049  }
0xb3: {  	s29 =	simm.s32 $0x9;
	_ =	strace $0x8000004B  }
0xb4: {  	_ =	swait.ge [sflag:s29], $0x1  }
0xb5: {  	[sflag:s29] =	ssyncadd.s32 $0xFFFFFFFF  }
0xb6: {  	_ =	strace $0x9000004B  }
0xb7: {  	_ =	sfence  }
0xb8: {  	s30 =	sld [smem:$0x0];
	_ =	sdelay $0x2  }
0xb9: {  	s31 =	sshll.u32 s1, $0xD;
	s1 =	sshrl.u32 s1, $0x2  }
0xba: {  	s3 =	sand.u32 $0x4000, s31;
	s1 =	sadd.s32 s1, s30  }
0xbb: {  	s0 =	sor.u32 s3, s0;
	s1 =	sshll.u32 s1, $0x11  }
0xbc: {  	s0 =	sor.u32 s1, s0  }
0xbd: {  	s0 =	sadd.s32 $0x8F2B, s0  }
0xbe: {  	[sflag:s0] =	ssyncadd.remote.s32 $0x1  }
0xbf: {  	_ =	sfence.sel $0xFFFF  }
0xc0: {  	[dreg:$0x0] =	wrdreg $0xFFFFFFFF;
	(pc) =	sbr.abs _section_cstart, $3  }
0xc1: {  	[dreg:$0x1] =	wrdreg $0xFFFFFFFF  }
0xc2: {  	_ =	task.clear_ibuf [dreg:s7], $0x2FFFF;
	_ =	strace $0x9FFFFFFF  }
0xc3: {  	(tm) =	ssettm $0x7FFFFFFF  }
tec
execute0_lowered:
.L_overlay_start_1:
0x0: {  	(tag) =	ssettag $0x1  }
0x1: {  	s5 =	rddreg [dreg:$0x0]  }
0x2: {  	s9 =	rddreg [dreg:$0x1]  }
0x3: {  	s2 =	rddreg [dreg:$0x2]  }
0x4: {  	s0 =	rddreg [dreg:$0x3]  }
0x5: {  	s1 =	stileid.u32;
	s4 =	srdreg.scid;
	s3 =	simm.s32 $0x0  }
0x6: {  	s13 =	simm.s32 $0x4400;
	s14 =	simm.s32 $0x80;
	s15 =	simm.s32 $0x8800  }
0x7: {  	s16 =	simm.s32 $0x9000;
	s17 =	simm.s32 $0x9800;
	s18 =	simm.s32 $0xA000  }
0x8: {  	s19 =	simm.s32 $0xA800;
	s20 =	simm.s32 $0xB000;
	s21 =	simm.s32 $0xB800  }
0x9: {  	s22 =	simm.s32 $0xC000;
	s23 =	simm.s32 $0x1;
	s6 =	smul.u32 $0x18, s1  }
0xa: {  	s24 =	simm.s32 $0x2;
	s4 =	sand.u32 $0x1, s4;
	s7 =	smul.u32 $0x88, s1  }
0xb: {  	[smem:$0x7FF] =	sst s3;
	s29 =	smul.u32 $0x2780, s1;
	p0 =	seq.s32 s4, $0x0  }
0xc: {  	_ =	strace $0x8000004A;
	s10 =	smul.u32 $0x27800, s4;
	s6 =	sadd.s32 $0x880, s6  }
0xd: {  	s8 =	ssub.s32 $0x2, s4;
	s4 =	sadd.s32 $0x400, s5;
	s6 =	smov.u32 @p0 s7  }
0xe: {  	s30 =	sshrl.u32 s8, $0x1;
	s31 =	sadd.s32 s29, s10;
	s6 =	sshll.u32 s6, $0x4  }
0xf: {  	s12 =	ssub.s32 s8, s30;
	s10 =	sshrl.u32 s31, $0x3;
	s11 =	sadd.s32 s6, s5  }
0x10: {  	s5 =	simm.s32 $0x11000;
	s6 =	sadd.s32 s29, s2;
	s9 =	sadd.s32 s9, s10  }
0x11: {  	s10 =	smax.u32 s12, $0x1;
	s12 =	simm.s32 $0x3;
	s5 =	simm.s32 @!p0 $0x3000  }
0x12: {  	v0 =	vimm.f32 $0.0e+00;
	s7 =	sadd.s32 $0x14A00, s11;
	s8 =	sadd.s32 $0xA200, s11;
	s11 =	simm.s32 $0xC800  }
.LBB2_1:
0x13: {  	s25 =	simm.s32 $0x40;
	s26 =	simm.s32 $0x0  }
.LBB2_2:
0x14: {  	p0 =	sne.s32 s25, $0x9DC0;
	[tilespmem:s26+$0xC800] =	vst v0;
	s26 =	smov.u32 s25;
	s25 =	sadd.s32 $0x40, s25  }
.Ltmp0:
0x15: {  	(pc) =	sbr.rel @p0 .LBB2_2-.Ltmp0, $2  }
0x16: {  	_ =	sdelay $0x2  }
0x17: {  	s26 =	sshra.s32 s26, $0x2  }
0x18: {  	[tilespmem:s26+$0xC800] =	vst v0  }
0x19: {  	[spmem:s6] =	stream.linear.scatter [tilespmem:s11], [sflag:$0x3], $0x2780, $0x38;
	[tilespmem:$0x11700] =	vst v63  }
0x1a: {  	_ =	swait.ge [sflag:s12], $0x2780  }
0x1b: {  	[sflag:s12] =	ssyncset.done $0x0  }
0x1c: {  	[sflag:s12] =	ssyncadd.s32 $0xFFFFD880  }
0x1d: {  	s26 =	simm.s32 $0x0;
	[bflag:$0x0] =	sbarrier.arrive $0xFFFF  }
0x1e: {  	[tilespmem:s26], [sflag:$0x3] =	stream.linear.gather [hbm4b:s7+s26], $0x4400, $0x38;
	[tilespmem:$0x11700] =	vst v63  }
0x1f: {  	_ =	swait.ge [sflag:s12], $0x4400  }
0x20: {  	p1 =	sne.s32 s5, $0x1000;
	[sflag:s12] =	ssyncset.done $0x0  }
.Ltmp1:
0x21: {  	[sflag:s12] =	ssyncadd.s32 $0xFFFFBC00;
	(pc) =	sbr.rel @!p1 .LBB2_8-.Ltmp1, $4  }
0x22: {  	[tilespmem:s13], [sflag:$0x3] =	stream.linear.gather [hbm4b:s8+s26], $0x4400, $0x38;
	[tilespmem:$0x11700] =	vst v63  }
0x23: {  	_ =	swait.ge [sflag:s12], $0x4400  }
0x24: {  	[sflag:s12] =	ssyncset.done $0x0  }
0x25: {  	s25 =	simm.s32 $0x1000;
	p0 =	por $0x0, $0x0;
	[sflag:s12] =	ssyncadd.s32 $0xFFFFBC00  }
0x26: {  	s26 =	simm.s32 $0x0  }
0x27: {  	[tilespmem:s15], [sflag:$0x1] =	stream.indirect.gather [hbm4b:s4+s14], $0x10, s26, s14, $0xb8;
	[tilespmem:$0x11700] =	vst v63  }
0x28: {  	s29 =	simm.s32 $0x80  }
0x29: {  	[tilespmem:s16], [sflag:$0x1] =	stream.indirect.gather [hbm4b:s4+s14], $0x10, s29, s14, $0xb8;
	[tilespmem:$0x11700] =	vst v63  }
0x2a: {  	s30 =	simm.s32 $0x100  }
0x2b: {  	[tilespmem:s17], [sflag:$0x1] =	stream.indirect.gather [hbm4b:s4+s14], $0x10, s30, s14, $0xb8;
	[tilespmem:$0x11700] =	vst v63  }
0x2c: {  	s31 =	simm.s32 $0x180  }
0x2d: {  	[tilespmem:s18], [sflag:$0x1] =	stream.indirect.gather [hbm4b:s4+s14], $0x10, s31, s14, $0xb8;
	[tilespmem:$0x11700] =	vst v63  }
0x2e: {  	s28 =	simm.s32 $0x200  }
0x2f: {  	[tilespmem:s19], [sflag:$0x1] =	stream.indirect.gather [hbm4b:s4+s14], $0x10, s28, s14, $0xb8;
	[tilespmem:$0x11700] =	vst v63  }
0x30: {  	s29 =	simm.s32 $0x280  }
0x31: {  	[tilespmem:s20], [sflag:$0x1] =	stream.indirect.gather [hbm4b:s4+s14], $0x10, s29, s14, $0xb8;
	[tilespmem:$0x11700] =	vst v63  }
0x32: {  	s30 =	simm.s32 $0x300  }
0x33: {  	[tilespmem:s21], [sflag:$0x1] =	stream.indirect.gather [hbm4b:s4+s14], $0x10, s30, s14, $0xb8;
	[tilespmem:$0x11700] =	vst v63  }
0x34: {  	s31 =	simm.s32 $0x380  }
0x35: {  	[tilespmem:s22], [sflag:$0x1] =	stream.indirect.gather [hbm4b:s4+s14], $0x10, s31, s14, $0xb8;
	[tilespmem:$0x11700] =	vst v63  }
0x36: {  	_ =	swait.ge [sflag:s23], $0x800  }
0x37: {  	[sflag:s23] =	ssyncset.done $0x0  }
0x38: {  	[sflag:s23] =	ssyncadd.s32 $0xFFFFF800  }
0x39: {  	_ =	swait.ge [sflag:s23], $0x800  }
0x3a: {  	[sflag:s23] =	ssyncset.done $0x0  }
0x3b: {  	[sflag:s23] =	ssyncadd.s32 $0xFFFFF800  }
0x3c: {  	_ =	swait.ge [sflag:s23], $0x800  }
0x3d: {  	[sflag:s23] =	ssyncset.done $0x0  }
0x3e: {  	[sflag:s23] =	ssyncadd.s32 $0xFFFFF800  }
0x3f: {  	_ =	swait.ge [sflag:s23], $0x800  }
0x40: {  	[sflag:s23] =	ssyncset.done $0x0  }
0x41: {  	[sflag:s23] =	ssyncadd.s32 $0xFFFFF800  }
0x42: {  	_ =	swait.ge [sflag:s23], $0x800  }
0x43: {  	[sflag:s23] =	ssyncset.done $0x0  }
0x44: {  	[sflag:s23] =	ssyncadd.s32 $0xFFFFF800  }
0x45: {  	_ =	swait.ge [sflag:s23], $0x800  }
0x46: {  	[sflag:s23] =	ssyncset.done $0x0  }
0x47: {  	[sflag:s23] =	ssyncadd.s32 $0xFFFFF800  }
0x48: {  	_ =	swait.ge [sflag:s23], $0x800  }
0x49: {  	[sflag:s23] =	ssyncset.done $0x0  }
0x4a: {  	[sflag:s23] =	ssyncadd.s32 $0xFFFFF800  }
0x4b: {  	_ =	swait.ge [sflag:s23], $0x800  }
0x4c: {  	[sflag:s23] =	ssyncset.done $0x0  }
0x4d: {  	s28 =	simm.s32 $0x4400;
	[sflag:s23] =	ssyncadd.s32 $0xFFFFF800  }
0x4e: {  	[spmem:s2] =	stream.indirect.scatter.add.f32 [tilespmem:s15], [sflag:$0x2], $0x10, s28, s14, $0xb8;
	[tilespmem:$0x11700] =	vst v63  }
0x4f: {  	s29 =	simm.s32 $0x4480  }
0x50: {  	[spmem:s2] =	stream.indirect.scatter.add.f32 [tilespmem:s16], [sflag:$0x2], $0x10, s29, s14, $0xb8;
	[tilespmem:$0x11700] =	vst v63  }
0x51: {  	s30 =	simm.s32 $0x4500  }
0x52: {  	[spmem:s2] =	stream.indirect.scatter.add.f32 [tilespmem:s17], [sflag:$0x2], $0x10, s30, s14, $0xb8;
	[tilespmem:$0x11700] =	vst v63  }
0x53: {  	s31 =	simm.s32 $0x4580  }
0x54: {  	[spmem:s2] =	stream.indirect.scatter.add.f32 [tilespmem:s18], [sflag:$0x2], $0x10, s31, s14, $0xb8;
	[tilespmem:$0x11700] =	vst v63  }
0x55: {  	s28 =	simm.s32 $0x4600  }
0x56: {  	[spmem:s2] =	stream.indirect.scatter.add.f32 [tilespmem:s19], [sflag:$0x2], $0x10, s28, s14, $0xb8;
	[tilespmem:$0x11700] =	vst v63  }
0x57: {  	s29 =	simm.s32 $0x4680  }
0x58: {  	[spmem:s2] =	stream.indirect.scatter.add.f32 [tilespmem:s20], [sflag:$0x2], $0x10, s29, s14, $0xb8;
	[tilespmem:$0x11700] =	vst v63  }
0x59: {  	s30 =	simm.s32 $0x4700  }
0x5a: {  	[spmem:s2] =	stream.indirect.scatter.add.f32 [tilespmem:s21], [sflag:$0x2], $0x10, s30, s14, $0xb8;
	[tilespmem:$0x11700] =	vst v63  }
0x5b: {  	s31 =	simm.s32 $0x4780  }
0x5c: {  	[spmem:s2] =	stream.indirect.scatter.add.f32 [tilespmem:s22], [sflag:$0x2], $0x10, s31, s14, $0xb8;
	[tilespmem:$0x11700] =	vst v63  }
0x5d: {  	_ =	swait.ge [sflag:s24], $0x800  }
0x5e: {  	[sflag:s24] =	ssyncset.done $0x0  }
0x5f: {  	[sflag:s24] =	ssyncadd.s32 $0xFFFFF800  }
0x60: {  	_ =	swait.ge [sflag:s24], $0x800  }
0x61: {  	[sflag:s24] =	ssyncset.done $0x0  }
0x62: {  	[sflag:s24] =	ssyncadd.s32 $0xFFFFF800  }
0x63: {  	_ =	swait.ge [sflag:s24], $0x800  }
0x64: {  	[sflag:s24] =	ssyncset.done $0x0  }
0x65: {  	[sflag:s24] =	ssyncadd.s32 $0xFFFFF800  }
0x66: {  	_ =	swait.ge [sflag:s24], $0x800  }
0x67: {  	[sflag:s24] =	ssyncset.done $0x0  }
0x68: {  	[sflag:s24] =	ssyncadd.s32 $0xFFFFF800  }
0x69: {  	_ =	swait.ge [sflag:s24], $0x800  }
0x6a: {  	[sflag:s24] =	ssyncset.done $0x0  }
0x6b: {  	[sflag:s24] =	ssyncadd.s32 $0xFFFFF800  }
0x6c: {  	_ =	swait.ge [sflag:s24], $0x800  }
0x6d: {  	[sflag:s24] =	ssyncset.done $0x0  }
0x6e: {  	p1 =	sne.s32 s5, $0x2000;
	[sflag:s24] =	ssyncadd.s32 $0xFFFFF800  }
.Ltmp2:
0x6f: {  	_ =	swait.ge [sflag:s24], $0x800;
	(pc) =	sbr.rel @!p1 .LBB2_5-.Ltmp2, $4  }
0x70: {  	[sflag:s24] =	ssyncset.done $0x0  }
0x71: {  	[sflag:s24] =	ssyncadd.s32 $0xFFFFF800  }
0x72: {  	_ =	swait.ge [sflag:s24], $0x800  }
0x73: {  	p0 =	por $0x1, $0x1;
	s26 =	simm.s32 $0x2000;
	[sflag:s24] =	ssyncset.done $0x0  }
.LBB2_6:
0x74: {  	s28 =	sshra.s32 s25, $0x2  }
0x75: {  	[sflag:s24] =	ssyncadd.s32 $0xFFFFF800;
	s25 =	smov.u32 s26;
	s26 =	sadd.s32 $0x1000, s26  }
0x76: {  	[tilespmem:s15], [sflag:$0x1] =	stream.indirect.gather [hbm4b:s4+s14], $0x10, s28, s14, $0xb8;
	[tilespmem:$0x11700] =	vst v63  }
0x77: {  	p1 =	sne.s32 s5, s26;
	s29 =	sadd.s32 $0x80, s28  }
0x78: {  	[tilespmem:s16], [sflag:$0x1] =	stream.indirect.gather [hbm4b:s4+s14], $0x10, s29, s14, $0xb8;
	[tilespmem:$0x11700] =	vst v63  }
0x79: {  	s29 =	sadd.s32 $0x100, s28  }
0x7a: {  	[tilespmem:s17], [sflag:$0x1] =	stream.indirect.gather [hbm4b:s4+s14], $0x10, s29, s14, $0xb8;
	[tilespmem:$0x11700] =	vst v63  }
0x7b: {  	s29 =	sadd.s32 $0x180, s28  }
0x7c: {  	[tilespmem:s18], [sflag:$0x1] =	stream.indirect.gather [hbm4b:s4+s14], $0x10, s29, s14, $0xb8;
	[tilespmem:$0x11700] =	vst v63  }
0x7d: {  	s29 =	sadd.s32 $0x200, s28  }
0x7e: {  	[tilespmem:s19], [sflag:$0x1] =	stream.indirect.gather [hbm4b:s4+s14], $0x10, s29, s14, $0xb8;
	[tilespmem:$0x11700] =	vst v63  }
0x7f: {  	s29 =	sadd.s32 $0x280, s28  }
0x80: {  	[tilespmem:s20], [sflag:$0x1] =	stream.indirect.gather [hbm4b:s4+s14], $0x10, s29, s14, $0xb8;
	[tilespmem:$0x11700] =	vst v63  }
0x81: {  	s29 =	sadd.s32 $0x300, s28  }
0x82: {  	[tilespmem:s21], [sflag:$0x1] =	stream.indirect.gather [hbm4b:s4+s14], $0x10, s29, s14, $0xb8;
	[tilespmem:$0x11700] =	vst v63  }
0x83: {  	s29 =	sadd.s32 $0x380, s28  }
0x84: {  	[tilespmem:s22], [sflag:$0x1] =	stream.indirect.gather [hbm4b:s4+s14], $0x10, s29, s14, $0xb8;
	[tilespmem:$0x11700] =	vst v63  }
0x85: {  	_ =	swait.ge [sflag:s23], $0x800  }
0x86: {  	[sflag:s23] =	ssyncset.done $0x0  }
0x87: {  	[sflag:s23] =	ssyncadd.s32 $0xFFFFF800  }
0x88: {  	_ =	swait.ge [sflag:s23], $0x800  }
0x89: {  	[sflag:s23] =	ssyncset.done $0x0  }
0x8a: {  	[sflag:s23] =	ssyncadd.s32 $0xFFFFF800  }
0x8b: {  	_ =	swait.ge [sflag:s23], $0x800  }
0x8c: {  	[sflag:s23] =	ssyncset.done $0x0  }
0x8d: {  	[sflag:s23] =	ssyncadd.s32 $0xFFFFF800  }
0x8e: {  	_ =	swait.ge [sflag:s23], $0x800  }
0x8f: {  	[sflag:s23] =	ssyncset.done $0x0  }
0x90: {  	[sflag:s23] =	ssyncadd.s32 $0xFFFFF800  }
0x91: {  	_ =	swait.ge [sflag:s23], $0x800  }
0x92: {  	[sflag:s23] =	ssyncset.done $0x0  }
0x93: {  	[sflag:s23] =	ssyncadd.s32 $0xFFFFF800  }
0x94: {  	_ =	swait.ge [sflag:s23], $0x800  }
0x95: {  	[sflag:s23] =	ssyncset.done $0x0  }
0x96: {  	[sflag:s23] =	ssyncadd.s32 $0xFFFFF800  }
0x97: {  	_ =	swait.ge [sflag:s23], $0x800  }
0x98: {  	[sflag:s23] =	ssyncset.done $0x0  }
0x99: {  	[sflag:s23] =	ssyncadd.s32 $0xFFFFF800  }
0x9a: {  	_ =	swait.ge [sflag:s23], $0x800  }
0x9b: {  	[sflag:s23] =	ssyncset.done $0x0  }
0x9c: {  	s29 =	sadd.s32 $0x4400, s28;
	[sflag:s23] =	ssyncadd.s32 $0xFFFFF800  }
0x9d: {  	[spmem:s2] =	stream.indirect.scatter.add.f32 [tilespmem:s15], [sflag:$0x2], $0x10, s29, s14, $0xb8;
	[tilespmem:$0x11700] =	vst v63  }
0x9e: {  	s29 =	sadd.s32 $0x4480, s28  }
0x9f: {  	[spmem:s2] =	stream.indirect.scatter.add.f32 [tilespmem:s16], [sflag:$0x2], $0x10, s29, s14, $0xb8;
	[tilespmem:$0x11700] =	vst v63  }
0xa0: {  	s29 =	sadd.s32 $0x4500, s28  }
0xa1: {  	[spmem:s2] =	stream.indirect.scatter.add.f32 [tilespmem:s17], [sflag:$0x2], $0x10, s29, s14, $0xb8;
	[tilespmem:$0x11700] =	vst v63  }
0xa2: {  	s29 =	sadd.s32 $0x4580, s28  }
0xa3: {  	[spmem:s2] =	stream.indirect.scatter.add.f32 [tilespmem:s18], [sflag:$0x2], $0x10, s29, s14, $0xb8;
	[tilespmem:$0x11700] =	vst v63  }
0xa4: {  	s29 =	sadd.s32 $0x4600, s28  }
0xa5: {  	[spmem:s2] =	stream.indirect.scatter.add.f32 [tilespmem:s19], [sflag:$0x2], $0x10, s29, s14, $0xb8;
	[tilespmem:$0x11700] =	vst v63  }
0xa6: {  	s29 =	sadd.s32 $0x4680, s28  }
0xa7: {  	[spmem:s2] =	stream.indirect.scatter.add.f32 [tilespmem:s20], [sflag:$0x2], $0x10, s29, s14, $0xb8;
	[tilespmem:$0x11700] =	vst v63  }
0xa8: {  	s29 =	sadd.s32 $0x4700, s28  }
0xa9: {  	[spmem:s2] =	stream.indirect.scatter.add.f32 [tilespmem:s21], [sflag:$0x2], $0x10, s29, s14, $0xb8;
	[tilespmem:$0x11700] =	vst v63  }
0xaa: {  	s28 =	sadd.s32 $0x4780, s28  }
0xab: {  	[spmem:s2] =	stream.indirect.scatter.add.f32 [tilespmem:s22], [sflag:$0x2], $0x10, s28, s14, $0xb8;
	[tilespmem:$0x11700] =	vst v63  }
0xac: {  	_ =	swait.ge [sflag:s24], $0x800  }
0xad: {  	[sflag:s24] =	ssyncset.done $0x0  }
0xae: {  	[sflag:s24] =	ssyncadd.s32 $0xFFFFF800  }
0xaf: {  	_ =	swait.ge [sflag:s24], $0x800  }
0xb0: {  	[sflag:s24] =	ssyncset.done $0x0  }
0xb1: {  	[sflag:s24] =	ssyncadd.s32 $0xFFFFF800  }
0xb2: {  	_ =	swait.ge [sflag:s24], $0x800  }
0xb3: {  	[sflag:s24] =	ssyncset.done $0x0  }
0xb4: {  	[sflag:s24] =	ssyncadd.s32 $0xFFFFF800  }
0xb5: {  	_ =	swait.ge [sflag:s24], $0x800  }
0xb6: {  	[sflag:s24] =	ssyncset.done $0x0  }
0xb7: {  	[sflag:s24] =	ssyncadd.s32 $0xFFFFF800  }
0xb8: {  	_ =	swait.ge [sflag:s24], $0x800  }
0xb9: {  	[sflag:s24] =	ssyncset.done $0x0  }
0xba: {  	[sflag:s24] =	ssyncadd.s32 $0xFFFFF800  }
0xbb: {  	_ =	swait.ge [sflag:s24], $0x800  }
0xbc: {  	[sflag:s24] =	ssyncset.done $0x0  }
0xbd: {  	[sflag:s24] =	ssyncadd.s32 $0xFFFFF800  }
.Ltmp3:
0xbe: {  	_ =	swait.ge [sflag:s24], $0x800;
	(pc) =	sbr.rel @p1 .LBB2_6-.Ltmp3, $4  }
0xbf: {  	[sflag:s24] =	ssyncset.done $0x0  }
0xc0: {  	[sflag:s24] =	ssyncadd.s32 $0xFFFFF800  }
0xc1: {  	_ =	swait.ge [sflag:s24], $0x800  }
0xc2: {  	[sflag:s24] =	ssyncset.done $0x0  }
0xc3: {  	s26 =	smov.u32 s25  }
.LBB2_8:
0xc4: {  	s25 =	sshra.s32 s26, $0x2;
	[sflag:s24] =	ssyncadd.s32 @p0 $0xFFFFF800  }
0xc5: {  	[tilespmem:s15], [sflag:$0x1] =	stream.indirect.gather [hbm4b:s4+s14], $0x10, s25, s14, $0xb8;
	[tilespmem:$0x11700] =	vst v63  }
0xc6: {  	s26 =	sadd.s32 $0x80, s25  }
0xc7: {  	[tilespmem:s16], [sflag:$0x1] =	stream.indirect.gather [hbm4b:s4+s14], $0x10, s26, s14, $0xb8;
	[tilespmem:$0x11700] =	vst v63  }
0xc8: {  	s29 =	sadd.s32 $0x100, s25  }
0xc9: {  	[tilespmem:s17], [sflag:$0x1] =	stream.indirect.gather [hbm4b:s4+s14], $0x10, s29, s14, $0xb8;
	[tilespmem:$0x11700] =	vst v63  }
0xca: {  	s30 =	sadd.s32 $0x180, s25  }
0xcb: {  	[tilespmem:s18], [sflag:$0x1] =	stream.indirect.gather [hbm4b:s4+s14], $0x10, s30, s14, $0xb8;
	[tilespmem:$0x11700] =	vst v63  }
0xcc: {  	s31 =	sadd.s32 $0x200, s25  }
0xcd: {  	[tilespmem:s19], [sflag:$0x1] =	stream.indirect.gather [hbm4b:s4+s14], $0x10, s31, s14, $0xb8;
	[tilespmem:$0x11700] =	vst v63  }
0xce: {  	s28 =	sadd.s32 $0x280, s25  }
0xcf: {  	[tilespmem:s20], [sflag:$0x1] =	stream.indirect.gather [hbm4b:s4+s14], $0x10, s28, s14, $0xb8;
	[tilespmem:$0x11700] =	vst v63  }
0xd0: {  	s29 =	sadd.s32 $0x300, s25  }
0xd1: {  	[tilespmem:s21], [sflag:$0x1] =	stream.indirect.gather [hbm4b:s4+s14], $0x10, s29, s14, $0xb8;
	[tilespmem:$0x11700] =	vst v63  }
0xd2: {  	s30 =	sadd.s32 $0x380, s25  }
0xd3: {  	[tilespmem:s22], [sflag:$0x1] =	stream.indirect.gather [hbm4b:s4+s14], $0x10, s30, s14, $0xb8;
	[tilespmem:$0x11700] =	vst v63  }
0xd4: {  	_ =	swait.ge [sflag:s23], $0x800  }
0xd5: {  	[sflag:s23] =	ssyncset.done $0x0  }
0xd6: {  	[sflag:s23] =	ssyncadd.s32 $0xFFFFF800  }
0xd7: {  	_ =	swait.ge [sflag:s23], $0x800  }
0xd8: {  	[sflag:s23] =	ssyncset.done $0x0  }
0xd9: {  	[sflag:s23] =	ssyncadd.s32 $0xFFFFF800  }
0xda: {  	_ =	swait.ge [sflag:s23], $0x800  }
0xdb: {  	[sflag:s23] =	ssyncset.done $0x0  }
0xdc: {  	[sflag:s23] =	ssyncadd.s32 $0xFFFFF800  }
0xdd: {  	_ =	swait.ge [sflag:s23], $0x800  }
0xde: {  	[sflag:s23] =	ssyncset.done $0x0  }
0xdf: {  	[sflag:s23] =	ssyncadd.s32 $0xFFFFF800  }
0xe0: {  	_ =	swait.ge [sflag:s23], $0x800  }
0xe1: {  	[sflag:s23] =	ssyncset.done $0x0  }
0xe2: {  	[sflag:s23] =	ssyncadd.s32 $0xFFFFF800  }
0xe3: {  	_ =	swait.ge [sflag:s23], $0x800  }
0xe4: {  	[sflag:s23] =	ssyncset.done $0x0  }
0xe5: {  	[sflag:s23] =	ssyncadd.s32 $0xFFFFF800  }
0xe6: {  	_ =	swait.ge [sflag:s23], $0x800  }
0xe7: {  	[sflag:s23] =	ssyncset.done $0x0  }
0xe8: {  	[sflag:s23] =	ssyncadd.s32 $0xFFFFF800  }
0xe9: {  	_ =	swait.ge [sflag:s23], $0x800  }
0xea: {  	[sflag:s23] =	ssyncset.done $0x0  }
0xeb: {  	s31 =	sadd.s32 $0x4400, s25;
	[sflag:s23] =	ssyncadd.s32 $0xFFFFF800  }
0xec: {  	[spmem:s2] =	stream.indirect.scatter.add.f32 [tilespmem:s15], [sflag:$0x2], $0x10, s31, s14, $0xb8;
	[tilespmem:$0x11700] =	vst v63  }
0xed: {  	s28 =	sadd.s32 $0x4480, s25  }
0xee: {  	[spmem:s2] =	stream.indirect.scatter.add.f32 [tilespmem:s16], [sflag:$0x2], $0x10, s28, s14, $0xb8;
	[tilespmem:$0x11700] =	vst v63  }
0xef: {  	s29 =	sadd.s32 $0x4500, s25  }
0xf0: {  	[spmem:s2] =	stream.indirect.scatter.add.f32 [tilespmem:s17], [sflag:$0x2], $0x10, s29, s14, $0xb8;
	[tilespmem:$0x11700] =	vst v63  }
0xf1: {  	s30 =	sadd.s32 $0x4580, s25  }
0xf2: {  	[spmem:s2] =	stream.indirect.scatter.add.f32 [tilespmem:s18], [sflag:$0x2], $0x10, s30, s14, $0xb8;
	[tilespmem:$0x11700] =	vst v63  }
0xf3: {  	s31 =	sadd.s32 $0x4600, s25  }
0xf4: {  	[spmem:s2] =	stream.indirect.scatter.add.f32 [tilespmem:s19], [sflag:$0x2], $0x10, s31, s14, $0xb8;
	[tilespmem:$0x11700] =	vst v63  }
0xf5: {  	s28 =	sadd.s32 $0x4680, s25  }
0xf6: {  	[spmem:s2] =	stream.indirect.scatter.add.f32 [tilespmem:s20], [sflag:$0x2], $0x10, s28, s14, $0xb8;
	[tilespmem:$0x11700] =	vst v63  }
0xf7: {  	s29 =	sadd.s32 $0x4700, s25  }
0xf8: {  	[spmem:s2] =	stream.indirect.scatter.add.f32 [tilespmem:s21], [sflag:$0x2], $0x10, s29, s14, $0xb8;
	[tilespmem:$0x11700] =	vst v63  }
0xf9: {  	s25 =	sadd.s32 $0x4780, s25  }
0xfa: {  	[spmem:s2] =	stream.indirect.scatter.add.f32 [tilespmem:s22], [sflag:$0x2], $0x10, s25, s14, $0xb8;
	[tilespmem:$0x11700] =	vst v63  }
0xfb: {  	_ =	swait.ge [sflag:s24], $0x800  }
0xfc: {  	[sflag:s24] =	ssyncset.done $0x0  }
0xfd: {  	[sflag:s24] =	ssyncadd.s32 $0xFFFFF800  }
0xfe: {  	_ =	swait.ge [sflag:s24], $0x800  }
0xff: {  	[sflag:s24] =	ssyncset.done $0x0  }
0x100: {  	[sflag:s24] =	ssyncadd.s32 $0xFFFFF800  }
0x101: {  	_ =	swait.ge [sflag:s24], $0x800  }
0x102: {  	[sflag:s24] =	ssyncset.done $0x0  }
0x103: {  	[sflag:s24] =	ssyncadd.s32 $0xFFFFF800  }
0x104: {  	_ =	swait.ge [sflag:s24], $0x800  }
0x105: {  	[sflag:s24] =	ssyncset.done $0x0  }
0x106: {  	[sflag:s24] =	ssyncadd.s32 $0xFFFFF800  }
0x107: {  	_ =	swait.ge [sflag:s24], $0x800  }
0x108: {  	[sflag:s24] =	ssyncset.done $0x0  }
0x109: {  	[sflag:s24] =	ssyncadd.s32 $0xFFFFF800  }
0x10a: {  	_ =	swait.ge [sflag:s24], $0x800  }
0x10b: {  	[sflag:s24] =	ssyncset.done $0x0  }
0x10c: {  	[sflag:s24] =	ssyncadd.s32 $0xFFFFF800  }
0x10d: {  	_ =	swait.ge [sflag:s24], $0x800  }
0x10e: {  	[sflag:s24] =	ssyncset.done $0x0  }
0x10f: {  	[sflag:s24] =	ssyncadd.s32 $0xFFFFF800  }
0x110: {  	_ =	swait.ge [sflag:s24], $0x800  }
0x111: {  	s3 =	sadd.s32 $0x1, s3;
	[sflag:s24] =	ssyncset.done $0x0  }
0x112: {  	p0 =	sne.s32 s3, s10;
	s30 =	sshll.u32 s1, $0x6;
	[sflag:s24] =	ssyncadd.s32 $0xFFFFF800  }
0x113: {  	s31 =	sshrl.u32 s6, $0x3;
	s25 =	sor.u32 $0x1C03, s30;
	[bflag:$0x0] =	sbarrier.arrive $0xFFFF  }
0x114: {  	[hbm:s9], [sflag:s25] =	dma.local [spmem:s31], $0x4F0  }
.Ltmp4:
0x115: {  	_ = 	snop;
	(pc) =	sbr.rel @p0 .LBB2_1-.Ltmp4, $4  }
.Ltmp5:
0x116: {  	_ = 	snop;
	(pc) =	sbr.rel @!p0 .LBB2_9-.Ltmp5, $4  }
0x117: {  	_ =	swait.ge [sflag:s12], $0x4F0  }
0x118: {  	[sflag:s12] =	ssyncset.done $0x0  }
0x119: {  	[sflag:s12] =	ssyncadd.s32 $0xFFFFFB10  }
0x11a: {  	_ = 	snop  }
.LBB2_5:
.Ltmp6:
0x11b: {  	(pc) =	sbr.rel .LBB2_8-.Ltmp6, $2  }
0x11c: {  	_ =	sdelay $0x2  }
0x11d: {  	s26 =	simm.s32 $0x1000  }
.LBB2_9:
0x11e: {  	_ =	sfence.sel $0x180000  }
0x11f: {  	[bflag:$0x0] =	sbarrier.arrive $0xFFFF  }
0x120: {  	p0 =	sne.s32 s1, $0x0;
	_ =	strace $0x9000004A  }
0x121: {  	s0 =	sadd.s32 @!p0 $0x100000, s0;
	[bflag:$0x2] =	sbarrier.arrive $0xFFFF  }
0x122: {  	[sflag:s0] =	ssyncadd.tile.s32 @!p0 $0x1;
	_ =	shalt  }
.Lfunc_end2:
_tile_overlayer_lowered:
.L_overlay_start_2:
0x123: {  	(tag) =	ssettag $0x2  }
0x124: {  	s0 =	rddreg [dreg:$0x0];
	s2 =	stileid.u32  }
0x125: {  	s1 =	rddreg [dreg:$0x1];
	p0 =	sne.s32 s2, $0x0  }
0x126: {  	s3 =	rddreg [dreg:$0x2];
	[bflag:$0x3] =	sbarrier.arrive $0xFFFF;
	s2 =	simm.s32 @!p0 $0x1C03  }
0x127: {  	[timem:s3], [sflag:s2] =	dma.local @!p0 [hbm:s0], s1  }
0x128: {  	s0 =	simm.s32 @!p0 $0x3  }
0x129: {  	_ =	swait.ge @!p0 [sflag:s0], s1  }
0x12a: {  	s1 =	ssub.s32 @!p0 $0x0, s1;
	[sflag:s0] =	ssyncset.done @!p0 $0x0  }
0x12b: {  	[sflag:s0] =	ssyncadd.s32 @!p0 s1  }
0x12c: {  	[bflag:$0x3] =	sbarrier.arrive $0xFFFF  }
0x12d: {  	_ =	shalt  }

// kernel: kernel.8.cloned.1.call-start
scs
__scs_entry_jumppad:
0x0: {  	(pc) =	sbr.rel $0x88, $3  }
0x1: {  	(tag) =	ssettag $0x0;
	lr =	simm.s32 $0x1  }
0x2: {  	[smem:$0x3F9D] =	sst lr;
	_ =	strace $0xD0000000  }
0x3: {  	_ = 	snop  }
0x4: {  	_ = 	snop  }
0x5: {  	_ = 	snop  }
0x6: {  	_ = 	snop  }
0x7: {  	_ = 	snop  }
__scs_overlays_trampoline_lowered:
0x8: {  	[smem:$0x3FAC] =	sst s0  }
0x9: {  	[smem:$0x3FAD] =	sst s1  }
0xa: {  	[smem:$0x3FAE] =	sst s2  }
0xb: {  	[smem:$0x3FAF] =	sst s3  }
0xc: {  	[smem:$0x3FB0] =	sst s4  }
0xd: {  	[smem:$0x3FB1] =	sst s5  }
0xe: {  	[smem:$0x3FB2] =	sst s6  }
0xf: {  	[smem:$0x3FB3] =	sst s7  }
0x10: {  	[smem:$0x3FB4] =	sst s8  }
0x11: {  	[smem:$0x3FB5] =	sst s9;
	s0 =	simm.s32 @!p0 $0x0  }
0x12: {  	s1 =	sld [smem:$0x3F9B];
	s0 =	simm.s32 @p0 $0x1  }
0x13: {  	[smem:$0x3FB6] =	sst s0;
	s0 =	simm.s32 @!p1 $0x0  }
0x14: {  	s2 =	sld [smem:$0x3F9A];
	s0 =	simm.s32 @p1 $0x1  }
0x15: {  	[smem:$0x3FB7] =	sst s0;
	s0 =	simm.s32 @!p2 $0x0  }
0x16: {  	s3 =	sld [smem:$0x3FDB];
	s0 =	simm.s32 @p2 $0x1  }
0x17: {  	s4 =	simm.s32 $0x1BF5;
	[smem:$0x3FB9] =	sst s0  }
0x18: {  	s0 =	sld [smem:$0x3F9C];
	_ =	swait.ge [sflag:s4], $0x0  }
0x19: {  	s7 =	sld [smem:$0x3F9D]  }
0x1a: {  	s8 =	sadd.s32 $0xFFFFE003, lr  }
0x1b: {  	s9 =	sadd.s32 $0xFFFFFEF7, lr;
	s5 =	simm.s32 $0xFFFFFFFF;
	p2 =	slt.u32 s8, $0xFFFFF086  }
0x1c: {  	p1 =	slt.u32 s9, $0xF7A;
	s5 =	simm.s32 @!p2 $0x0  }
0x1d: {  	s5 =	simm.s32 @p1 $0x1;
	p0 =	seq.s32 s7, s2  }
0x1e: {  	s7 =	smul.u32 @!p0 $0xF7A, s2;
	p2 =	seq.s32 @!p0 s5, $0x0  }
0x1f: {  	s9 =	smul.u32 $0xF7A, s1;
	s8 =	simm.s32 @!p0 $0x1BF5;
	p2 =	por !p2, p0  }
0x20: {  	[sflag:s8] =	ssyncset.s32 @!p0 $0xFFFFF086;
	s6 =	sadd.s32 @!p0 s3, s7;
	s7 =	simm.s32 @!p0 $0x108  }
0x21: {  	s3 =	sadd.s32 s3, s9;
	s6 =	sadd.s32 @!p0 $0x88, s6;
	s7 =	simm.s32 @p2 $0x1082  }
0x22: {  	[simem:s7], [sflag:s8] =	dma.local @!p0 [hbm:s6], $0xF7A  }
0x23: {  	s9 =	sor.u32 $0xD0000000, s2;
	s6 =	simm.s32 $0x108;
	_ =	swait.ge @!p0 [sflag:s8], $0x0  }
0x24: {  	s3 =	sadd.s32 $0x88, s3;
	s6 =	simm.s32 @!p1 $0x1082;
	[sflag:s4] =	ssyncset.s32 $0xFFFFF086  }
0x25: {  	[simem:s6], [sflag:s4] =	dma.local [hbm:s3], $0xF7A  }
0x26: {  	[smem:$0x3F9D] =	sst s1;
	(tag) =	ssettag s2;
	_ =	strace s9  }
0x27: {  	s1 =	sld [smem:$0x3FAD]  }
0x28: {  	s2 =	sld [smem:$0x3FAE]  }
0x29: {  	s4 =	sld [smem:$0x3FB0]  }
0x2a: {  	p0 =	seq.s32 s5, $0x0;
	s5 =	sld [smem:$0x3FB1]  }
0x2b: {  	s6 =	sld [smem:$0x3FB2]  }
0x2c: {  	s7 =	sld [smem:$0x3FB3]  }
0x2d: {  	s3 =	simm.s32 $0x108;
	s8 =	sld [smem:$0x3FB4]  }
0x2e: {  	s3 =	simm.s32 @!p0 $0x1082;
	s9 =	sld [smem:$0x3FB5]  }
0x2f: {  	lr =	sadd.s32 s0, s3;
	s0 =	sld [smem:$0x3FAC]  }
0x30: {  	s3 =	sld [smem:$0x3FAF]  }
0x31: {  	[smem:$0x3FB8] =	sst s10  }
0x32: {  	s10 =	sld [smem:$0x3FB6];
	_ =	sdelay $0x3  }
0x33: {  	p0 =	seq.s32 s10, $0x1;
	s10 =	sld [smem:$0x3FB8];
	_ =	sdelay $0x3  }
0x34: {  	[smem:$0x3FB8] =	sst s10  }
0x35: {  	s10 =	sld [smem:$0x3FB7];
	_ =	sdelay $0x3  }
0x36: {  	p1 =	seq.s32 s10, $0x1;
	s10 =	sld [smem:$0x3FB8];
	_ =	sdelay $0x3  }
0x37: {  	[smem:$0x3FB8] =	sst s10  }
0x38: {  	s10 =	sld [smem:$0x3FB9]  }
0x39: {  	_ = 	snop;
	(pc) =	sbr.ind lr, $3  }
0x3a: {  	_ = 	snop  }
0x3b: {  	_ = 	snop  }
0x3c: {  	p2 =	seq.s32 s10, $0x1;
	s10 =	sld [smem:$0x3FB8]  }
0x3d: {  	_ =	shalt  }
0x3e: {  	_ =	shalt  }
0x3f: {  	_ =	shalt  }
0x40: {  	_ =	shalt  }
0x41: {  	_ =	shalt  }
0x42: {  	_ =	shalt  }
0x43: {  	_ =	shalt  }
0x44: {  	_ =	shalt  }
0x45: {  	_ =	shalt  }
0x46: {  	_ =	shalt  }
0x47: {  	_ =	shalt  }
0x48: {  	_ =	shalt  }
0x49: {  	_ =	shalt  }
0x4a: {  	_ =	shalt  }
0x4b: {  	_ =	shalt  }
0x4c: {  	_ =	shalt  }
0x4d: {  	_ =	shalt  }
0x4e: {  	_ =	shalt  }
0x4f: {  	_ =	shalt  }
0x50: {  	_ =	shalt  }
0x51: {  	_ =	shalt  }
0x52: {  	_ =	shalt  }
0x53: {  	_ =	shalt  }
0x54: {  	_ =	shalt  }
0x55: {  	_ =	shalt  }
0x56: {  	_ =	shalt  }
0x57: {  	_ =	shalt  }
0x58: {  	_ =	shalt  }
0x59: {  	_ =	shalt  }
0x5a: {  	_ =	shalt  }
0x5b: {  	_ =	shalt  }
0x5c: {  	_ =	shalt  }
0x5d: {  	_ =	shalt  }
0x5e: {  	_ =	shalt  }
0x5f: {  	_ =	shalt  }
0x60: {  	_ =	shalt  }
0x61: {  	_ =	shalt  }
0x62: {  	_ =	shalt  }
0x63: {  	_ =	shalt  }
0x64: {  	_ =	shalt  }
0x65: {  	_ =	shalt  }
0x66: {  	_ =	shalt  }
0x67: {  	_ =	shalt  }
0x68: {  	_ =	shalt  }
0x69: {  	_ =	shalt  }
0x6a: {  	_ =	shalt  }
0x6b: {  	_ =	shalt  }
0x6c: {  	_ =	shalt  }
0x6d: {  	_ =	shalt  }
0x6e: {  	_ =	shalt  }
0x6f: {  	_ =	shalt  }
0x70: {  	_ =	shalt  }
0x71: {  	_ =	shalt  }
0x72: {  	_ =	shalt  }
0x73: {  	_ =	shalt  }
0x74: {  	_ =	shalt  }
0x75: {  	_ =	shalt  }
0x76: {  	_ =	shalt  }
0x77: {  	_ =	shalt  }
0x78: {  	_ =	shalt  }
0x79: {  	_ =	shalt  }
0x7a: {  	_ =	shalt  }
0x7b: {  	_ =	shalt  }
0x7c: {  	_ =	shalt  }
0x7d: {  	_ =	shalt  }
0x7e: {  	_ =	shalt  }
0x7f: {  	_ =	shalt  }
0x80: {  	_ =	shalt  }
0x81: {  	_ =	shalt  }
0x82: {  	_ =	shalt  }
0x83: {  	_ =	shalt  }
0x84: {  	_ =	shalt  }
0x85: {  	_ =	shalt  }
0x86: {  	_ =	shalt  }
0x87: {  	_ =	shalt  }
.Lfunc_end0:
.L_simem_size_0:
called_computation_lowered:
.L_overlay_start_0:
0x88: {  	s2 =	sld [smem:$0x3FD9]  }
0x89: {  	s3 =	sld [smem:$0x3FFE];
	_ =	sdelay $0x1  }
0x8a: {  	s1 =	srdreg.scid  }
0x8b: {  	s0 =	sand.u32 $0x1, s1  }
0x8c: {  	s17 =	sshll.u32 s0, $0xA;
	s2 =	sadd.s32 s3, s2  }
0x8d: {  	s2 =	sadd.s32 s2, s17  }
0x8e: {  	[smem:$0x3FC4] =	sst s2  }
0x8f: {  	_ = 	snop  }
0x90: {  	s2 =	sld [smem:$0x3FD0];
	(tm) =	ssettm $0x1  }
0x91: {  	s18 =	sld [smem:$0x3FFB];
	_ =	sdelay $0x3  }
0x92: {  	_ =	strace s18  }
0x93: {  	s3 =	sld [smem:$0x3FFC];
	_ =	sdelay $0x3  }
0x94: {  	_ =	strace s3  }
0x95: {  	s3 =	sld [smem:$0x3FFD];
	_ =	sdelay $0x3  }
0x96: {  	_ =	strace s3  }
0x97: {  	_ =	strace $0x8FFFFFFF  }
0x98: {  	s19 =	sld [smem:$0x3FDB];
	_ =	sdelay $0x1  }
0x99: {  	s4 =	simm.s32 $_scs_section_size  }
0x9a: {  	s5 =	simm.s32 $_size__tile_overlayer_lowered;
	s6 =	simm.s32 $_tile_overlayer_lowered  }
0x9b: {  	s22 =	simm.s32 $0x1BFF;
	s21 =	sshll.u32 s6, $0x1;
	s3 =	sadd.s32 s4, s19  }
0x9c: {  	s7 =	simm.s32 $0x0;
	s20 =	sshll.u32 s5, $0x1;
	s5 =	sadd.s32 s21, s3  }
0x9d: {  	[timem:s7], [sflag:s22] =	dma.local [hbm:s5], s20  }
0x9e: {  	_ =	swait.ge [sflag:s22], s20  }
0x9f: {  	s4 =	ssub.s32 $0x0, s20;
	[sflag:s22] =	ssyncset.done $0x0  }
0xa0: {  	[sflag:s22] =	ssyncadd.s32 s4;
	_ =	sdelay $0x1  }
0xa1: {  	s23 =	simm.s32 $0x1B8B  }
0xa2: {  	_ =	swait.ge [sflag:s23], $0x1  }
0xa3: {  	[sflag:s23] =	ssyncset.done $0x0  }
0xa4: {  	s25 =	simm.s32 $0x1B8E;
	s24 =	sld [smem:$0x3FFE];
	[sflag:s23] =	ssyncadd.s32 $0xFFFFFFFF  }
0xa5: {  	s26 =	simm.s32 $execute0_lowered;
	[smem:$0x3FD2] =	sst s25  }
0xa6: {  	s5 =	sshll.u32 s26, $0x1;
	_ =	strace $0x80000046;
	[dreg:$0x1] =	wrdreg $0xFFFFFFFF  }
0xa7: {  	s28 =	simm.s32 $_size_execute0_lowered;
	s3 =	sadd.s32 s3, s5;
	[dreg:$0x0] =	wrdreg $0x0  }
0xa8: {  	s5 =	sshll.u32 s28, $0x1;
	[dreg:$0x2] =	wrdreg s3  }
0xa9: {  	[dreg:$0x3] =	wrdreg s5  }
0xaa: {  	[dreg:$0x4] =	wrdreg $0xC0  }
0xab: {  	_ =	task [dreg:s7], $0x5FFFF  }
0xac: {  	[dreg:$0x1] =	wrdreg $0xFFFFFFFF  }
0xad: {  	[dreg:$0x0] =	wrdreg $0x60  }
0xae: {  	[dreg:$0x2] =	wrdreg s24  }
0xaf: {  	[dreg:$0x3] =	wrdreg s2  }
0xb0: {  	[dreg:$0x4] =	wrdreg $0x157000  }
0xb1: {  	[dreg:$0x5] =	wrdreg $0x9  }
0xb2: {  	_ =	task.clear_ibuf [dreg:s7], $0x6FFFF;
	_ =	strace $0x90000046  }
0xb3: {  	s29 =	simm.s32 $0x9;
	_ =	strace $0x80000048  }
0xb4: {  	_ =	swait.ge [sflag:s29], $0x1  }
0xb5: {  	[sflag:s29] =	ssyncadd.s32 $0xFFFFFFFF  }
0xb6: {  	_ =	strace $0x90000048  }
0xb7: {  	_ =	sfence  }
0xb8: {  	s30 =	sld [smem:$0x0];
	_ =	sdelay $0x2  }
0xb9: {  	s31 =	sshll.u32 s1, $0xD;
	s1 =	sshrl.u32 s1, $0x2  }
0xba: {  	s3 =	sand.u32 $0x4000, s31;
	s1 =	sadd.s32 s1, s30  }
0xbb: {  	s0 =	sor.u32 s3, s0;
	s1 =	sshll.u32 s1, $0x11  }
0xbc: {  	s0 =	sor.u32 s1, s0  }
0xbd: {  	s0 =	sadd.s32 $0x8F2B, s0  }
0xbe: {  	[sflag:s0] =	ssyncadd.remote.s32 $0x1  }
0xbf: {  	_ =	sfence.sel $0xFFFF  }
0xc0: {  	[dreg:$0x0] =	wrdreg $0xFFFFFFFF;
	(pc) =	sbr.abs _section_cstart, $3  }
0xc1: {  	[dreg:$0x1] =	wrdreg $0xFFFFFFFF  }
0xc2: {  	_ =	task.clear_ibuf [dreg:s7], $0x2FFFF;
	_ =	strace $0x9FFFFFFF  }
0xc3: {  	(tm) =	ssettm $0x7FFFFFFF  }
tec
execute0_lowered:
.L_overlay_start_1:
0x0: {  	(tag) =	ssettag $0x1  }
0x1: {  	s5 =	rddreg [dreg:$0x0]  }
0x2: {  	s9 =	rddreg [dreg:$0x1]  }
0x3: {  	s2 =	rddreg [dreg:$0x2]  }
0x4: {  	s0 =	rddreg [dreg:$0x3]  }
0x5: {  	s1 =	stileid.u32;
	s4 =	srdreg.scid;
	s3 =	simm.s32 $0x0  }
0x6: {  	s13 =	simm.s32 $0x4400;
	s14 =	simm.s32 $0x80;
	s15 =	simm.s32 $0x8800  }
0x7: {  	s16 =	simm.s32 $0x9800;
	s17 =	simm.s32 $0xA800;
	s18 =	simm.s32 $0xB800  }
0x8: {  	s19 =	simm.s32 $0xC800;
	s20 =	simm.s32 $0xD800;
	s21 =	simm.s32 $0xE800  }
0x9: {  	s22 =	simm.s32 $0xF800;
	s23 =	simm.s32 $0x1;
	s6 =	smul.u32 $0x18, s1  }
0xa: {  	s24 =	simm.s32 $0x2;
	s4 =	sand.u32 $0x1, s4;
	s7 =	smul.u32 $0x88, s1  }
0xb: {  	[smem:$0x7FF] =	sst s3;
	s29 =	smul.u32 $0x4F00, s1;
	p0 =	seq.s32 s4, $0x0  }
0xc: {  	_ =	strace $0x80000047;
	s10 =	smul.u32 $0x4F000, s4;
	s6 =	sadd.s32 $0x880, s6  }
0xd: {  	s8 =	ssub.s32 $0x2, s4;
	s4 =	sadd.s32 $0x400, s5;
	s6 =	smov.u32 @p0 s7  }
0xe: {  	s30 =	sshrl.u32 s8, $0x1;
	s31 =	sadd.s32 s29, s10;
	s6 =	sshll.u32 s6, $0x4  }
0xf: {  	s12 =	ssub.s32 s8, s30;
	s10 =	sshrl.u32 s31, $0x3;
	s11 =	sadd.s32 s6, s5  }
0x10: {  	s5 =	simm.s32 $0x11000;
	s6 =	sadd.s32 s29, s2;
	s9 =	sadd.s32 s9, s10  }
0x11: {  	s10 =	smax.u32 s12, $0x1;
	s12 =	simm.s32 $0x3;
	s5 =	simm.s32 @!p0 $0x3000  }
0x12: {  	v0 =	vimm.f32 $0.0e+00;
	s7 =	sadd.s32 $0x14A00, s11;
	s8 =	sadd.s32 $0xA200, s11;
	s11 =	simm.s32 $0x10800  }
.LBB2_1:
0x13: {  	s25 =	simm.s32 $0x80;
	s26 =	simm.s32 $0x0  }
.LBB2_2:
0x14: {  	p0 =	sne.s32 s25, $0x13B80;
	[tilespmem:s26+$0x10800] =	vst v0;
	s28 =	smov.u32 s25;
	s25 =	sadd.s32 $0x80, s25  }
.Ltmp0:
0x15: {  	[tilespmem:s26+$0x10810] =	vst v0;
	(pc) =	sbr.rel @p0 .LBB2_2-.Ltmp0, $2  }
0x16: {  	_ =	sdelay $0x2  }
0x17: {  	s26 =	sshra.s32 s28, $0x2  }
0x18: {  	[tilespmem:s26+$0x10800] =	vst v0  }
0x19: {  	[tilespmem:s26+$0x10810] =	vst v0  }
0x1a: {  	[spmem:s6] =	stream.linear.scatter [tilespmem:s11], [sflag:$0x3], $0x4F00, $0x38;
	[tilespmem:$0x1A600] =	vst v63  }
0x1b: {  	_ =	swait.ge [sflag:s12], $0x4F00  }
0x1c: {  	[sflag:s12] =	ssyncset.done $0x0  }
0x1d: {  	[sflag:s12] =	ssyncadd.s32 $0xFFFFB100  }
0x1e: {  	s26 =	simm.s32 $0x0;
	[bflag:$0x0] =	sbarrier.arrive $0xFFFF  }
0x1f: {  	[tilespmem:s26], [sflag:$0x3] =	stream.linear.gather [hbm4b:s7+s26], $0x4400, $0x38;
	[tilespmem:$0x1A600] =	vst v63  }
0x20: {  	_ =	swait.ge [sflag:s12], $0x4400  }
0x21: {  	p1 =	sne.s32 s5, $0x1000;
	[sflag:s12] =	ssyncset.done $0x0  }
.Ltmp1:
0x22: {  	[sflag:s12] =	ssyncadd.s32 $0xFFFFBC00;
	(pc) =	sbr.rel @!p1 .LBB2_8-.Ltmp1, $4  }
0x23: {  	[tilespmem:s13], [sflag:$0x3] =	stream.linear.gather [hbm4b:s8+s26], $0x4400, $0x38;
	[tilespmem:$0x1A600] =	vst v63  }
0x24: {  	_ =	swait.ge [sflag:s12], $0x4400  }
0x25: {  	[sflag:s12] =	ssyncset.done $0x0  }
0x26: {  	s25 =	simm.s32 $0x1000;
	p0 =	por $0x0, $0x0;
	[sflag:s12] =	ssyncadd.s32 $0xFFFFBC00  }
0x27: {  	s26 =	simm.s32 $0x0  }
0x28: {  	[tilespmem:s15], [sflag:$0x1] =	stream.indirect.gather [hbm4b:s4+s14], $0x20, s26, s14, $0xb8;
	[tilespmem:$0x1A600] =	vst v63  }
0x29: {  	s29 =	simm.s32 $0x80  }
0x2a: {  	[tilespmem:s16], [sflag:$0x1] =	stream.indirect.gather [hbm4b:s4+s14], $0x20, s29, s14, $0xb8;
	[tilespmem:$0x1A600] =	vst v63  }
0x2b: {  	s30 =	simm.s32 $0x100  }
0x2c: {  	[tilespmem:s17], [sflag:$0x1] =	stream.indirect.gather [hbm4b:s4+s14], $0x20, s30, s14, $0xb8;
	[tilespmem:$0x1A600] =	vst v63  }
0x2d: {  	s31 =	simm.s32 $0x180  }
0x2e: {  	[tilespmem:s18], [sflag:$0x1] =	stream.indirect.gather [hbm4b:s4+s14], $0x20, s31, s14, $0xb8;
	[tilespmem:$0x1A600] =	vst v63  }
0x2f: {  	s28 =	simm.s32 $0x200  }
0x30: {  	[tilespmem:s19], [sflag:$0x1] =	stream.indirect.gather [hbm4b:s4+s14], $0x20, s28, s14, $0xb8;
	[tilespmem:$0x1A600] =	vst v63  }
0x31: {  	s29 =	simm.s32 $0x280  }
0x32: {  	[tilespmem:s20], [sflag:$0x1] =	stream.indirect.gather [hbm4b:s4+s14], $0x20, s29, s14, $0xb8;
	[tilespmem:$0x1A600] =	vst v63  }
0x33: {  	s30 =	simm.s32 $0x300  }
0x34: {  	[tilespmem:s21], [sflag:$0x1] =	stream.indirect.gather [hbm4b:s4+s14], $0x20, s30, s14, $0xb8;
	[tilespmem:$0x1A600] =	vst v63  }
0x35: {  	s31 =	simm.s32 $0x380  }
0x36: {  	[tilespmem:s22], [sflag:$0x1] =	stream.indirect.gather [hbm4b:s4+s14], $0x20, s31, s14, $0xb8;
	[tilespmem:$0x1A600] =	vst v63  }
0x37: {  	_ =	swait.ge [sflag:s23], $0x1000  }
0x38: {  	[sflag:s23] =	ssyncset.done $0x0  }
0x39: {  	[sflag:s23] =	ssyncadd.s32 $0xFFFFF000  }
0x3a: {  	_ =	swait.ge [sflag:s23], $0x1000  }
0x3b: {  	[sflag:s23] =	ssyncset.done $0x0  }
0x3c: {  	[sflag:s23] =	ssyncadd.s32 $0xFFFFF000  }
0x3d: {  	_ =	swait.ge [sflag:s23], $0x1000  }
0x3e: {  	[sflag:s23] =	ssyncset.done $0x0  }
0x3f: {  	[sflag:s23] =	ssyncadd.s32 $0xFFFFF000  }
0x40: {  	_ =	swait.ge [sflag:s23], $0x1000  }
0x41: {  	[sflag:s23] =	ssyncset.done $0x0  }
0x42: {  	[sflag:s23] =	ssyncadd.s32 $0xFFFFF000  }
0x43: {  	_ =	swait.ge [sflag:s23], $0x1000  }
0x44: {  	[sflag:s23] =	ssyncset.done $0x0  }
0x45: {  	[sflag:s23] =	ssyncadd.s32 $0xFFFFF000  }
0x46: {  	_ =	swait.ge [sflag:s23], $0x1000  }
0x47: {  	[sflag:s23] =	ssyncset.done $0x0  }
0x48: {  	[sflag:s23] =	ssyncadd.s32 $0xFFFFF000  }
0x49: {  	_ =	swait.ge [sflag:s23], $0x1000  }
0x4a: {  	[sflag:s23] =	ssyncset.done $0x0  }
0x4b: {  	[sflag:s23] =	ssyncadd.s32 $0xFFFFF000  }
0x4c: {  	_ =	swait.ge [sflag:s23], $0x1000  }
0x4d: {  	[sflag:s23] =	ssyncset.done $0x0  }
0x4e: {  	s28 =	simm.s32 $0x4400;
	[sflag:s23] =	ssyncadd.s32 $0xFFFFF000  }
0x4f: {  	[spmem:s2] =	stream.indirect.scatter.add.f32 [tilespmem:s15], [sflag:$0x2], $0x20, s28, s14, $0xb8;
	[tilespmem:$0x1A600] =	vst v63  }
0x50: {  	s29 =	simm.s32 $0x4480  }
0x51: {  	[spmem:s2] =	stream.indirect.scatter.add.f32 [tilespmem:s16], [sflag:$0x2], $0x20, s29, s14, $0xb8;
	[tilespmem:$0x1A600] =	vst v63  }
0x52: {  	s30 =	simm.s32 $0x4500  }
0x53: {  	[spmem:s2] =	stream.indirect.scatter.add.f32 [tilespmem:s17], [sflag:$0x2], $0x20, s30, s14, $0xb8;
	[tilespmem:$0x1A600] =	vst v63  }
0x54: {  	s31 =	simm.s32 $0x4580  }
0x55: {  	[spmem:s2] =	stream.indirect.scatter.add.f32 [tilespmem:s18], [sflag:$0x2], $0x20, s31, s14, $0xb8;
	[tilespmem:$0x1A600] =	vst v63  }
0x56: {  	s28 =	simm.s32 $0x4600  }
0x57: {  	[spmem:s2] =	stream.indirect.scatter.add.f32 [tilespmem:s19], [sflag:$0x2], $0x20, s28, s14, $0xb8;
	[tilespmem:$0x1A600] =	vst v63  }
0x58: {  	s29 =	simm.s32 $0x4680  }
0x59: {  	[spmem:s2] =	stream.indirect.scatter.add.f32 [tilespmem:s20], [sflag:$0x2], $0x20, s29, s14, $0xb8;
	[tilespmem:$0x1A600] =	vst v63  }
0x5a: {  	s30 =	simm.s32 $0x4700  }
0x5b: {  	[spmem:s2] =	stream.indirect.scatter.add.f32 [tilespmem:s21], [sflag:$0x2], $0x20, s30, s14, $0xb8;
	[tilespmem:$0x1A600] =	vst v63  }
0x5c: {  	s31 =	simm.s32 $0x4780  }
0x5d: {  	[spmem:s2] =	stream.indirect.scatter.add.f32 [tilespmem:s22], [sflag:$0x2], $0x20, s31, s14, $0xb8;
	[tilespmem:$0x1A600] =	vst v63  }
0x5e: {  	_ =	swait.ge [sflag:s24], $0x1000  }
0x5f: {  	[sflag:s24] =	ssyncset.done $0x0  }
0x60: {  	[sflag:s24] =	ssyncadd.s32 $0xFFFFF000  }
0x61: {  	_ =	swait.ge [sflag:s24], $0x1000  }
0x62: {  	[sflag:s24] =	ssyncset.done $0x0  }
0x63: {  	[sflag:s24] =	ssyncadd.s32 $0xFFFFF000  }
0x64: {  	_ =	swait.ge [sflag:s24], $0x1000  }
0x65: {  	[sflag:s24] =	ssyncset.done $0x0  }
0x66: {  	[sflag:s24] =	ssyncadd.s32 $0xFFFFF000  }
0x67: {  	_ =	swait.ge [sflag:s24], $0x1000  }
0x68: {  	[sflag:s24] =	ssyncset.done $0x0  }
0x69: {  	[sflag:s24] =	ssyncadd.s32 $0xFFFFF000  }
0x6a: {  	_ =	swait.ge [sflag:s24], $0x1000  }
0x6b: {  	[sflag:s24] =	ssyncset.done $0x0  }
0x6c: {  	[sflag:s24] =	ssyncadd.s32 $0xFFFFF000  }
0x6d: {  	_ =	swait.ge [sflag:s24], $0x1000  }
0x6e: {  	[sflag:s24] =	ssyncset.done $0x0  }
0x6f: {  	p1 =	sne.s32 s5, $0x2000;
	[sflag:s24] =	ssyncadd.s32 $0xFFFFF000  }
.Ltmp2:
0x70: {  	_ =	swait.ge [sflag:s24], $0x1000;
	(pc) =	sbr.rel @!p1 .LBB2_5-.Ltmp2, $4  }
0x71: {  	[sflag:s24] =	ssyncset.done $0x0  }
0x72: {  	[sflag:s24] =	ssyncadd.s32 $0xFFFFF000  }
0x73: {  	_ =	swait.ge [sflag:s24], $0x1000  }
0x74: {  	p0 =	por $0x1, $0x1;
	s26 =	simm.s32 $0x2000;
	[sflag:s24] =	ssyncset.done $0x0  }
.LBB2_6:
0x75: {  	s28 =	sshra.s32 s25, $0x2  }
0x76: {  	[sflag:s24] =	ssyncadd.s32 $0xFFFFF000;
	s25 =	smov.u32 s26;
	s26 =	sadd.s32 $0x1000, s26  }
0x77: {  	[tilespmem:s15], [sflag:$0x1] =	stream.indirect.gather [hbm4b:s4+s14], $0x20, s28, s14, $0xb8;
	[tilespmem:$0x1A600] =	vst v63  }
0x78: {  	p1 =	sne.s32 s5, s26;
	s29 =	sadd.s32 $0x80, s28  }
0x79: {  	[tilespmem:s16], [sflag:$0x1] =	stream.indirect.gather [hbm4b:s4+s14], $0x20, s29, s14, $0xb8;
	[tilespmem:$0x1A600] =	vst v63  }
0x7a: {  	s29 =	sadd.s32 $0x100, s28  }
0x7b: {  	[tilespmem:s17], [sflag:$0x1] =	stream.indirect.gather [hbm4b:s4+s14], $0x20, s29, s14, $0xb8;
	[tilespmem:$0x1A600] =	vst v63  }
0x7c: {  	s29 =	sadd.s32 $0x180, s28  }
0x7d: {  	[tilespmem:s18], [sflag:$0x1] =	stream.indirect.gather [hbm4b:s4+s14], $0x20, s29, s14, $0xb8;
	[tilespmem:$0x1A600] =	vst v63  }
0x7e: {  	s29 =	sadd.s32 $0x200, s28  }
0x7f: {  	[tilespmem:s19], [sflag:$0x1] =	stream.indirect.gather [hbm4b:s4+s14], $0x20, s29, s14, $0xb8;
	[tilespmem:$0x1A600] =	vst v63  }
0x80: {  	s29 =	sadd.s32 $0x280, s28  }
0x81: {  	[tilespmem:s20], [sflag:$0x1] =	stream.indirect.gather [hbm4b:s4+s14], $0x20, s29, s14, $0xb8;
	[tilespmem:$0x1A600] =	vst v63  }
0x82: {  	s29 =	sadd.s32 $0x300, s28  }
0x83: {  	[tilespmem:s21], [sflag:$0x1] =	stream.indirect.gather [hbm4b:s4+s14], $0x20, s29, s14, $0xb8;
	[tilespmem:$0x1A600] =	vst v63  }
0x84: {  	s29 =	sadd.s32 $0x380, s28  }
0x85: {  	[tilespmem:s22], [sflag:$0x1] =	stream.indirect.gather [hbm4b:s4+s14], $0x20, s29, s14, $0xb8;
	[tilespmem:$0x1A600] =	vst v63  }
0x86: {  	_ =	swait.ge [sflag:s23], $0x1000  }
0x87: {  	[sflag:s23] =	ssyncset.done $0x0  }
0x88: {  	[sflag:s23] =	ssyncadd.s32 $0xFFFFF000  }
0x89: {  	_ =	swait.ge [sflag:s23], $0x1000  }
0x8a: {  	[sflag:s23] =	ssyncset.done $0x0  }
0x8b: {  	[sflag:s23] =	ssyncadd.s32 $0xFFFFF000  }
0x8c: {  	_ =	swait.ge [sflag:s23], $0x1000  }
0x8d: {  	[sflag:s23] =	ssyncset.done $0x0  }
0x8e: {  	[sflag:s23] =	ssyncadd.s32 $0xFFFFF000  }
0x8f: {  	_ =	swait.ge [sflag:s23], $0x1000  }
0x90: {  	[sflag:s23] =	ssyncset.done $0x0  }
0x91: {  	[sflag:s23] =	ssyncadd.s32 $0xFFFFF000  }
0x92: {  	_ =	swait.ge [sflag:s23], $0x1000  }
0x93: {  	[sflag:s23] =	ssyncset.done $0x0  }
0x94: {  	[sflag:s23] =	ssyncadd.s32 $0xFFFFF000  }
0x95: {  	_ =	swait.ge [sflag:s23], $0x1000  }
0x96: {  	[sflag:s23] =	ssyncset.done $0x0  }
0x97: {  	[sflag:s23] =	ssyncadd.s32 $0xFFFFF000  }
0x98: {  	_ =	swait.ge [sflag:s23], $0x1000  }
0x99: {  	[sflag:s23] =	ssyncset.done $0x0  }
0x9a: {  	[sflag:s23] =	ssyncadd.s32 $0xFFFFF000  }
0x9b: {  	_ =	swait.ge [sflag:s23], $0x1000  }
0x9c: {  	[sflag:s23] =	ssyncset.done $0x0  }
0x9d: {  	s29 =	sadd.s32 $0x4400, s28;
	[sflag:s23] =	ssyncadd.s32 $0xFFFFF000  }
0x9e: {  	[spmem:s2] =	stream.indirect.scatter.add.f32 [tilespmem:s15], [sflag:$0x2], $0x20, s29, s14, $0xb8;
	[tilespmem:$0x1A600] =	vst v63  }
0x9f: {  	s29 =	sadd.s32 $0x4480, s28  }
0xa0: {  	[spmem:s2] =	stream.indirect.scatter.add.f32 [tilespmem:s16], [sflag:$0x2], $0x20, s29, s14, $0xb8;
	[tilespmem:$0x1A600] =	vst v63  }
0xa1: {  	s29 =	sadd.s32 $0x4500, s28  }
0xa2: {  	[spmem:s2] =	stream.indirect.scatter.add.f32 [tilespmem:s17], [sflag:$0x2], $0x20, s29, s14, $0xb8;
	[tilespmem:$0x1A600] =	vst v63  }
0xa3: {  	s29 =	sadd.s32 $0x4580, s28  }
0xa4: {  	[spmem:s2] =	stream.indirect.scatter.add.f32 [tilespmem:s18], [sflag:$0x2], $0x20, s29, s14, $0xb8;
	[tilespmem:$0x1A600] =	vst v63  }
0xa5: {  	s29 =	sadd.s32 $0x4600, s28  }
0xa6: {  	[spmem:s2] =	stream.indirect.scatter.add.f32 [tilespmem:s19], [sflag:$0x2], $0x20, s29, s14, $0xb8;
	[tilespmem:$0x1A600] =	vst v63  }
0xa7: {  	s29 =	sadd.s32 $0x4680, s28  }
0xa8: {  	[spmem:s2] =	stream.indirect.scatter.add.f32 [tilespmem:s20], [sflag:$0x2], $0x20, s29, s14, $0xb8;
	[tilespmem:$0x1A600] =	vst v63  }
0xa9: {  	s29 =	sadd.s32 $0x4700, s28  }
0xaa: {  	[spmem:s2] =	stream.indirect.scatter.add.f32 [tilespmem:s21], [sflag:$0x2], $0x20, s29, s14, $0xb8;
	[tilespmem:$0x1A600] =	vst v63  }
0xab: {  	s28 =	sadd.s32 $0x4780, s28  }
0xac: {  	[spmem:s2] =	stream.indirect.scatter.add.f32 [tilespmem:s22], [sflag:$0x2], $0x20, s28, s14, $0xb8;
	[tilespmem:$0x1A600] =	vst v63  }
0xad: {  	_ =	swait.ge [sflag:s24], $0x1000  }
0xae: {  	[sflag:s24] =	ssyncset.done $0x0  }
0xaf: {  	[sflag:s24] =	ssyncadd.s32 $0xFFFFF000  }
0xb0: {  	_ =	swait.ge [sflag:s24], $0x1000  }
0xb1: {  	[sflag:s24] =	ssyncset.done $0x0  }
0xb2: {  	[sflag:s24] =	ssyncadd.s32 $0xFFFFF000  }
0xb3: {  	_ =	swait.ge [sflag:s24], $0x1000  }
0xb4: {  	[sflag:s24] =	ssyncset.done $0x0  }
0xb5: {  	[sflag:s24] =	ssyncadd.s32 $0xFFFFF000  }
0xb6: {  	_ =	swait.ge [sflag:s24], $0x1000  }
0xb7: {  	[sflag:s24] =	ssyncset.done $0x0  }
0xb8: {  	[sflag:s24] =	ssyncadd.s32 $0xFFFFF000  }
0xb9: {  	_ =	swait.ge [sflag:s24], $0x1000  }
0xba: {  	[sflag:s24] =	ssyncset.done $0x0  }
0xbb: {  	[sflag:s24] =	ssyncadd.s32 $0xFFFFF000  }
0xbc: {  	_ =	swait.ge [sflag:s24], $0x1000  }
0xbd: {  	[sflag:s24] =	ssyncset.done $0x0  }
0xbe: {  	[sflag:s24] =	ssyncadd.s32 $0xFFFFF000  }
.Ltmp3:
0xbf: {  	_ =	swait.ge [sflag:s24], $0x1000;
	(pc) =	sbr.rel @p1 .LBB2_6-.Ltmp3, $4  }
0xc0: {  	[sflag:s24] =	ssyncset.done $0x0  }
0xc1: {  	[sflag:s24] =	ssyncadd.s32 $0xFFFFF000  }
0xc2: {  	_ =	swait.ge [sflag:s24], $0x1000  }
0xc3: {  	[sflag:s24] =	ssyncset.done $0x0  }
0xc4: {  	s26 =	smov.u32 s25  }
.LBB2_8:
0xc5: {  	s25 =	sshra.s32 s26, $0x2;
	[sflag:s24] =	ssyncadd.s32 @p0 $0xFFFFF000  }
0xc6: {  	[tilespmem:s15], [sflag:$0x1] =	stream.indirect.gather [hbm4b:s4+s14], $0x20, s25, s14, $0xb8;
	[tilespmem:$0x1A600] =	vst v63  }
0xc7: {  	s26 =	sadd.s32 $0x80, s25  }
0xc8: {  	[tilespmem:s16], [sflag:$0x1] =	stream.indirect.gather [hbm4b:s4+s14], $0x20, s26, s14, $0xb8;
	[tilespmem:$0x1A600] =	vst v63  }
0xc9: {  	s29 =	sadd.s32 $0x100, s25  }
0xca: {  	[tilespmem:s17], [sflag:$0x1] =	stream.indirect.gather [hbm4b:s4+s14], $0x20, s29, s14, $0xb8;
	[tilespmem:$0x1A600] =	vst v63  }
0xcb: {  	s30 =	sadd.s32 $0x180, s25  }
0xcc: {  	[tilespmem:s18], [sflag:$0x1] =	stream.indirect.gather [hbm4b:s4+s14], $0x20, s30, s14, $0xb8;
	[tilespmem:$0x1A600] =	vst v63  }
0xcd: {  	s31 =	sadd.s32 $0x200, s25  }
0xce: {  	[tilespmem:s19], [sflag:$0x1] =	stream.indirect.gather [hbm4b:s4+s14], $0x20, s31, s14, $0xb8;
	[tilespmem:$0x1A600] =	vst v63  }
0xcf: {  	s28 =	sadd.s32 $0x280, s25  }
0xd0: {  	[tilespmem:s20], [sflag:$0x1] =	stream.indirect.gather [hbm4b:s4+s14], $0x20, s28, s14, $0xb8;
	[tilespmem:$0x1A600] =	vst v63  }
0xd1: {  	s29 =	sadd.s32 $0x300, s25  }
0xd2: {  	[tilespmem:s21], [sflag:$0x1] =	stream.indirect.gather [hbm4b:s4+s14], $0x20, s29, s14, $0xb8;
	[tilespmem:$0x1A600] =	vst v63  }
0xd3: {  	s30 =	sadd.s32 $0x380, s25  }
0xd4: {  	[tilespmem:s22], [sflag:$0x1] =	stream.indirect.gather [hbm4b:s4+s14], $0x20, s30, s14, $0xb8;
	[tilespmem:$0x1A600] =	vst v63  }
0xd5: {  	_ =	swait.ge [sflag:s23], $0x1000  }
0xd6: {  	[sflag:s23] =	ssyncset.done $0x0  }
0xd7: {  	[sflag:s23] =	ssyncadd.s32 $0xFFFFF000  }
0xd8: {  	_ =	swait.ge [sflag:s23], $0x1000  }
0xd9: {  	[sflag:s23] =	ssyncset.done $0x0  }
0xda: {  	[sflag:s23] =	ssyncadd.s32 $0xFFFFF000  }
0xdb: {  	_ =	swait.ge [sflag:s23], $0x1000  }
0xdc: {  	[sflag:s23] =	ssyncset.done $0x0  }
0xdd: {  	[sflag:s23] =	ssyncadd.s32 $0xFFFFF000  }
0xde: {  	_ =	swait.ge [sflag:s23], $0x1000  }
0xdf: {  	[sflag:s23] =	ssyncset.done $0x0  }
0xe0: {  	[sflag:s23] =	ssyncadd.s32 $0xFFFFF000  }
0xe1: {  	_ =	swait.ge [sflag:s23], $0x1000  }
0xe2: {  	[sflag:s23] =	ssyncset.done $0x0  }
0xe3: {  	[sflag:s23] =	ssyncadd.s32 $0xFFFFF000  }
0xe4: {  	_ =	swait.ge [sflag:s23], $0x1000  }
0xe5: {  	[sflag:s23] =	ssyncset.done $0x0  }
0xe6: {  	[sflag:s23] =	ssyncadd.s32 $0xFFFFF000  }
0xe7: {  	_ =	swait.ge [sflag:s23], $0x1000  }
0xe8: {  	[sflag:s23] =	ssyncset.done $0x0  }
0xe9: {  	[sflag:s23] =	ssyncadd.s32 $0xFFFFF000  }
0xea: {  	_ =	swait.ge [sflag:s23], $0x1000  }
0xeb: {  	[sflag:s23] =	ssyncset.done $0x0  }
0xec: {  	s31 =	sadd.s32 $0x4400, s25;
	[sflag:s23] =	ssyncadd.s32 $0xFFFFF000  }
0xed: {  	[spmem:s2] =	stream.indirect.scatter.add.f32 [tilespmem:s15], [sflag:$0x2], $0x20, s31, s14, $0xb8;
	[tilespmem:$0x1A600] =	vst v63  }
0xee: {  	s28 =	sadd.s32 $0x4480, s25  }
0xef: {  	[spmem:s2] =	stream.indirect.scatter.add.f32 [tilespmem:s16], [sflag:$0x2], $0x20, s28, s14, $0xb8;
	[tilespmem:$0x1A600] =	vst v63  }
0xf0: {  	s29 =	sadd.s32 $0x4500, s25  }
0xf1: {  	[spmem:s2] =	stream.indirect.scatter.add.f32 [tilespmem:s17], [sflag:$0x2], $0x20, s29, s14, $0xb8;
	[tilespmem:$0x1A600] =	vst v63  }
0xf2: {  	s30 =	sadd.s32 $0x4580, s25  }
0xf3: {  	[spmem:s2] =	stream.indirect.scatter.add.f32 [tilespmem:s18], [sflag:$0x2], $0x20, s30, s14, $0xb8;
	[tilespmem:$0x1A600] =	vst v63  }
0xf4: {  	s31 =	sadd.s32 $0x4600, s25  }
0xf5: {  	[spmem:s2] =	stream.indirect.scatter.add.f32 [tilespmem:s19], [sflag:$0x2], $0x20, s31, s14, $0xb8;
	[tilespmem:$0x1A600] =	vst v63  }
0xf6: {  	s28 =	sadd.s32 $0x4680, s25  }
0xf7: {  	[spmem:s2] =	stream.indirect.scatter.add.f32 [tilespmem:s20], [sflag:$0x2], $0x20, s28, s14, $0xb8;
	[tilespmem:$0x1A600] =	vst v63  }
0xf8: {  	s29 =	sadd.s32 $0x4700, s25  }
0xf9: {  	[spmem:s2] =	stream.indirect.scatter.add.f32 [tilespmem:s21], [sflag:$0x2], $0x20, s29, s14, $0xb8;
	[tilespmem:$0x1A600] =	vst v63  }
0xfa: {  	s25 =	sadd.s32 $0x4780, s25  }
0xfb: {  	[spmem:s2] =	stream.indirect.scatter.add.f32 [tilespmem:s22], [sflag:$0x2], $0x20, s25, s14, $0xb8;
	[tilespmem:$0x1A600] =	vst v63  }
0xfc: {  	_ =	swait.ge [sflag:s24], $0x1000  }
0xfd: {  	[sflag:s24] =	ssyncset.done $0x0  }
0xfe: {  	[sflag:s24] =	ssyncadd.s32 $0xFFFFF000  }
0xff: {  	_ =	swait.ge [sflag:s24], $0x1000  }
0x100: {  	[sflag:s24] =	ssyncset.done $0x0  }
0x101: {  	[sflag:s24] =	ssyncadd.s32 $0xFFFFF000  }
0x102: {  	_ =	swait.ge [sflag:s24], $0x1000  }
0x103: {  	[sflag:s24] =	ssyncset.done $0x0  }
0x104: {  	[sflag:s24] =	ssyncadd.s32 $0xFFFFF000  }
0x105: {  	_ =	swait.ge [sflag:s24], $0x1000  }
0x106: {  	[sflag:s24] =	ssyncset.done $0x0  }
0x107: {  	[sflag:s24] =	ssyncadd.s32 $0xFFFFF000  }
0x108: {  	_ =	swait.ge [sflag:s24], $0x1000  }
0x109: {  	[sflag:s24] =	ssyncset.done $0x0  }
0x10a: {  	[sflag:s24] =	ssyncadd.s32 $0xFFFFF000  }
0x10b: {  	_ =	swait.ge [sflag:s24], $0x1000  }
0x10c: {  	[sflag:s24] =	ssyncset.done $0x0  }
0x10d: {  	[sflag:s24] =	ssyncadd.s32 $0xFFFFF000  }
0x10e: {  	_ =	swait.ge [sflag:s24], $0x1000  }
0x10f: {  	[sflag:s24] =	ssyncset.done $0x0  }
0x110: {  	[sflag:s24] =	ssyncadd.s32 $0xFFFFF000  }
0x111: {  	_ =	swait.ge [sflag:s24], $0x1000  }
0x112: {  	s3 =	sadd.s32 $0x1, s3;
	[sflag:s24] =	ssyncset.done $0x0  }
0x113: {  	p0 =	sne.s32 s3, s10;
	s30 =	sshll.u32 s1, $0x6;
	[sflag:s24] =	ssyncadd.s32 $0xFFFFF000  }
0x114: {  	s31 =	sshrl.u32 s6, $0x3;
	s25 =	sor.u32 $0x1C03, s30;
	[bflag:$0x0] =	sbarrier.arrive $0xFFFF  }
0x115: {  	[hbm:s9], [sflag:s25] =	dma.local [spmem:s31], $0x9E0  }
.Ltmp4:
0x116: {  	_ = 	snop;
	(pc) =	sbr.rel @p0 .LBB2_1-.Ltmp4, $4  }
.Ltmp5:
0x117: {  	_ = 	snop;
	(pc) =	sbr.rel @!p0 .LBB2_9-.Ltmp5, $4  }
0x118: {  	_ =	swait.ge [sflag:s12], $0x9E0  }
0x119: {  	[sflag:s12] =	ssyncset.done $0x0  }
0x11a: {  	[sflag:s12] =	ssyncadd.s32 $0xFFFFF620  }
0x11b: {  	_ = 	snop  }
.LBB2_5:
.Ltmp6:
0x11c: {  	(pc) =	sbr.rel .LBB2_8-.Ltmp6, $2  }
0x11d: {  	_ =	sdelay $0x2  }
0x11e: {  	s26 =	simm.s32 $0x1000  }
.LBB2_9:
0x11f: {  	_ =	sfence.sel $0x180000  }
0x120: {  	[bflag:$0x0] =	sbarrier.arrive $0xFFFF  }
0x121: {  	p0 =	sne.s32 s1, $0x0;
	_ =	strace $0x90000047  }
0x122: {  	s0 =	sadd.s32 @!p0 $0x100000, s0;
	[bflag:$0x2] =	sbarrier.arrive $0xFFFF  }
0x123: {  	[sflag:s0] =	ssyncadd.tile.s32 @!p0 $0x1;
	_ =	shalt  }
.Lfunc_end2:
_tile_overlayer_lowered:
.L_overlay_start_2:
0x124: {  	(tag) =	ssettag $0x2  }
0x125: {  	s0 =	rddreg [dreg:$0x0];
	s2 =	stileid.u32  }
0x126: {  	s1 =	rddreg [dreg:$0x1];
	p0 =	sne.s32 s2, $0x0  }
0x127: {  	s3 =	rddreg [dreg:$0x2];
	[bflag:$0x3] =	sbarrier.arrive $0xFFFF;
	s2 =	simm.s32 @!p0 $0x1C03  }
0x128: {  	[timem:s3], [sflag:s2] =	dma.local @!p0 [hbm:s0], s1  }
0x129: {  	s0 =	simm.s32 @!p0 $0x3  }
0x12a: {  	_ =	swait.ge @!p0 [sflag:s0], s1  }
0x12b: {  	s1 =	ssub.s32 @!p0 $0x0, s1;
	[sflag:s0] =	ssyncset.done @!p0 $0x0  }
0x12c: {  	[sflag:s0] =	ssyncadd.s32 @!p0 s1  }
0x12d: {  	[bflag:$0x3] =	sbarrier.arrive $0xFFFF  }
0x12e: {  	_ =	shalt  }

</sc_bundles>
